<compile_context>
chip_gen: v7x
topology: tpu7x:2x2x1
jax: 0.10.2.dev20260603
libtpu: 0.0.44.dev20260713+nightly
codegen_flags: <defaults>
</compile_context>

<pallas_src>
import functools

import jax
import jax.numpy as jnp
from jax import lax
from jax.experimental import pallas as pl
from jax.experimental.pallas import tpu as pltpu
from jax.experimental.pallas import tpu_sc as plsc

MAX_LETTERS = 20
HIDDEN = 128

NUM_CORES = 2
NUM_SUBCORES = 16
NUM_WORKERS = NUM_CORES * NUM_SUBCORES

CHUNK_W = 20
CHUNK_I = CHUNK_W * MAX_LETTERS
PAIR_W = 2 * CHUNK_W
PAIR_I = 2 * CHUNK_I
SUB = 100
NSUB = CHUNK_I // SUB
REGION = 2 * PAIR_W


def _sc_embed(ids_pairs, tri_table, pos_rep, widx_pat, total_words):
    words_per_worker = total_words // NUM_WORKERS
    pairs = words_per_worker // PAIR_W
    mesh = plsc.VectorSubcoreMesh(core_axis_name="c", subcore_axis_name="s")

    @functools.partial(
        pl.kernel,
        mesh=mesh,
        out_type=jax.ShapeDtypeStruct((total_words, HIDDEN), jnp.float32),
        scratch_types=[
            pltpu.VMEM((2 * NSUB, SUB), jnp.int32),
            pltpu.VMEM((2 * NSUB, SUB), jnp.int32),
            pltpu.VMEM((2, CHUNK_I, HIDDEN), jnp.float32),
            pltpu.VMEM_SHARED((NUM_SUBCORES * REGION, HIDDEN), jnp.float32),
            pltpu.VMEM((NSUB, SUB), jnp.int32),
            pltpu.VMEM((NSUB, SUB), jnp.int32),
            pltpu.VMEM((NSUB, SUB), jnp.int32),
            pltpu.VMEM((NSUB, SUB), jnp.int32),
            pltpu.SemaphoreType.DMA,
            pltpu.SemaphoreType.DMA,
            pltpu.SemaphoreType.DMA,
        ],
    )
    def k(ids_hbm, tri_hbm, pos_hbm, widx_hbm, out_hbm,
          idxp0, idxp1, rows_v, accum_sh, w00, w01, w10, w11,
          semg0, semg1, semo):
        idx_v = (idxp0, idxp1)
        widx = ((w00, w01), (w10, w11))
        cid = lax.axis_index("c")
        sid = lax.axis_index("s")
        wid = sid * NUM_CORES + cid
        word_base = wid * words_per_worker
        pair_base = wid * pairs
        abase = sid * REGION
        region = (accum_sh.at[pl.ds(abase, PAIR_W)],
                  accum_sh.at[pl.ds(abase + PAIR_W, PAIR_W)])
        semg = (semg0, semg1)

        def start_gather(pp, b):
            for s in range(NSUB):
                pltpu.async_copy(
                    tri_hbm.at[idx_v[pp].at[b * NSUB + s]],
                    rows_v.at[b].at[pl.ds(s * SUB, SUB)], semg[b])

        def wait_gather(pp, b):
            for s in range(NSUB):
                pltpu.make_async_copy(
                    tri_hbm.at[idx_v[pp].at[b * NSUB + s]],
                    rows_v.at[b].at[pl.ds(s * SUB, SUB)], semg[b]).wait()

        def scatter(pp, b):
            for s in range(NSUB):
                pltpu.sync_copy(rows_v.at[b].at[pl.ds(s * SUB, SUB)],
                                accum_sh.at[widx[pp][b].at[s]], add=True)

        for pp in range(2):
            for b in range(2):
                pltpu.sync_copy(widx_hbm.at[sid].at[pp].at[b], widx[pp][b])
        pltpu.sync_copy(ids_hbm.at[pair_base], idx_v[0])
        start_gather(0, 0)

        def do_pair(j, pp):
            @pl.when(j + 1 < pairs)
            def _():
                pltpu.sync_copy(ids_hbm.at[pair_base + j + 1], idx_v[pp ^ 1])
            wait_gather(pp, 0)
            start_gather(pp, 1)
            @pl.when(j >= 2)
            def _():
                pltpu.make_async_copy(
                    region[pp],
                    out_hbm.at[pl.ds(word_base + (j - 2) * PAIR_W, PAIR_W)],
                    semo).wait()
            pltpu.sync_copy(pos_hbm, region[pp])
            scatter(pp, 0)
            @pl.when(j >= 1)
            def _():
                pltpu.async_copy(
                    region[pp ^ 1],
                    out_hbm.at[pl.ds(word_base + (j - 1) * PAIR_W, PAIR_W)],
                    semo)
            wait_gather(pp, 1)
            @pl.when(j + 1 < pairs)
            def _():
                start_gather(pp ^ 1, 0)
            scatter(pp, 1)

        @pl.loop(0, pairs, step=2)
        def _(jj):
            do_pair(jj, 0)
            do_pair(jj + 1, 1)

        pltpu.make_async_copy(
            region[0],
            out_hbm.at[pl.ds(word_base + (pairs - 2) * PAIR_W, PAIR_W)],
            semo).wait()
        pltpu.sync_copy(pos_hbm, region[0])
        pltpu.sync_copy(pos_hbm, region[0])
        pltpu.sync_copy(
            region[1],
            out_hbm.at[pl.ds(word_base + (pairs - 1) * PAIR_W, PAIR_W)])

    return k(ids_pairs, tri_table, pos_rep, widx_pat)


def kernel(input_ids, tri_table, pos_table):
    batch = input_ids.shape[0]
    seq_len = input_ids.shape[1] // MAX_LETTERS
    total_words = batch * seq_len

    ids_pairs = input_ids.reshape(-1, 2 * NSUB, SUB)
    pos_rep = jnp.tile(pos_table[1:seq_len + 1], (PAIR_W // seq_len, 1))
    base = jnp.arange(CHUNK_I, dtype=jnp.int32) // MAX_LETTERS
    widx_pat = (jnp.arange(NUM_SUBCORES, dtype=jnp.int32)[:, None, None, None]
                * REGION
                + jnp.arange(2, dtype=jnp.int32)[None, :, None, None] * PAIR_W
                + jnp.arange(2, dtype=jnp.int32)[None, None, :, None] * CHUNK_W
                + base.reshape(1, 1, 1, CHUNK_I)
                ).reshape(NUM_SUBCORES, 2, 2, NSUB, SUB)

    out = _sc_embed(ids_pairs, tri_table, pos_rep, widx_pat, total_words)
    return out.reshape(batch, seq_len, HIDDEN)

# --- scband reference (transcript-rebuilt; emitter-appended) ---
"""Pipeline reference for scband-triletter-embeddings-87952340288223 (READ-ONLY COPY).

The authoritative reference and input builder live on the scoring server;
editing this copy changes nothing except your own understanding.
"""

import jax, jax.numpy as jnp
import numpy as np

MAX_LETTERS = 20
VOCAB = 100000
HIDDEN = 128
MAX_POS = 50
BATCH = 4096
SEQ_WORDS = 20

def setup_inputs(seed: int = 0):
    key = jax.random.key(seed)
    k1, k2, k3 = jax.random.split(key, 3)
    input_ids = jax.random.randint(k1, (BATCH, SEQ_WORDS * MAX_LETTERS), 0, VOCAB + 1, dtype=jnp.int32)
    tri_table = jax.random.normal(k2, (VOCAB + 1, HIDDEN), dtype=jnp.float32) * 0.02
    tri_table = tri_table.at[0].set(0.0)  # padding_idx=0
    pos_table = jax.random.normal(k3, (MAX_POS + 1, HIDDEN), dtype=jnp.float32) * 0.02
    pos_table = pos_table.at[0].set(0.0)  # padding_idx=0
    return {"input_ids": input_ids, "tri_table": tri_table, "pos_table": pos_table}

def reference(input_ids, tri_table, pos_table):
    batch = input_ids.shape[0]
    seq_len = input_ids.shape[1] // MAX_LETTERS
    position_ids = jnp.arange(seq_len, dtype=jnp.int32) + 1
    position_ids = jnp.broadcast_to(position_ids[None, :], (batch, seq_len))
    position_embeddings = jnp.take(pos_table, position_ids, axis=0)
    embeddings = jnp.take(tri_table, input_ids, axis=0)
    embeddings = embeddings.reshape(-1, seq_len, MAX_LETTERS, embeddings.shape[-1])
    embeddings = embeddings.sum(axis=2).reshape(-1, seq_len, embeddings.shape[-1])
    embeddings = embeddings + position_embeddings
    return embeddings

if __name__ == "__main__":
    import jax
    _d = setup_inputs()
    print(jax.jit(kernel)(*tuple(_d.values())))

</pallas_src>

<mosaic_0001>
#map = affine_map<(d0, d1) -> (0, 0, 0)>
#map1 = affine_map<(d0, d1) -> (0, 0)>
#map2 = affine_map<(d0, d1) -> (0, 0, 0, 0, 0)>
module attributes {stable_mosaic.version = 14 : i64} {
  func.func @k(%arg0: i32, %arg1: i32, %arg2: memref<2048x8x100xi32, #tpu.memory_space<hbm>>, %arg3: memref<100001x128xf32, #tpu.memory_space<hbm>>, %arg4: memref<40x128xf32, #tpu.memory_space<hbm>>, %arg5: memref<16x2x2x4x100xi32, #tpu.memory_space<hbm>>, %arg6: memref<81920x128xf32, #tpu.memory_space<hbm>>, %arg7: memref<8x100xi32, #tpu.memory_space<vmem>>, %arg8: memref<8x100xi32, #tpu.memory_space<vmem>>, %arg9: memref<2x400x128xf32, #tpu.memory_space<vmem>>, %arg10: memref<1280x128xf32, #tpu.memory_space<vmem_shared>>, %arg11: memref<4x100xi32, #tpu.memory_space<vmem>>, %arg12: memref<4x100xi32, #tpu.memory_space<vmem>>, %arg13: memref<4x100xi32, #tpu.memory_space<vmem>>, %arg14: memref<4x100xi32, #tpu.memory_space<vmem>>, %arg15: memref<!tpu.dma_semaphore, #tpu.memory_space<semaphore_mem>>, %arg16: memref<!tpu.dma_semaphore, #tpu.memory_space<semaphore_mem>>, %arg17: memref<!tpu.dma_semaphore, #tpu.memory_space<semaphore_mem>>) attributes {dimension_semantics = [#tpu.dimension_semantics<core_parallel>, #tpu.dimension_semantics<subcore_parallel>], iteration_bounds = array<i64: 2, 16>, scalar_prefetch = 0 : i64, scratch_operands = 11 : i64, tpu.core_type = #tpu.core_type<sc_vector_subcore>, window_params = [{transform_indices = #map}, {transform_indices = #map1}, {transform_indices = #map1}, {transform_indices = #map2}, {transform_indices = #map1}]} {
    %mul3A = arith.constant 2 : i32
    %mul3A_0 = arith.muli %arg1, %mul3A : i32
    %add3A = arith.addi %mul3A_0, %arg0 : i32
    %mul3A_1 = arith.constant 2560 : i32
    %mul3A_2 = arith.muli %add3A, %mul3A_1 : i32
    %mul3A_3 = arith.constant 64 : i32
    %mul3A_4 = arith.muli %add3A, %mul3A_3 : i32
    %mul3A_5 = arith.constant 80 : i32
    %mul3A_6 = arith.muli %arg1, %mul3A_5 : i32
    %add3A_7 = arith.constant 40 : i32
    %add3A_8 = arith.addi %mul3A_6, %add3A_7 : i32
    %run_scoped3A = arith.constant 0 : i32
    %run_scoped3A_9 = arith.constant 0 : i32
    "tpu.region"() ({
      %run_scoped3A_86 = tpu.sem_alloc : memref<!tpu.dma_semaphore, #tpu.memory_space<semaphore_mem>>
      %dma_start3A_87 = arith.constant 0 : i32
      %dma_start3A_88 = arith.constant 0 : i32
      %dma_start3A_89 = arith.constant 0 : i32
      %dma_start3A_90 = arith.constant 0 : i32
      %dma_start3A_91 = tpu.memref_slice %arg5[%arg1, %dma_start3A_87, %dma_start3A_88, %dma_start3A_89, %dma_start3A_90] : memref<16x2x2x4x100xi32, #tpu.memory_space<hbm>> -> memref<1x2x2x4x100xi32, #tpu.memory_space<hbm>>
      %dma_start3A_92 = tpu.memref_squeeze %dma_start3A_91 : memref<1x2x2x4x100xi32, #tpu.memory_space<hbm>> -> memref<2x2x4x100xi32, #tpu.memory_space<hbm>>
      %dma_start3A_93 = arith.constant 0 : i32
      %dma_start3A_94 = arith.constant 0 : i32
      %dma_start3A_95 = arith.constant 0 : i32
      %dma_start3A_96 = tpu.memref_slice %dma_start3A_92[%run_scoped3A, %dma_start3A_93, %dma_start3A_94, %dma_start3A_95] : memref<2x2x4x100xi32, #tpu.memory_space<hbm>> -> memref<1x2x4x100xi32, #tpu.memory_space<hbm>>
      %dma_start3A_97 = tpu.memref_squeeze %dma_start3A_96 : memref<1x2x4x100xi32, #tpu.memory_space<hbm>> -> memref<2x4x100xi32, #tpu.memory_space<hbm>>
      %dma_start3A_98 = arith.constant 0 : i32
      %dma_start3A_99 = arith.constant 0 : i32
      %dma_start3A_100 = tpu.memref_slice %dma_start3A_97[%run_scoped3A_9, %dma_start3A_98, %dma_start3A_99] : memref<2x4x100xi32, #tpu.memory_space<hbm>> -> memref<1x4x100xi32, #tpu.memory_space<hbm>>
      %dma_start3A_101 = tpu.memref_squeeze %dma_start3A_100 : memref<1x4x100xi32, #tpu.memory_space<hbm>> -> memref<4x100xi32, #tpu.memory_space<hbm>>
      %dma_start3A_102 = arith.constant 0 : i32
      %dma_start3A_103 = arith.constant 0 : i32
      %dma_start3A_104 = arith.constant 0 : i32
      %dma_start3A_105 = arith.constant 0 : i32
      %dma_start3A_106 = tpu.memref_slice %arg5[%arg1, %dma_start3A_102, %dma_start3A_103, %dma_start3A_104, %dma_start3A_105] : memref<16x2x2x4x100xi32, #tpu.memory_space<hbm>> -> memref<1x2x2x4x100xi32, #tpu.memory_space<hbm>>
      %dma_start3A_107 = tpu.memref_squeeze %dma_start3A_106 : memref<1x2x2x4x100xi32, #tpu.memory_space<hbm>> -> memref<2x2x4x100xi32, #tpu.memory_space<hbm>>
      %dma_start3A_108 = arith.constant 0 : i32
      %dma_start3A_109 = arith.constant 0 : i32
      %dma_start3A_110 = arith.constant 0 : i32
      %dma_start3A_111 = tpu.memref_slice %dma_start3A_107[%run_scoped3A, %dma_start3A_108, %dma_start3A_109, %dma_start3A_110] : memref<2x2x4x100xi32, #tpu.memory_space<hbm>> -> memref<1x2x4x100xi32, #tpu.memory_space<hbm>>
      %dma_start3A_112 = tpu.memref_squeeze %dma_start3A_111 : memref<1x2x4x100xi32, #tpu.memory_space<hbm>> -> memref<2x4x100xi32, #tpu.memory_space<hbm>>
      %dma_start3A_113 = arith.constant 0 : i32
      %dma_start3A_114 = arith.constant 0 : i32
      %dma_start3A_115 = tpu.memref_slice %dma_start3A_112[%run_scoped3A_9, %dma_start3A_113, %dma_start3A_114] : memref<2x4x100xi32, #tpu.memory_space<hbm>> -> memref<1x4x100xi32, #tpu.memory_space<hbm>>
      %dma_start3A_116 = tpu.memref_squeeze %dma_start3A_115 : memref<1x4x100xi32, #tpu.memory_space<hbm>> -> memref<4x100xi32, #tpu.memory_space<hbm>>
      tpu.enqueue_dma source(%dma_start3A_116 : memref<4x100xi32, #tpu.memory_space<hbm>>) target(%arg11 : memref<4x100xi32, #tpu.memory_space<vmem>>) target_semaphore(%run_scoped3A_86 : memref<!tpu.dma_semaphore, #tpu.memory_space<semaphore_mem>>)
      %dma_wait3A_117 = arith.constant 0 : i32
      %dma_wait3A_118 = arith.constant 0 : i32
      %dma_wait3A_119 = arith.constant 0 : i32
      %dma_wait3A_120 = arith.constant 0 : i32
      %dma_wait3A_121 = tpu.memref_slice %arg5[%arg1, %dma_wait3A_117, %dma_wait3A_118, %dma_wait3A_119, %dma_wait3A_120] : memref<16x2x2x4x100xi32, #tpu.memory_space<hbm>> -> memref<1x2x2x4x100xi32, #tpu.memory_space<hbm>>
      %dma_wait3A_122 = tpu.memref_squeeze %dma_wait3A_121 : memref<1x2x2x4x100xi32, #tpu.memory_space<hbm>> -> memref<2x2x4x100xi32, #tpu.memory_space<hbm>>
      %dma_wait3A_123 = arith.constant 0 : i32
      %dma_wait3A_124 = arith.constant 0 : i32
      %dma_wait3A_125 = arith.constant 0 : i32
      %dma_wait3A_126 = tpu.memref_slice %dma_wait3A_122[%run_scoped3A, %dma_wait3A_123, %dma_wait3A_124, %dma_wait3A_125] : memref<2x2x4x100xi32, #tpu.memory_space<hbm>> -> memref<1x2x4x100xi32, #tpu.memory_space<hbm>>
      %dma_wait3A_127 = tpu.memref_squeeze %dma_wait3A_126 : memref<1x2x4x100xi32, #tpu.memory_space<hbm>> -> memref<2x4x100xi32, #tpu.memory_space<hbm>>
      %dma_wait3A_128 = arith.constant 0 : i32
      %dma_wait3A_129 = arith.constant 0 : i32
      %dma_wait3A_130 = tpu.memref_slice %dma_wait3A_127[%run_scoped3A_9, %dma_wait3A_128, %dma_wait3A_129] : memref<2x4x100xi32, #tpu.memory_space<hbm>> -> memref<1x4x100xi32, #tpu.memory_space<hbm>>
      %dma_wait3A_131 = tpu.memref_squeeze %dma_wait3A_130 : memref<1x4x100xi32, #tpu.memory_space<hbm>> -> memref<4x100xi32, #tpu.memory_space<hbm>>
      %dma_wait3A_132 = arith.constant 0 : i32
      %dma_wait3A_133 = arith.constant 0 : i32
      %dma_wait3A_134 = arith.constant 0 : i32
      %dma_wait3A_135 = arith.constant 0 : i32
      %dma_wait3A_136 = tpu.memref_slice %arg5[%arg1, %dma_wait3A_132, %dma_wait3A_133, %dma_wait3A_134, %dma_wait3A_135] : memref<16x2x2x4x100xi32, #tpu.memory_space<hbm>> -> memref<1x2x2x4x100xi32, #tpu.memory_space<hbm>>
      %dma_wait3A_137 = tpu.memref_squeeze %dma_wait3A_136 : memref<1x2x2x4x100xi32, #tpu.memory_space<hbm>> -> memref<2x2x4x100xi32, #tpu.memory_space<hbm>>
      %dma_wait3A_138 = arith.constant 0 : i32
      %dma_wait3A_139 = arith.constant 0 : i32
      %dma_wait3A_140 = arith.constant 0 : i32
      %dma_wait3A_141 = tpu.memref_slice %dma_wait3A_137[%run_scoped3A, %dma_wait3A_138, %dma_wait3A_139, %dma_wait3A_140] : memref<2x2x4x100xi32, #tpu.memory_space<hbm>> -> memref<1x2x4x100xi32, #tpu.memory_space<hbm>>
      %dma_wait3A_142 = tpu.memref_squeeze %dma_wait3A_141 : memref<1x2x4x100xi32, #tpu.memory_space<hbm>> -> memref<2x4x100xi32, #tpu.memory_space<hbm>>
      %dma_wait3A_143 = arith.constant 0 : i32
      %dma_wait3A_144 = arith.constant 0 : i32
      %dma_wait3A_145 = tpu.memref_slice %dma_wait3A_142[%run_scoped3A_9, %dma_wait3A_143, %dma_wait3A_144] : memref<2x4x100xi32, #tpu.memory_space<hbm>> -> memref<1x4x100xi32, #tpu.memory_space<hbm>>
      %dma_wait3A_146 = tpu.memref_squeeze %dma_wait3A_145 : memref<1x4x100xi32, #tpu.memory_space<hbm>> -> memref<4x100xi32, #tpu.memory_space<hbm>>
      tpu.wait_dma2 semaphore(%run_scoped3A_86 : memref<!tpu.dma_semaphore, #tpu.memory_space<semaphore_mem>>) src(%dma_wait3A_146 : memref<4x100xi32, #tpu.memory_space<hbm>>) dst(%arg11 : memref<4x100xi32, #tpu.memory_space<vmem>>)
      tpu.yield
    }) : () -> ()
    %run_scoped3A_10 = arith.constant 0 : i32
    %run_scoped3A_11 = arith.constant 1 : i32
    "tpu.region"() ({
      %run_scoped3A_86 = tpu.sem_alloc : memref<!tpu.dma_semaphore, #tpu.memory_space<semaphore_mem>>
      %dma_start3A_87 = arith.constant 0 : i32
      %dma_start3A_88 = arith.constant 0 : i32
      %dma_start3A_89 = arith.constant 0 : i32
      %dma_start3A_90 = arith.constant 0 : i32
      %dma_start3A_91 = tpu.memref_slice %arg5[%arg1, %dma_start3A_87, %dma_start3A_88, %dma_start3A_89, %dma_start3A_90] : memref<16x2x2x4x100xi32, #tpu.memory_space<hbm>> -> memref<1x2x2x4x100xi32, #tpu.memory_space<hbm>>
      %dma_start3A_92 = tpu.memref_squeeze %dma_start3A_91 : memref<1x2x2x4x100xi32, #tpu.memory_space<hbm>> -> memref<2x2x4x100xi32, #tpu.memory_space<hbm>>
      %dma_start3A_93 = arith.constant 0 : i32
      %dma_start3A_94 = arith.constant 0 : i32
      %dma_start3A_95 = arith.constant 0 : i32
      %dma_start3A_96 = tpu.memref_slice %dma_start3A_92[%run_scoped3A_10, %dma_start3A_93, %dma_start3A_94, %dma_start3A_95] : memref<2x2x4x100xi32, #tpu.memory_space<hbm>> -> memref<1x2x4x100xi32, #tpu.memory_space<hbm>>
      %dma_start3A_97 = tpu.memref_squeeze %dma_start3A_96 : memref<1x2x4x100xi32, #tpu.memory_space<hbm>> -> memref<2x4x100xi32, #tpu.memory_space<hbm>>
      %dma_start3A_98 = arith.constant 0 : i32
      %dma_start3A_99 = arith.constant 0 : i32
      %dma_start3A_100 = tpu.memref_slice %dma_start3A_97[%run_scoped3A_11, %dma_start3A_98, %dma_start3A_99] : memref<2x4x100xi32, #tpu.memory_space<hbm>> -> memref<1x4x100xi32, #tpu.memory_space<hbm>>
      %dma_start3A_101 = tpu.memref_squeeze %dma_start3A_100 : memref<1x4x100xi32, #tpu.memory_space<hbm>> -> memref<4x100xi32, #tpu.memory_space<hbm>>
      %dma_start3A_102 = arith.constant 0 : i32
      %dma_start3A_103 = arith.constant 0 : i32
      %dma_start3A_104 = arith.constant 0 : i32
      %dma_start3A_105 = arith.constant 0 : i32
      %dma_start3A_106 = tpu.memref_slice %arg5[%arg1, %dma_start3A_102, %dma_start3A_103, %dma_start3A_104, %dma_start3A_105] : memref<16x2x2x4x100xi32, #tpu.memory_space<hbm>> -> memref<1x2x2x4x100xi32, #tpu.memory_space<hbm>>
      %dma_start3A_107 = tpu.memref_squeeze %dma_start3A_106 : memref<1x2x2x4x100xi32, #tpu.memory_space<hbm>> -> memref<2x2x4x100xi32, #tpu.memory_space<hbm>>
      %dma_start3A_108 = arith.constant 0 : i32
      %dma_start3A_109 = arith.constant 0 : i32
      %dma_start3A_110 = arith.constant 0 : i32
      %dma_start3A_111 = tpu.memref_slice %dma_start3A_107[%run_scoped3A_10, %dma_start3A_108, %dma_start3A_109, %dma_start3A_110] : memref<2x2x4x100xi32, #tpu.memory_space<hbm>> -> memref<1x2x4x100xi32, #tpu.memory_space<hbm>>
      %dma_start3A_112 = tpu.memref_squeeze %dma_start3A_111 : memref<1x2x4x100xi32, #tpu.memory_space<hbm>> -> memref<2x4x100xi32, #tpu.memory_space<hbm>>
      %dma_start3A_113 = arith.constant 0 : i32
      %dma_start3A_114 = arith.constant 0 : i32
      %dma_start3A_115 = tpu.memref_slice %dma_start3A_112[%run_scoped3A_11, %dma_start3A_113, %dma_start3A_114] : memref<2x4x100xi32, #tpu.memory_space<hbm>> -> memref<1x4x100xi32, #tpu.memory_space<hbm>>
      %dma_start3A_116 = tpu.memref_squeeze %dma_start3A_115 : memref<1x4x100xi32, #tpu.memory_space<hbm>> -> memref<4x100xi32, #tpu.memory_space<hbm>>
      tpu.enqueue_dma source(%dma_start3A_116 : memref<4x100xi32, #tpu.memory_space<hbm>>) target(%arg12 : memref<4x100xi32, #tpu.memory_space<vmem>>) target_semaphore(%run_scoped3A_86 : memref<!tpu.dma_semaphore, #tpu.memory_space<semaphore_mem>>)
      %dma_wait3A_117 = arith.constant 0 : i32
      %dma_wait3A_118 = arith.constant 0 : i32
      %dma_wait3A_119 = arith.constant 0 : i32
      %dma_wait3A_120 = arith.constant 0 : i32
      %dma_wait3A_121 = tpu.memref_slice %arg5[%arg1, %dma_wait3A_117, %dma_wait3A_118, %dma_wait3A_119, %dma_wait3A_120] : memref<16x2x2x4x100xi32, #tpu.memory_space<hbm>> -> memref<1x2x2x4x100xi32, #tpu.memory_space<hbm>>
      %dma_wait3A_122 = tpu.memref_squeeze %dma_wait3A_121 : memref<1x2x2x4x100xi32, #tpu.memory_space<hbm>> -> memref<2x2x4x100xi32, #tpu.memory_space<hbm>>
      %dma_wait3A_123 = arith.constant 0 : i32
      %dma_wait3A_124 = arith.constant 0 : i32
      %dma_wait3A_125 = arith.constant 0 : i32
      %dma_wait3A_126 = tpu.memref_slice %dma_wait3A_122[%run_scoped3A_10, %dma_wait3A_123, %dma_wait3A_124, %dma_wait3A_125] : memref<2x2x4x100xi32, #tpu.memory_space<hbm>> -> memref<1x2x4x100xi32, #tpu.memory_space<hbm>>
      %dma_wait3A_127 = tpu.memref_squeeze %dma_wait3A_126 : memref<1x2x4x100xi32, #tpu.memory_space<hbm>> -> memref<2x4x100xi32, #tpu.memory_space<hbm>>
      %dma_wait3A_128 = arith.constant 0 : i32
      %dma_wait3A_129 = arith.constant 0 : i32
      %dma_wait3A_130 = tpu.memref_slice %dma_wait3A_127[%run_scoped3A_11, %dma_wait3A_128, %dma_wait3A_129] : memref<2x4x100xi32, #tpu.memory_space<hbm>> -> memref<1x4x100xi32, #tpu.memory_space<hbm>>
      %dma_wait3A_131 = tpu.memref_squeeze %dma_wait3A_130 : memref<1x4x100xi32, #tpu.memory_space<hbm>> -> memref<4x100xi32, #tpu.memory_space<hbm>>
      %dma_wait3A_132 = arith.constant 0 : i32
      %dma_wait3A_133 = arith.constant 0 : i32
      %dma_wait3A_134 = arith.constant 0 : i32
      %dma_wait3A_135 = arith.constant 0 : i32
      %dma_wait3A_136 = tpu.memref_slice %arg5[%arg1, %dma_wait3A_132, %dma_wait3A_133, %dma_wait3A_134, %dma_wait3A_135] : memref<16x2x2x4x100xi32, #tpu.memory_space<hbm>> -> memref<1x2x2x4x100xi32, #tpu.memory_space<hbm>>
      %dma_wait3A_137 = tpu.memref_squeeze %dma_wait3A_136 : memref<1x2x2x4x100xi32, #tpu.memory_space<hbm>> -> memref<2x2x4x100xi32, #tpu.memory_space<hbm>>
      %dma_wait3A_138 = arith.constant 0 : i32
      %dma_wait3A_139 = arith.constant 0 : i32
      %dma_wait3A_140 = arith.constant 0 : i32
      %dma_wait3A_141 = tpu.memref_slice %dma_wait3A_137[%run_scoped3A_10, %dma_wait3A_138, %dma_wait3A_139, %dma_wait3A_140] : memref<2x2x4x100xi32, #tpu.memory_space<hbm>> -> memref<1x2x4x100xi32, #tpu.memory_space<hbm>>
      %dma_wait3A_142 = tpu.memref_squeeze %dma_wait3A_141 : memref<1x2x4x100xi32, #tpu.memory_space<hbm>> -> memref<2x4x100xi32, #tpu.memory_space<hbm>>
      %dma_wait3A_143 = arith.constant 0 : i32
      %dma_wait3A_144 = arith.constant 0 : i32
      %dma_wait3A_145 = tpu.memref_slice %dma_wait3A_142[%run_scoped3A_11, %dma_wait3A_143, %dma_wait3A_144] : memref<2x4x100xi32, #tpu.memory_space<hbm>> -> memref<1x4x100xi32, #tpu.memory_space<hbm>>
      %dma_wait3A_146 = tpu.memref_squeeze %dma_wait3A_145 : memref<1x4x100xi32, #tpu.memory_space<hbm>> -> memref<4x100xi32, #tpu.memory_space<hbm>>
      tpu.wait_dma2 semaphore(%run_scoped3A_86 : memref<!tpu.dma_semaphore, #tpu.memory_space<semaphore_mem>>) src(%dma_wait3A_146 : memref<4x100xi32, #tpu.memory_space<hbm>>) dst(%arg12 : memref<4x100xi32, #tpu.memory_space<vmem>>)
      tpu.yield
    }) : () -> ()
    %run_scoped3A_12 = arith.constant 1 : i32
    %run_scoped3A_13 = arith.constant 0 : i32
    "tpu.region"() ({
      %run_scoped3A_86 = tpu.sem_alloc : memref<!tpu.dma_semaphore, #tpu.memory_space<semaphore_mem>>
      %dma_start3A_87 = arith.constant 0 : i32
      %dma_start3A_88 = arith.constant 0 : i32
      %dma_start3A_89 = arith.constant 0 : i32
      %dma_start3A_90 = arith.constant 0 : i32
      %dma_start3A_91 = tpu.memref_slice %arg5[%arg1, %dma_start3A_87, %dma_start3A_88, %dma_start3A_89, %dma_start3A_90] : memref<16x2x2x4x100xi32, #tpu.memory_space<hbm>> -> memref<1x2x2x4x100xi32, #tpu.memory_space<hbm>>
      %dma_start3A_92 = tpu.memref_squeeze %dma_start3A_91 : memref<1x2x2x4x100xi32, #tpu.memory_space<hbm>> -> memref<2x2x4x100xi32, #tpu.memory_space<hbm>>
      %dma_start3A_93 = arith.constant 0 : i32
      %dma_start3A_94 = arith.constant 0 : i32
      %dma_start3A_95 = arith.constant 0 : i32
      %dma_start3A_96 = tpu.memref_slice %dma_start3A_92[%run_scoped3A_12, %dma_start3A_93, %dma_start3A_94, %dma_start3A_95] : memref<2x2x4x100xi32, #tpu.memory_space<hbm>> -> memref<1x2x4x100xi32, #tpu.memory_space<hbm>>
      %dma_start3A_97 = tpu.memref_squeeze %dma_start3A_96 : memref<1x2x4x100xi32, #tpu.memory_space<hbm>> -> memref<2x4x100xi32, #tpu.memory_space<hbm>>
      %dma_start3A_98 = arith.constant 0 : i32
      %dma_start3A_99 = arith.constant 0 : i32
      %dma_start3A_100 = tpu.memref_slice %dma_start3A_97[%run_scoped3A_13, %dma_start3A_98, %dma_start3A_99] : memref<2x4x100xi32, #tpu.memory_space<hbm>> -> memref<1x4x100xi32, #tpu.memory_space<hbm>>
      %dma_start3A_101 = tpu.memref_squeeze %dma_start3A_100 : memref<1x4x100xi32, #tpu.memory_space<hbm>> -> memref<4x100xi32, #tpu.memory_space<hbm>>
      %dma_start3A_102 = arith.constant 0 : i32
      %dma_start3A_103 = arith.constant 0 : i32
      %dma_start3A_104 = arith.constant 0 : i32
      %dma_start3A_105 = arith.constant 0 : i32
      %dma_start3A_106 = tpu.memref_slice %arg5[%arg1, %dma_start3A_102, %dma_start3A_103, %dma_start3A_104, %dma_start3A_105] : memref<16x2x2x4x100xi32, #tpu.memory_space<hbm>> -> memref<1x2x2x4x100xi32, #tpu.memory_space<hbm>>
      %dma_start3A_107 = tpu.memref_squeeze %dma_start3A_106 : memref<1x2x2x4x100xi32, #tpu.memory_space<hbm>> -> memref<2x2x4x100xi32, #tpu.memory_space<hbm>>
      %dma_start3A_108 = arith.constant 0 : i32
      %dma_start3A_109 = arith.constant 0 : i32
      %dma_start3A_110 = arith.constant 0 : i32
      %dma_start3A_111 = tpu.memref_slice %dma_start3A_107[%run_scoped3A_12, %dma_start3A_108, %dma_start3A_109, %dma_start3A_110] : memref<2x2x4x100xi32, #tpu.memory_space<hbm>> -> memref<1x2x4x100xi32, #tpu.memory_space<hbm>>
      %dma_start3A_112 = tpu.memref_squeeze %dma_start3A_111 : memref<1x2x4x100xi32, #tpu.memory_space<hbm>> -> memref<2x4x100xi32, #tpu.memory_space<hbm>>
      %dma_start3A_113 = arith.constant 0 : i32
      %dma_start3A_114 = arith.constant 0 : i32
      %dma_start3A_115 = tpu.memref_slice %dma_start3A_112[%run_scoped3A_13, %dma_start3A_113, %dma_start3A_114] : memref<2x4x100xi32, #tpu.memory_space<hbm>> -> memref<1x4x100xi32, #tpu.memory_space<hbm>>
      %dma_start3A_116 = tpu.memref_squeeze %dma_start3A_115 : memref<1x4x100xi32, #tpu.memory_space<hbm>> -> memref<4x100xi32, #tpu.memory_space<hbm>>
      tpu.enqueue_dma source(%dma_start3A_116 : memref<4x100xi32, #tpu.memory_space<hbm>>) target(%arg13 : memref<4x100xi32, #tpu.memory_space<vmem>>) target_semaphore(%run_scoped3A_86 : memref<!tpu.dma_semaphore, #tpu.memory_space<semaphore_mem>>)
      %dma_wait3A_117 = arith.constant 0 : i32
      %dma_wait3A_118 = arith.constant 0 : i32
      %dma_wait3A_119 = arith.constant 0 : i32
      %dma_wait3A_120 = arith.constant 0 : i32
      %dma_wait3A_121 = tpu.memref_slice %arg5[%arg1, %dma_wait3A_117, %dma_wait3A_118, %dma_wait3A_119, %dma_wait3A_120] : memref<16x2x2x4x100xi32, #tpu.memory_space<hbm>> -> memref<1x2x2x4x100xi32, #tpu.memory_space<hbm>>
      %dma_wait3A_122 = tpu.memref_squeeze %dma_wait3A_121 : memref<1x2x2x4x100xi32, #tpu.memory_space<hbm>> -> memref<2x2x4x100xi32, #tpu.memory_space<hbm>>
      %dma_wait3A_123 = arith.constant 0 : i32
      %dma_wait3A_124 = arith.constant 0 : i32
      %dma_wait3A_125 = arith.constant 0 : i32
      %dma_wait3A_126 = tpu.memref_slice %dma_wait3A_122[%run_scoped3A_12, %dma_wait3A_123, %dma_wait3A_124, %dma_wait3A_125] : memref<2x2x4x100xi32, #tpu.memory_space<hbm>> -> memref<1x2x4x100xi32, #tpu.memory_space<hbm>>
      %dma_wait3A_127 = tpu.memref_squeeze %dma_wait3A_126 : memref<1x2x4x100xi32, #tpu.memory_space<hbm>> -> memref<2x4x100xi32, #tpu.memory_space<hbm>>
      %dma_wait3A_128 = arith.constant 0 : i32
      %dma_wait3A_129 = arith.constant 0 : i32
      %dma_wait3A_130 = tpu.memref_slice %dma_wait3A_127[%run_scoped3A_13, %dma_wait3A_128, %dma_wait3A_129] : memref<2x4x100xi32, #tpu.memory_space<hbm>> -> memref<1x4x100xi32, #tpu.memory_space<hbm>>
      %dma_wait3A_131 = tpu.memref_squeeze %dma_wait3A_130 : memref<1x4x100xi32, #tpu.memory_space<hbm>> -> memref<4x100xi32, #tpu.memory_space<hbm>>
      %dma_wait3A_132 = arith.constant 0 : i32
      %dma_wait3A_133 = arith.constant 0 : i32
      %dma_wait3A_134 = arith.constant 0 : i32
      %dma_wait3A_135 = arith.constant 0 : i32
      %dma_wait3A_136 = tpu.memref_slice %arg5[%arg1, %dma_wait3A_132, %dma_wait3A_133, %dma_wait3A_134, %dma_wait3A_135] : memref<16x2x2x4x100xi32, #tpu.memory_space<hbm>> -> memref<1x2x2x4x100xi32, #tpu.memory_space<hbm>>
      %dma_wait3A_137 = tpu.memref_squeeze %dma_wait3A_136 : memref<1x2x2x4x100xi32, #tpu.memory_space<hbm>> -> memref<2x2x4x100xi32, #tpu.memory_space<hbm>>
      %dma_wait3A_138 = arith.constant 0 : i32
      %dma_wait3A_139 = arith.constant 0 : i32
      %dma_wait3A_140 = arith.constant 0 : i32
      %dma_wait3A_141 = tpu.memref_slice %dma_wait3A_137[%run_scoped3A_12, %dma_wait3A_138, %dma_wait3A_139, %dma_wait3A_140] : memref<2x2x4x100xi32, #tpu.memory_space<hbm>> -> memref<1x2x4x100xi32, #tpu.memory_space<hbm>>
      %dma_wait3A_142 = tpu.memref_squeeze %dma_wait3A_141 : memref<1x2x4x100xi32, #tpu.memory_space<hbm>> -> memref<2x4x100xi32, #tpu.memory_space<hbm>>
      %dma_wait3A_143 = arith.constant 0 : i32
      %dma_wait3A_144 = arith.constant 0 : i32
      %dma_wait3A_145 = tpu.memref_slice %dma_wait3A_142[%run_scoped3A_13, %dma_wait3A_143, %dma_wait3A_144] : memref<2x4x100xi32, #tpu.memory_space<hbm>> -> memref<1x4x100xi32, #tpu.memory_space<hbm>>
      %dma_wait3A_146 = tpu.memref_squeeze %dma_wait3A_145 : memref<1x4x100xi32, #tpu.memory_space<hbm>> -> memref<4x100xi32, #tpu.memory_space<hbm>>
      tpu.wait_dma2 semaphore(%run_scoped3A_86 : memref<!tpu.dma_semaphore, #tpu.memory_space<semaphore_mem>>) src(%dma_wait3A_146 : memref<4x100xi32, #tpu.memory_space<hbm>>) dst(%arg13 : memref<4x100xi32, #tpu.memory_space<vmem>>)
      tpu.yield
    }) : () -> ()
    %run_scoped3A_14 = arith.constant 1 : i32
    %run_scoped3A_15 = arith.constant 1 : i32
    "tpu.region"() ({
      %run_scoped3A_86 = tpu.sem_alloc : memref<!tpu.dma_semaphore, #tpu.memory_space<semaphore_mem>>
      %dma_start3A_87 = arith.constant 0 : i32
      %dma_start3A_88 = arith.constant 0 : i32
      %dma_start3A_89 = arith.constant 0 : i32
      %dma_start3A_90 = arith.constant 0 : i32
      %dma_start3A_91 = tpu.memref_slice %arg5[%arg1, %dma_start3A_87, %dma_start3A_88, %dma_start3A_89, %dma_start3A_90] : memref<16x2x2x4x100xi32, #tpu.memory_space<hbm>> -> memref<1x2x2x4x100xi32, #tpu.memory_space<hbm>>
      %dma_start3A_92 = tpu.memref_squeeze %dma_start3A_91 : memref<1x2x2x4x100xi32, #tpu.memory_space<hbm>> -> memref<2x2x4x100xi32, #tpu.memory_space<hbm>>
      %dma_start3A_93 = arith.constant 0 : i32
      %dma_start3A_94 = arith.constant 0 : i32
      %dma_start3A_95 = arith.constant 0 : i32
      %dma_start3A_96 = tpu.memref_slice %dma_start3A_92[%run_scoped3A_14, %dma_start3A_93, %dma_start3A_94, %dma_start3A_95] : memref<2x2x4x100xi32, #tpu.memory_space<hbm>> -> memref<1x2x4x100xi32, #tpu.memory_space<hbm>>
      %dma_start3A_97 = tpu.memref_squeeze %dma_start3A_96 : memref<1x2x4x100xi32, #tpu.memory_space<hbm>> -> memref<2x4x100xi32, #tpu.memory_space<hbm>>
      %dma_start3A_98 = arith.constant 0 : i32
      %dma_start3A_99 = arith.constant 0 : i32
      %dma_start3A_100 = tpu.memref_slice %dma_start3A_97[%run_scoped3A_15, %dma_start3A_98, %dma_start3A_99] : memref<2x4x100xi32, #tpu.memory_space<hbm>> -> memref<1x4x100xi32, #tpu.memory_space<hbm>>
      %dma_start3A_101 = tpu.memref_squeeze %dma_start3A_100 : memref<1x4x100xi32, #tpu.memory_space<hbm>> -> memref<4x100xi32, #tpu.memory_space<hbm>>
      %dma_start3A_102 = arith.constant 0 : i32
      %dma_start3A_103 = arith.constant 0 : i32
      %dma_start3A_104 = arith.constant 0 : i32
      %dma_start3A_105 = arith.constant 0 : i32
      %dma_start3A_106 = tpu.memref_slice %arg5[%arg1, %dma_start3A_102, %dma_start3A_103, %dma_start3A_104, %dma_start3A_105] : memref<16x2x2x4x100xi32, #tpu.memory_space<hbm>> -> memref<1x2x2x4x100xi32, #tpu.memory_space<hbm>>
      %dma_start3A_107 = tpu.memref_squeeze %dma_start3A_106 : memref<1x2x2x4x100xi32, #tpu.memory_space<hbm>> -> memref<2x2x4x100xi32, #tpu.memory_space<hbm>>
      %dma_start3A_108 = arith.constant 0 : i32
      %dma_start3A_109 = arith.constant 0 : i32
      %dma_start3A_110 = arith.constant 0 : i32
      %dma_start3A_111 = tpu.memref_slice %dma_start3A_107[%run_scoped3A_14, %dma_start3A_108, %dma_start3A_109, %dma_start3A_110] : memref<2x2x4x100xi32, #tpu.memory_space<hbm>> -> memref<1x2x4x100xi32, #tpu.memory_space<hbm>>
      %dma_start3A_112 = tpu.memref_squeeze %dma_start3A_111 : memref<1x2x4x100xi32, #tpu.memory_space<hbm>> -> memref<2x4x100xi32, #tpu.memory_space<hbm>>
      %dma_start3A_113 = arith.constant 0 : i32
      %dma_start3A_114 = arith.constant 0 : i32
      %dma_start3A_115 = tpu.memref_slice %dma_start3A_112[%run_scoped3A_15, %dma_start3A_113, %dma_start3A_114] : memref<2x4x100xi32, #tpu.memory_space<hbm>> -> memref<1x4x100xi32, #tpu.memory_space<hbm>>
      %dma_start3A_116 = tpu.memref_squeeze %dma_start3A_115 : memref<1x4x100xi32, #tpu.memory_space<hbm>> -> memref<4x100xi32, #tpu.memory_space<hbm>>
      tpu.enqueue_dma source(%dma_start3A_116 : memref<4x100xi32, #tpu.memory_space<hbm>>) target(%arg14 : memref<4x100xi32, #tpu.memory_space<vmem>>) target_semaphore(%run_scoped3A_86 : memref<!tpu.dma_semaphore, #tpu.memory_space<semaphore_mem>>)
      %dma_wait3A_117 = arith.constant 0 : i32
      %dma_wait3A_118 = arith.constant 0 : i32
      %dma_wait3A_119 = arith.constant 0 : i32
      %dma_wait3A_120 = arith.constant 0 : i32
      %dma_wait3A_121 = tpu.memref_slice %arg5[%arg1, %dma_wait3A_117, %dma_wait3A_118, %dma_wait3A_119, %dma_wait3A_120] : memref<16x2x2x4x100xi32, #tpu.memory_space<hbm>> -> memref<1x2x2x4x100xi32, #tpu.memory_space<hbm>>
      %dma_wait3A_122 = tpu.memref_squeeze %dma_wait3A_121 : memref<1x2x2x4x100xi32, #tpu.memory_space<hbm>> -> memref<2x2x4x100xi32, #tpu.memory_space<hbm>>
      %dma_wait3A_123 = arith.constant 0 : i32
      %dma_wait3A_124 = arith.constant 0 : i32
      %dma_wait3A_125 = arith.constant 0 : i32
      %dma_wait3A_126 = tpu.memref_slice %dma_wait3A_122[%run_scoped3A_14, %dma_wait3A_123, %dma_wait3A_124, %dma_wait3A_125] : memref<2x2x4x100xi32, #tpu.memory_space<hbm>> -> memref<1x2x4x100xi32, #tpu.memory_space<hbm>>
      %dma_wait3A_127 = tpu.memref_squeeze %dma_wait3A_126 : memref<1x2x4x100xi32, #tpu.memory_space<hbm>> -> memref<2x4x100xi32, #tpu.memory_space<hbm>>
      %dma_wait3A_128 = arith.constant 0 : i32
      %dma_wait3A_129 = arith.constant 0 : i32
      %dma_wait3A_130 = tpu.memref_slice %dma_wait3A_127[%run_scoped3A_15, %dma_wait3A_128, %dma_wait3A_129] : memref<2x4x100xi32, #tpu.memory_space<hbm>> -> memref<1x4x100xi32, #tpu.memory_space<hbm>>
      %dma_wait3A_131 = tpu.memref_squeeze %dma_wait3A_130 : memref<1x4x100xi32, #tpu.memory_space<hbm>> -> memref<4x100xi32, #tpu.memory_space<hbm>>
      %dma_wait3A_132 = arith.constant 0 : i32
      %dma_wait3A_133 = arith.constant 0 : i32
      %dma_wait3A_134 = arith.constant 0 : i32
      %dma_wait3A_135 = arith.constant 0 : i32
      %dma_wait3A_136 = tpu.memref_slice %arg5[%arg1, %dma_wait3A_132, %dma_wait3A_133, %dma_wait3A_134, %dma_wait3A_135] : memref<16x2x2x4x100xi32, #tpu.memory_space<hbm>> -> memref<1x2x2x4x100xi32, #tpu.memory_space<hbm>>
      %dma_wait3A_137 = tpu.memref_squeeze %dma_wait3A_136 : memref<1x2x2x4x100xi32, #tpu.memory_space<hbm>> -> memref<2x2x4x100xi32, #tpu.memory_space<hbm>>
      %dma_wait3A_138 = arith.constant 0 : i32
      %dma_wait3A_139 = arith.constant 0 : i32
      %dma_wait3A_140 = arith.constant 0 : i32
      %dma_wait3A_141 = tpu.memref_slice %dma_wait3A_137[%run_scoped3A_14, %dma_wait3A_138, %dma_wait3A_139, %dma_wait3A_140] : memref<2x2x4x100xi32, #tpu.memory_space<hbm>> -> memref<1x2x4x100xi32, #tpu.memory_space<hbm>>
      %dma_wait3A_142 = tpu.memref_squeeze %dma_wait3A_141 : memref<1x2x4x100xi32, #tpu.memory_space<hbm>> -> memref<2x4x100xi32, #tpu.memory_space<hbm>>
      %dma_wait3A_143 = arith.constant 0 : i32
      %dma_wait3A_144 = arith.constant 0 : i32
      %dma_wait3A_145 = tpu.memref_slice %dma_wait3A_142[%run_scoped3A_15, %dma_wait3A_143, %dma_wait3A_144] : memref<2x4x100xi32, #tpu.memory_space<hbm>> -> memref<1x4x100xi32, #tpu.memory_space<hbm>>
      %dma_wait3A_146 = tpu.memref_squeeze %dma_wait3A_145 : memref<1x4x100xi32, #tpu.memory_space<hbm>> -> memref<4x100xi32, #tpu.memory_space<hbm>>
      tpu.wait_dma2 semaphore(%run_scoped3A_86 : memref<!tpu.dma_semaphore, #tpu.memory_space<semaphore_mem>>) src(%dma_wait3A_146 : memref<4x100xi32, #tpu.memory_space<hbm>>) dst(%arg14 : memref<4x100xi32, #tpu.memory_space<vmem>>)
      tpu.yield
    }) : () -> ()
    "tpu.region"() ({
      %run_scoped3A_86 = tpu.sem_alloc : memref<!tpu.dma_semaphore, #tpu.memory_space<semaphore_mem>>
      %dma_start3A_87 = arith.constant 0 : i32
      %dma_start3A_88 = arith.constant 0 : i32
      %dma_start3A_89 = tpu.memref_slice %arg2[%mul3A_4, %dma_start3A_87, %dma_start3A_88] : memref<2048x8x100xi32, #tpu.memory_space<hbm>> -> memref<1x8x100xi32, #tpu.memory_space<hbm>>
      %dma_start3A_90 = tpu.memref_squeeze %dma_start3A_89 : memref<1x8x100xi32, #tpu.memory_space<hbm>> -> memref<8x100xi32, #tpu.memory_space<hbm>>
      %dma_start3A_91 = arith.constant 0 : i32
      %dma_start3A_92 = arith.constant 0 : i32
      %dma_start3A_93 = tpu.memref_slice %arg2[%mul3A_4, %dma_start3A_91, %dma_start3A_92] : memref<2048x8x100xi32, #tpu.memory_space<hbm>> -> memref<1x8x100xi32, #tpu.memory_space<hbm>>
      %dma_start3A_94 = tpu.memref_squeeze %dma_start3A_93 : memref<1x8x100xi32, #tpu.memory_space<hbm>> -> memref<8x100xi32, #tpu.memory_space<hbm>>
      tpu.enqueue_dma source(%dma_start3A_94 : memref<8x100xi32, #tpu.memory_space<hbm>>) target(%arg7 : memref<8x100xi32, #tpu.memory_space<vmem>>) target_semaphore(%run_scoped3A_86 : memref<!tpu.dma_semaphore, #tpu.memory_space<semaphore_mem>>)
      %dma_wait3A_95 = arith.constant 0 : i32
      %dma_wait3A_96 = arith.constant 0 : i32
      %dma_wait3A_97 = tpu.memref_slice %arg2[%mul3A_4, %dma_wait3A_95, %dma_wait3A_96] : memref<2048x8x100xi32, #tpu.memory_space<hbm>> -> memref<1x8x100xi32, #tpu.memory_space<hbm>>
      %dma_wait3A_98 = tpu.memref_squeeze %dma_wait3A_97 : memref<1x8x100xi32, #tpu.memory_space<hbm>> -> memref<8x100xi32, #tpu.memory_space<hbm>>
      %dma_wait3A_99 = arith.constant 0 : i32
      %dma_wait3A_100 = arith.constant 0 : i32
      %dma_wait3A_101 = tpu.memref_slice %arg2[%mul3A_4, %dma_wait3A_99, %dma_wait3A_100] : memref<2048x8x100xi32, #tpu.memory_space<hbm>> -> memref<1x8x100xi32, #tpu.memory_space<hbm>>
      %dma_wait3A_102 = tpu.memref_squeeze %dma_wait3A_101 : memref<1x8x100xi32, #tpu.memory_space<hbm>> -> memref<8x100xi32, #tpu.memory_space<hbm>>
      tpu.wait_dma2 semaphore(%run_scoped3A_86 : memref<!tpu.dma_semaphore, #tpu.memory_space<semaphore_mem>>) src(%dma_wait3A_102 : memref<8x100xi32, #tpu.memory_space<hbm>>) dst(%arg7 : memref<8x100xi32, #tpu.memory_space<vmem>>)
      tpu.yield
    }) : () -> ()
    %dma_start3A = arith.constant 0 : i32
    %dma_start3A_16 = arith.constant 0 : i32
    %dma_start3A_17 = arith.constant 0 : i32
    %dma_start3A_18 = arith.constant 0 : i32
    %dma_start3A_19 = tpu.memref_slice %arg9[%dma_start3A_16, %dma_start3A_17, %dma_start3A_18] : memref<2x400x128xf32, #tpu.memory_space<vmem>> -> memref<1x400x128xf32, #tpu.memory_space<vmem>>
    %dma_start3A_20 = tpu.memref_squeeze %dma_start3A_19 : memref<1x400x128xf32, #tpu.memory_space<vmem>> -> memref<400x128xf32, #tpu.memory_space<vmem>>
    %dma_start3A_21 = arith.constant 0 : i32
    %dma_start3A_22 = arith.constant 0 : i32
    %dma_start3A_23 = tpu.memref_slice %dma_start3A_20[%dma_start3A_21, %dma_start3A_22] : memref<400x128xf32, #tpu.memory_space<vmem>> -> memref<100x128xf32, #tpu.memory_space<vmem>>
    %dma_start3A_24 = arith.constant 0 : i32
    %dma_start3A_25 = tpu.memref_slice %arg7[%dma_start3A, %dma_start3A_24] : memref<8x100xi32, #tpu.memory_space<vmem>> -> memref<1x100xi32, #tpu.memory_space<vmem>>
    %dma_start3A_26 = tpu.memref_squeeze %dma_start3A_25 : memref<1x100xi32, #tpu.memory_space<vmem>> -> memref<100xi32, #tpu.memory_space<vmem>>
    %dma_start3A_27 = arith.constant 0 : i32
    %dma_start3A_28 = arith.constant 0 : i32
    %dma_start3A_29 = tpu.memref_slice %arg3[%dma_start3A_27, %dma_start3A_28] : memref<100001x128xf32, #tpu.memory_space<hbm>> -> memref<100001x128xf32, #tpu.memory_space<hbm>>
    tpu.enqueue_indirect_dma source(%dma_start3A_29 : memref<100001x128xf32, #tpu.memory_space<hbm>>) target(%dma_start3A_23 : memref<100x128xf32, #tpu.memory_space<vmem>>) offsets(%dma_start3A_26 : memref<100xi32, #tpu.memory_space<vmem>>) semaphore(%arg15 : memref<!tpu.dma_semaphore, #tpu.memory_space<semaphore_mem>>)
    %dma_start3A_30 = arith.constant 1 : i32
    %dma_start3A_31 = arith.constant 0 : i32
    %dma_start3A_32 = arith.constant 0 : i32
    %dma_start3A_33 = arith.constant 0 : i32
    %dma_start3A_34 = tpu.memref_slice %arg9[%dma_start3A_31, %dma_start3A_32, %dma_start3A_33] : memref<2x400x128xf32, #tpu.memory_space<vmem>> -> memref<1x400x128xf32, #tpu.memory_space<vmem>>
    %dma_start3A_35 = tpu.memref_squeeze %dma_start3A_34 : memref<1x400x128xf32, #tpu.memory_space<vmem>> -> memref<400x128xf32, #tpu.memory_space<vmem>>
    %dma_start3A_36 = arith.constant 100 : i32
    %dma_start3A_37 = arith.constant 0 : i32
    %dma_start3A_38 = tpu.memref_slice %dma_start3A_35[%dma_start3A_36, %dma_start3A_37] : memref<400x128xf32, #tpu.memory_space<vmem>> -> memref<100x128xf32, #tpu.memory_space<vmem>>
    %dma_start3A_39 = arith.constant 0 : i32
    %dma_start3A_40 = tpu.memref_slice %arg7[%dma_start3A_30, %dma_start3A_39] : memref<8x100xi32, #tpu.memory_space<vmem>> -> memref<1x100xi32, #tpu.memory_space<vmem>>
    %dma_start3A_41 = tpu.memref_squeeze %dma_start3A_40 : memref<1x100xi32, #tpu.memory_space<vmem>> -> memref<100xi32, #tpu.memory_space<vmem>>
    %dma_start3A_42 = arith.constant 0 : i32
    %dma_start3A_43 = arith.constant 0 : i32
    %dma_start3A_44 = tpu.memref_slice %arg3[%dma_start3A_42, %dma_start3A_43] : memref<100001x128xf32, #tpu.memory_space<hbm>> -> memref<100001x128xf32, #tpu.memory_space<hbm>>
    tpu.enqueue_indirect_dma source(%dma_start3A_44 : memref<100001x128xf32, #tpu.memory_space<hbm>>) target(%dma_start3A_38 : memref<100x128xf32, #tpu.memory_space<vmem>>) offsets(%dma_start3A_41 : memref<100xi32, #tpu.memory_space<vmem>>) semaphore(%arg15 : memref<!tpu.dma_semaphore, #tpu.memory_space<semaphore_mem>>)
    %dma_start3A_45 = arith.constant 2 : i32
    %dma_start3A_46 = arith.constant 0 : i32
    %dma_start3A_47 = arith.constant 0 : i32
    %dma_start3A_48 = arith.constant 0 : i32
    %dma_start3A_49 = tpu.memref_slice %arg9[%dma_start3A_46, %dma_start3A_47, %dma_start3A_48] : memref<2x400x128xf32, #tpu.memory_space<vmem>> -> memref<1x400x128xf32, #tpu.memory_space<vmem>>
    %dma_start3A_50 = tpu.memref_squeeze %dma_start3A_49 : memref<1x400x128xf32, #tpu.memory_space<vmem>> -> memref<400x128xf32, #tpu.memory_space<vmem>>
    %dma_start3A_51 = arith.constant 200 : i32
    %dma_start3A_52 = arith.constant 0 : i32
    %dma_start3A_53 = tpu.memref_slice %dma_start3A_50[%dma_start3A_51, %dma_start3A_52] : memref<400x128xf32, #tpu.memory_space<vmem>> -> memref<100x128xf32, #tpu.memory_space<vmem>>
    %dma_start3A_54 = arith.constant 0 : i32
    %dma_start3A_55 = tpu.memref_slice %arg7[%dma_start3A_45, %dma_start3A_54] : memref<8x100xi32, #tpu.memory_space<vmem>> -> memref<1x100xi32, #tpu.memory_space<vmem>>
    %dma_start3A_56 = tpu.memref_squeeze %dma_start3A_55 : memref<1x100xi32, #tpu.memory_space<vmem>> -> memref<100xi32, #tpu.memory_space<vmem>>
    %dma_start3A_57 = arith.constant 0 : i32
    %dma_start3A_58 = arith.constant 0 : i32
    %dma_start3A_59 = tpu.memref_slice %arg3[%dma_start3A_57, %dma_start3A_58] : memref<100001x128xf32, #tpu.memory_space<hbm>> -> memref<100001x128xf32, #tpu.memory_space<hbm>>
    tpu.enqueue_indirect_dma source(%dma_start3A_59 : memref<100001x128xf32, #tpu.memory_space<hbm>>) target(%dma_start3A_53 : memref<100x128xf32, #tpu.memory_space<vmem>>) offsets(%dma_start3A_56 : memref<100xi32, #tpu.memory_space<vmem>>) semaphore(%arg15 : memref<!tpu.dma_semaphore, #tpu.memory_space<semaphore_mem>>)
    %dma_start3A_60 = arith.constant 3 : i32
    %dma_start3A_61 = arith.constant 0 : i32
    %dma_start3A_62 = arith.constant 0 : i32
    %dma_start3A_63 = arith.constant 0 : i32
    %dma_start3A_64 = tpu.memref_slice %arg9[%dma_start3A_61, %dma_start3A_62, %dma_start3A_63] : memref<2x400x128xf32, #tpu.memory_space<vmem>> -> memref<1x400x128xf32, #tpu.memory_space<vmem>>
    %dma_start3A_65 = tpu.memref_squeeze %dma_start3A_64 : memref<1x400x128xf32, #tpu.memory_space<vmem>> -> memref<400x128xf32, #tpu.memory_space<vmem>>
    %dma_start3A_66 = arith.constant 300 : i32
    %dma_start3A_67 = arith.constant 0 : i32
    %dma_start3A_68 = tpu.memref_slice %dma_start3A_65[%dma_start3A_66, %dma_start3A_67] : memref<400x128xf32, #tpu.memory_space<vmem>> -> memref<100x128xf32, #tpu.memory_space<vmem>>
    %dma_start3A_69 = arith.constant 0 : i32
    %dma_start3A_70 = tpu.memref_slice %arg7[%dma_start3A_60, %dma_start3A_69] : memref<8x100xi32, #tpu.memory_space<vmem>> -> memref<1x100xi32, #tpu.memory_space<vmem>>
    %dma_start3A_71 = tpu.memref_squeeze %dma_start3A_70 : memref<1x100xi32, #tpu.memory_space<vmem>> -> memref<100xi32, #tpu.memory_space<vmem>>
    %dma_start3A_72 = arith.constant 0 : i32
    %dma_start3A_73 = arith.constant 0 : i32
    %dma_start3A_74 = tpu.memref_slice %arg3[%dma_start3A_72, %dma_start3A_73] : memref<100001x128xf32, #tpu.memory_space<hbm>> -> memref<100001x128xf32, #tpu.memory_space<hbm>>
    tpu.enqueue_indirect_dma source(%dma_start3A_74 : memref<100001x128xf32, #tpu.memory_space<hbm>>) target(%dma_start3A_68 : memref<100x128xf32, #tpu.memory_space<vmem>>) offsets(%dma_start3A_71 : memref<100xi32, #tpu.memory_space<vmem>>) semaphore(%arg15 : memref<!tpu.dma_semaphore, #tpu.memory_space<semaphore_mem>>)
    %scan3A = arith.constant 0 : i32
    %scan3A_75 = arith.constant 32 : i32
    %scan3A_76 = arith.addi %scan3A, %scan3A_75 : i32
    %scan3A_77 = arith.constant 1 : i32
    scf.for %scan3A_86 = %scan3A to %scan3A_76 step %scan3A_77  : i32 {
      %mul3A_87 = arith.constant 2 : i32
      %mul3A_88 = arith.muli %scan3A_86, %mul3A_87 : i32
      %add3A_89 = arith.constant 0 : i32
      %add3A_90 = arith.addi %add3A_89, %mul3A_88 : i32
      %add3A_91 = arith.constant 1 : i32
      %add3A_92 = arith.addi %add3A_90, %add3A_91 : i32
      %lt3A = arith.constant 64 : i32
      %lt3A_93 = arith.cmpi slt, %add3A_92, %lt3A : i32
      %convert_element_type3A = arith.extui %lt3A_93 : i1 to i32
      %cond3A = arith.constant 0 : i32
      %cond3A_94 = arith.cmpi ne, %convert_element_type3A, %cond3A : i32
      scf.if %cond3A_94 {
        %add3A_529 = arith.addi %mul3A_4, %add3A_90 : i32
        %add3A_530 = arith.constant 1 : i32
        %add3A_531 = arith.addi %add3A_529, %add3A_530 : i32
        "tpu.region"() ({
          %run_scoped3A_532 = tpu.sem_alloc : memref<!tpu.dma_semaphore, #tpu.memory_space<semaphore_mem>>
          %dma_start3A_533 = arith.constant 0 : i32
          %dma_start3A_534 = arith.constant 0 : i32
          %dma_start3A_535 = tpu.memref_slice %arg2[%add3A_531, %dma_start3A_533, %dma_start3A_534] : memref<2048x8x100xi32, #tpu.memory_space<hbm>> -> memref<1x8x100xi32, #tpu.memory_space<hbm>>
          %dma_start3A_536 = tpu.memref_squeeze %dma_start3A_535 : memref<1x8x100xi32, #tpu.memory_space<hbm>> -> memref<8x100xi32, #tpu.memory_space<hbm>>
          %dma_start3A_537 = arith.constant 0 : i32
          %dma_start3A_538 = arith.constant 0 : i32
          %dma_start3A_539 = tpu.memref_slice %arg2[%add3A_531, %dma_start3A_537, %dma_start3A_538] : memref<2048x8x100xi32, #tpu.memory_space<hbm>> -> memref<1x8x100xi32, #tpu.memory_space<hbm>>
          %dma_start3A_540 = tpu.memref_squeeze %dma_start3A_539 : memref<1x8x100xi32, #tpu.memory_space<hbm>> -> memref<8x100xi32, #tpu.memory_space<hbm>>
          tpu.enqueue_dma source(%dma_start3A_540 : memref<8x100xi32, #tpu.memory_space<hbm>>) target(%arg8 : memref<8x100xi32, #tpu.memory_space<vmem>>) target_semaphore(%run_scoped3A_532 : memref<!tpu.dma_semaphore, #tpu.memory_space<semaphore_mem>>)
          %dma_wait3A_541 = arith.constant 0 : i32
          %dma_wait3A_542 = arith.constant 0 : i32
          %dma_wait3A_543 = tpu.memref_slice %arg2[%add3A_531, %dma_wait3A_541, %dma_wait3A_542] : memref<2048x8x100xi32, #tpu.memory_space<hbm>> -> memref<1x8x100xi32, #tpu.memory_space<hbm>>
          %dma_wait3A_544 = tpu.memref_squeeze %dma_wait3A_543 : memref<1x8x100xi32, #tpu.memory_space<hbm>> -> memref<8x100xi32, #tpu.memory_space<hbm>>
          %dma_wait3A_545 = arith.constant 0 : i32
          %dma_wait3A_546 = arith.constant 0 : i32
          %dma_wait3A_547 = tpu.memref_slice %arg2[%add3A_531, %dma_wait3A_545, %dma_wait3A_546] : memref<2048x8x100xi32, #tpu.memory_space<hbm>> -> memref<1x8x100xi32, #tpu.memory_space<hbm>>
          %dma_wait3A_548 = tpu.memref_squeeze %dma_wait3A_547 : memref<1x8x100xi32, #tpu.memory_space<hbm>> -> memref<8x100xi32, #tpu.memory_space<hbm>>
          tpu.wait_dma2 semaphore(%run_scoped3A_532 : memref<!tpu.dma_semaphore, #tpu.memory_space<semaphore_mem>>) src(%dma_wait3A_548 : memref<8x100xi32, #tpu.memory_space<hbm>>) dst(%arg8 : memref<8x100xi32, #tpu.memory_space<vmem>>)
          tpu.yield
        }) : () -> ()
      } else {
      }
      %dma_wait3A_95 = arith.constant 0 : i32
      %dma_wait3A_96 = arith.constant 0 : i32
      %dma_wait3A_97 = arith.constant 0 : i32
      %dma_wait3A_98 = arith.constant 0 : i32
      %dma_wait3A_99 = tpu.memref_slice %arg9[%dma_wait3A_96, %dma_wait3A_97, %dma_wait3A_98] : memref<2x400x128xf32, #tpu.memory_space<vmem>> -> memref<1x400x128xf32, #tpu.memory_space<vmem>>
      %dma_wait3A_100 = tpu.memref_squeeze %dma_wait3A_99 : memref<1x400x128xf32, #tpu.memory_space<vmem>> -> memref<400x128xf32, #tpu.memory_space<vmem>>
      %dma_wait3A_101 = arith.constant 0 : i32
      %dma_wait3A_102 = arith.constant 0 : i32
      %dma_wait3A_103 = tpu.memref_slice %dma_wait3A_100[%dma_wait3A_101, %dma_wait3A_102] : memref<400x128xf32, #tpu.memory_space<vmem>> -> memref<100x128xf32, #tpu.memory_space<vmem>>
      %dma_wait3A_104 = arith.constant 0 : i32
      %dma_wait3A_105 = tpu.memref_slice %arg7[%dma_wait3A_95, %dma_wait3A_104] : memref<8x100xi32, #tpu.memory_space<vmem>> -> memref<1x100xi32, #tpu.memory_space<vmem>>
      %dma_wait3A_106 = tpu.memref_squeeze %dma_wait3A_105 : memref<1x100xi32, #tpu.memory_space<vmem>> -> memref<100xi32, #tpu.memory_space<vmem>>
      %dma_wait3A_107 = arith.constant 0 : i32
      %dma_wait3A_108 = arith.constant 0 : i32
      %dma_wait3A_109 = tpu.memref_slice %arg3[%dma_wait3A_107, %dma_wait3A_108] : memref<100001x128xf32, #tpu.memory_space<hbm>> -> memref<100001x128xf32, #tpu.memory_space<hbm>>
      tpu.wait_indirect_dma semaphore(%arg15 : memref<!tpu.dma_semaphore, #tpu.memory_space<semaphore_mem>>) src(%dma_wait3A_109 : memref<100001x128xf32, #tpu.memory_space<hbm>>) dst(%dma_wait3A_103 : memref<100x128xf32, #tpu.memory_space<vmem>>)
      %dma_wait3A_110 = arith.constant 1 : i32
      %dma_wait3A_111 = arith.constant 0 : i32
      %dma_wait3A_112 = arith.constant 0 : i32
      %dma_wait3A_113 = arith.constant 0 : i32
      %dma_wait3A_114 = tpu.memref_slice %arg9[%dma_wait3A_111, %dma_wait3A_112, %dma_wait3A_113] : memref<2x400x128xf32, #tpu.memory_space<vmem>> -> memref<1x400x128xf32, #tpu.memory_space<vmem>>
      %dma_wait3A_115 = tpu.memref_squeeze %dma_wait3A_114 : memref<1x400x128xf32, #tpu.memory_space<vmem>> -> memref<400x128xf32, #tpu.memory_space<vmem>>
      %dma_wait3A_116 = arith.constant 100 : i32
      %dma_wait3A_117 = arith.constant 0 : i32
      %dma_wait3A_118 = tpu.memref_slice %dma_wait3A_115[%dma_wait3A_116, %dma_wait3A_117] : memref<400x128xf32, #tpu.memory_space<vmem>> -> memref<100x128xf32, #tpu.memory_space<vmem>>
      %dma_wait3A_119 = arith.constant 0 : i32
      %dma_wait3A_120 = tpu.memref_slice %arg7[%dma_wait3A_110, %dma_wait3A_119] : memref<8x100xi32, #tpu.memory_space<vmem>> -> memref<1x100xi32, #tpu.memory_space<vmem>>
      %dma_wait3A_121 = tpu.memref_squeeze %dma_wait3A_120 : memref<1x100xi32, #tpu.memory_space<vmem>> -> memref<100xi32, #tpu.memory_space<vmem>>
      %dma_wait3A_122 = arith.constant 0 : i32
      %dma_wait3A_123 = arith.constant 0 : i32
      %dma_wait3A_124 = tpu.memref_slice %arg3[%dma_wait3A_122, %dma_wait3A_123] : memref<100001x128xf32, #tpu.memory_space<hbm>> -> memref<100001x128xf32, #tpu.memory_space<hbm>>
      tpu.wait_indirect_dma semaphore(%arg15 : memref<!tpu.dma_semaphore, #tpu.memory_space<semaphore_mem>>) src(%dma_wait3A_124 : memref<100001x128xf32, #tpu.memory_space<hbm>>) dst(%dma_wait3A_118 : memref<100x128xf32, #tpu.memory_space<vmem>>)
      %dma_wait3A_125 = arith.constant 2 : i32
      %dma_wait3A_126 = arith.constant 0 : i32
      %dma_wait3A_127 = arith.constant 0 : i32
      %dma_wait3A_128 = arith.constant 0 : i32
      %dma_wait3A_129 = tpu.memref_slice %arg9[%dma_wait3A_126, %dma_wait3A_127, %dma_wait3A_128] : memref<2x400x128xf32, #tpu.memory_space<vmem>> -> memref<1x400x128xf32, #tpu.memory_space<vmem>>
      %dma_wait3A_130 = tpu.memref_squeeze %dma_wait3A_129 : memref<1x400x128xf32, #tpu.memory_space<vmem>> -> memref<400x128xf32, #tpu.memory_space<vmem>>
      %dma_wait3A_131 = arith.constant 200 : i32
      %dma_wait3A_132 = arith.constant 0 : i32
      %dma_wait3A_133 = tpu.memref_slice %dma_wait3A_130[%dma_wait3A_131, %dma_wait3A_132] : memref<400x128xf32, #tpu.memory_space<vmem>> -> memref<100x128xf32, #tpu.memory_space<vmem>>
      %dma_wait3A_134 = arith.constant 0 : i32
      %dma_wait3A_135 = tpu.memref_slice %arg7[%dma_wait3A_125, %dma_wait3A_134] : memref<8x100xi32, #tpu.memory_space<vmem>> -> memref<1x100xi32, #tpu.memory_space<vmem>>
      %dma_wait3A_136 = tpu.memref_squeeze %dma_wait3A_135 : memref<1x100xi32, #tpu.memory_space<vmem>> -> memref<100xi32, #tpu.memory_space<vmem>>
      %dma_wait3A_137 = arith.constant 0 : i32
      %dma_wait3A_138 = arith.constant 0 : i32
      %dma_wait3A_139 = tpu.memref_slice %arg3[%dma_wait3A_137, %dma_wait3A_138] : memref<100001x128xf32, #tpu.memory_space<hbm>> -> memref<100001x128xf32, #tpu.memory_space<hbm>>
      tpu.wait_indirect_dma semaphore(%arg15 : memref<!tpu.dma_semaphore, #tpu.memory_space<semaphore_mem>>) src(%dma_wait3A_139 : memref<100001x128xf32, #tpu.memory_space<hbm>>) dst(%dma_wait3A_133 : memref<100x128xf32, #tpu.memory_space<vmem>>)
      %dma_wait3A_140 = arith.constant 3 : i32
      %dma_wait3A_141 = arith.constant 0 : i32
      %dma_wait3A_142 = arith.constant 0 : i32
      %dma_wait3A_143 = arith.constant 0 : i32
      %dma_wait3A_144 = tpu.memref_slice %arg9[%dma_wait3A_141, %dma_wait3A_142, %dma_wait3A_143] : memref<2x400x128xf32, #tpu.memory_space<vmem>> -> memref<1x400x128xf32, #tpu.memory_space<vmem>>
      %dma_wait3A_145 = tpu.memref_squeeze %dma_wait3A_144 : memref<1x400x128xf32, #tpu.memory_space<vmem>> -> memref<400x128xf32, #tpu.memory_space<vmem>>
      %dma_wait3A_146 = arith.constant 300 : i32
      %dma_wait3A_147 = arith.constant 0 : i32
      %dma_wait3A_148 = tpu.memref_slice %dma_wait3A_145[%dma_wait3A_146, %dma_wait3A_147] : memref<400x128xf32, #tpu.memory_space<vmem>> -> memref<100x128xf32, #tpu.memory_space<vmem>>
      %dma_wait3A_149 = arith.constant 0 : i32
      %dma_wait3A_150 = tpu.memref_slice %arg7[%dma_wait3A_140, %dma_wait3A_149] : memref<8x100xi32, #tpu.memory_space<vmem>> -> memref<1x100xi32, #tpu.memory_space<vmem>>
      %dma_wait3A_151 = tpu.memref_squeeze %dma_wait3A_150 : memref<1x100xi32, #tpu.memory_space<vmem>> -> memref<100xi32, #tpu.memory_space<vmem>>
      %dma_wait3A_152 = arith.constant 0 : i32
      %dma_wait3A_153 = arith.constant 0 : i32
      %dma_wait3A_154 = tpu.memref_slice %arg3[%dma_wait3A_152, %dma_wait3A_153] : memref<100001x128xf32, #tpu.memory_space<hbm>> -> memref<100001x128xf32, #tpu.memory_space<hbm>>
      tpu.wait_indirect_dma semaphore(%arg15 : memref<!tpu.dma_semaphore, #tpu.memory_space<semaphore_mem>>) src(%dma_wait3A_154 : memref<100001x128xf32, #tpu.memory_space<hbm>>) dst(%dma_wait3A_148 : memref<100x128xf32, #tpu.memory_space<vmem>>)
      %dma_start3A_155 = arith.constant 4 : i32
      %dma_start3A_156 = arith.constant 1 : i32
      %dma_start3A_157 = arith.constant 0 : i32
      %dma_start3A_158 = arith.constant 0 : i32
      %dma_start3A_159 = tpu.memref_slice %arg9[%dma_start3A_156, %dma_start3A_157, %dma_start3A_158] : memref<2x400x128xf32, #tpu.memory_space<vmem>> -> memref<1x400x128xf32, #tpu.memory_space<vmem>>
      %dma_start3A_160 = tpu.memref_squeeze %dma_start3A_159 : memref<1x400x128xf32, #tpu.memory_space<vmem>> -> memref<400x128xf32, #tpu.memory_space<vmem>>
      %dma_start3A_161 = arith.constant 0 : i32
      %dma_start3A_162 = arith.constant 0 : i32
      %dma_start3A_163 = tpu.memref_slice %dma_start3A_160[%dma_start3A_161, %dma_start3A_162] : memref<400x128xf32, #tpu.memory_space<vmem>> -> memref<100x128xf32, #tpu.memory_space<vmem>>
      %dma_start3A_164 = arith.constant 0 : i32
      %dma_start3A_165 = tpu.memref_slice %arg7[%dma_start3A_155, %dma_start3A_164] : memref<8x100xi32, #tpu.memory_space<vmem>> -> memref<1x100xi32, #tpu.memory_space<vmem>>
      %dma_start3A_166 = tpu.memref_squeeze %dma_start3A_165 : memref<1x100xi32, #tpu.memory_space<vmem>> -> memref<100xi32, #tpu.memory_space<vmem>>
      %dma_start3A_167 = arith.constant 0 : i32
      %dma_start3A_168 = arith.constant 0 : i32
      %dma_start3A_169 = tpu.memref_slice %arg3[%dma_start3A_167, %dma_start3A_168] : memref<100001x128xf32, #tpu.memory_space<hbm>> -> memref<100001x128xf32, #tpu.memory_space<hbm>>
      tpu.enqueue_indirect_dma source(%dma_start3A_169 : memref<100001x128xf32, #tpu.memory_space<hbm>>) target(%dma_start3A_163 : memref<100x128xf32, #tpu.memory_space<vmem>>) offsets(%dma_start3A_166 : memref<100xi32, #tpu.memory_space<vmem>>) semaphore(%arg16 : memref<!tpu.dma_semaphore, #tpu.memory_space<semaphore_mem>>)
      %dma_start3A_170 = arith.constant 5 : i32
      %dma_start3A_171 = arith.constant 1 : i32
      %dma_start3A_172 = arith.constant 0 : i32
      %dma_start3A_173 = arith.constant 0 : i32
      %dma_start3A_174 = tpu.memref_slice %arg9[%dma_start3A_171, %dma_start3A_172, %dma_start3A_173] : memref<2x400x128xf32, #tpu.memory_space<vmem>> -> memref<1x400x128xf32, #tpu.memory_space<vmem>>
      %dma_start3A_175 = tpu.memref_squeeze %dma_start3A_174 : memref<1x400x128xf32, #tpu.memory_space<vmem>> -> memref<400x128xf32, #tpu.memory_space<vmem>>
      %dma_start3A_176 = arith.constant 100 : i32
      %dma_start3A_177 = arith.constant 0 : i32
      %dma_start3A_178 = tpu.memref_slice %dma_start3A_175[%dma_start3A_176, %dma_start3A_177] : memref<400x128xf32, #tpu.memory_space<vmem>> -> memref<100x128xf32, #tpu.memory_space<vmem>>
      %dma_start3A_179 = arith.constant 0 : i32
      %dma_start3A_180 = tpu.memref_slice %arg7[%dma_start3A_170, %dma_start3A_179] : memref<8x100xi32, #tpu.memory_space<vmem>> -> memref<1x100xi32, #tpu.memory_space<vmem>>
      %dma_start3A_181 = tpu.memref_squeeze %dma_start3A_180 : memref<1x100xi32, #tpu.memory_space<vmem>> -> memref<100xi32, #tpu.memory_space<vmem>>
      %dma_start3A_182 = arith.constant 0 : i32
      %dma_start3A_183 = arith.constant 0 : i32
      %dma_start3A_184 = tpu.memref_slice %arg3[%dma_start3A_182, %dma_start3A_183] : memref<100001x128xf32, #tpu.memory_space<hbm>> -> memref<100001x128xf32, #tpu.memory_space<hbm>>
      tpu.enqueue_indirect_dma source(%dma_start3A_184 : memref<100001x128xf32, #tpu.memory_space<hbm>>) target(%dma_start3A_178 : memref<100x128xf32, #tpu.memory_space<vmem>>) offsets(%dma_start3A_181 : memref<100xi32, #tpu.memory_space<vmem>>) semaphore(%arg16 : memref<!tpu.dma_semaphore, #tpu.memory_space<semaphore_mem>>)
      %dma_start3A_185 = arith.constant 6 : i32
      %dma_start3A_186 = arith.constant 1 : i32
      %dma_start3A_187 = arith.constant 0 : i32
      %dma_start3A_188 = arith.constant 0 : i32
      %dma_start3A_189 = tpu.memref_slice %arg9[%dma_start3A_186, %dma_start3A_187, %dma_start3A_188] : memref<2x400x128xf32, #tpu.memory_space<vmem>> -> memref<1x400x128xf32, #tpu.memory_space<vmem>>
      %dma_start3A_190 = tpu.memref_squeeze %dma_start3A_189 : memref<1x400x128xf32, #tpu.memory_space<vmem>> -> memref<400x128xf32, #tpu.memory_space<vmem>>
      %dma_start3A_191 = arith.constant 200 : i32
      %dma_start3A_192 = arith.constant 0 : i32
      %dma_start3A_193 = tpu.memref_slice %dma_start3A_190[%dma_start3A_191, %dma_start3A_192] : memref<400x128xf32, #tpu.memory_space<vmem>> -> memref<100x128xf32, #tpu.memory_space<vmem>>
      %dma_start3A_194 = arith.constant 0 : i32
      %dma_start3A_195 = tpu.memref_slice %arg7[%dma_start3A_185, %dma_start3A_194] : memref<8x100xi32, #tpu.memory_space<vmem>> -> memref<1x100xi32, #tpu.memory_space<vmem>>
      %dma_start3A_196 = tpu.memref_squeeze %dma_start3A_195 : memref<1x100xi32, #tpu.memory_space<vmem>> -> memref<100xi32, #tpu.memory_space<vmem>>
      %dma_start3A_197 = arith.constant 0 : i32
      %dma_start3A_198 = arith.constant 0 : i32
      %dma_start3A_199 = tpu.memref_slice %arg3[%dma_start3A_197, %dma_start3A_198] : memref<100001x128xf32, #tpu.memory_space<hbm>> -> memref<100001x128xf32, #tpu.memory_space<hbm>>
      tpu.enqueue_indirect_dma source(%dma_start3A_199 : memref<100001x128xf32, #tpu.memory_space<hbm>>) target(%dma_start3A_193 : memref<100x128xf32, #tpu.memory_space<vmem>>) offsets(%dma_start3A_196 : memref<100xi32, #tpu.memory_space<vmem>>) semaphore(%arg16 : memref<!tpu.dma_semaphore, #tpu.memory_space<semaphore_mem>>)
      %dma_start3A_200 = arith.constant 7 : i32
      %dma_start3A_201 = arith.constant 1 : i32
      %dma_start3A_202 = arith.constant 0 : i32
      %dma_start3A_203 = arith.constant 0 : i32
      %dma_start3A_204 = tpu.memref_slice %arg9[%dma_start3A_201, %dma_start3A_202, %dma_start3A_203] : memref<2x400x128xf32, #tpu.memory_space<vmem>> -> memref<1x400x128xf32, #tpu.memory_space<vmem>>
      %dma_start3A_205 = tpu.memref_squeeze %dma_start3A_204 : memref<1x400x128xf32, #tpu.memory_space<vmem>> -> memref<400x128xf32, #tpu.memory_space<vmem>>
      %dma_start3A_206 = arith.constant 300 : i32
      %dma_start3A_207 = arith.constant 0 : i32
      %dma_start3A_208 = tpu.memref_slice %dma_start3A_205[%dma_start3A_206, %dma_start3A_207] : memref<400x128xf32, #tpu.memory_space<vmem>> -> memref<100x128xf32, #tpu.memory_space<vmem>>
      %dma_start3A_209 = arith.constant 0 : i32
      %dma_start3A_210 = tpu.memref_slice %arg7[%dma_start3A_200, %dma_start3A_209] : memref<8x100xi32, #tpu.memory_space<vmem>> -> memref<1x100xi32, #tpu.memory_space<vmem>>
      %dma_start3A_211 = tpu.memref_squeeze %dma_start3A_210 : memref<1x100xi32, #tpu.memory_space<vmem>> -> memref<100xi32, #tpu.memory_space<vmem>>
      %dma_start3A_212 = arith.constant 0 : i32
      %dma_start3A_213 = arith.constant 0 : i32
      %dma_start3A_214 = tpu.memref_slice %arg3[%dma_start3A_212, %dma_start3A_213] : memref<100001x128xf32, #tpu.memory_space<hbm>> -> memref<100001x128xf32, #tpu.memory_space<hbm>>
      tpu.enqueue_indirect_dma source(%dma_start3A_214 : memref<100001x128xf32, #tpu.memory_space<hbm>>) target(%dma_start3A_208 : memref<100x128xf32, #tpu.memory_space<vmem>>) offsets(%dma_start3A_211 : memref<100xi32, #tpu.memory_space<vmem>>) semaphore(%arg16 : memref<!tpu.dma_semaphore, #tpu.memory_space<semaphore_mem>>)
      %ge3A = arith.constant 2 : i32
      %ge3A_215 = arith.cmpi sge, %add3A_90, %ge3A : i32
      %convert_element_type3A_216 = arith.extui %ge3A_215 : i1 to i32
      %cond3A_217 = arith.constant 0 : i32
      %cond3A_218 = arith.cmpi ne, %convert_element_type3A_216, %cond3A_217 : i32
      scf.if %cond3A_218 {
        %sub3A = arith.constant 2 : i32
        %sub3A_529 = arith.subi %add3A_90, %sub3A : i32
        %mul3A_530 = arith.constant 40 : i32
        %mul3A_531 = arith.muli %sub3A_529, %mul3A_530 : i32
        %add3A_532 = arith.addi %mul3A_2, %mul3A_531 : i32
        %dma_wait3A_533 = arith.constant 0 : i32
        %dma_wait3A_534 = tpu.memref_slice %arg6[%add3A_532, %dma_wait3A_533] : memref<81920x128xf32, #tpu.memory_space<hbm>> -> memref<40x128xf32, #tpu.memory_space<hbm>>
        %dma_wait3A_535 = arith.constant 0 : i32
        %dma_wait3A_536 = tpu.memref_slice %arg10[%mul3A_6, %dma_wait3A_535] : memref<1280x128xf32, #tpu.memory_space<vmem_shared>> -> memref<40x128xf32, #tpu.memory_space<vmem_shared>>
        tpu.wait_dma2 semaphore(%arg17 : memref<!tpu.dma_semaphore, #tpu.memory_space<semaphore_mem>>) src(%dma_wait3A_536 : memref<40x128xf32, #tpu.memory_space<vmem_shared>>) dst(%dma_wait3A_534 : memref<40x128xf32, #tpu.memory_space<hbm>>)
      } else {
      }
      "tpu.region"() ({
        %run_scoped3A_529 = tpu.sem_alloc : memref<!tpu.dma_semaphore, #tpu.memory_space<semaphore_mem>>
        %dma_start3A_530 = arith.constant 0 : i32
        %dma_start3A_531 = tpu.memref_slice %arg10[%mul3A_6, %dma_start3A_530] : memref<1280x128xf32, #tpu.memory_space<vmem_shared>> -> memref<40x128xf32, #tpu.memory_space<vmem_shared>>
        tpu.enqueue_dma source(%arg4 : memref<40x128xf32, #tpu.memory_space<hbm>>) target(%dma_start3A_531 : memref<40x128xf32, #tpu.memory_space<vmem_shared>>) target_semaphore(%run_scoped3A_529 : memref<!tpu.dma_semaphore, #tpu.memory_space<semaphore_mem>>)
        %dma_wait3A_532 = arith.constant 0 : i32
        %dma_wait3A_533 = tpu.memref_slice %arg10[%mul3A_6, %dma_wait3A_532] : memref<1280x128xf32, #tpu.memory_space<vmem_shared>> -> memref<40x128xf32, #tpu.memory_space<vmem_shared>>
        tpu.wait_dma2 semaphore(%run_scoped3A_529 : memref<!tpu.dma_semaphore, #tpu.memory_space<semaphore_mem>>) src(%arg4 : memref<40x128xf32, #tpu.memory_space<hbm>>) dst(%dma_wait3A_533 : memref<40x128xf32, #tpu.memory_space<vmem_shared>>)
        tpu.yield
      }) : () -> ()
      %run_scoped3A_219 = arith.constant 0 : i32
      %run_scoped3A_220 = arith.constant 0 : i32
      "tpu.region"() ({
        %run_scoped3A_529 = tpu.sem_alloc : memref<!tpu.dma_semaphore, #tpu.memory_space<semaphore_mem>>
        %dma_start3A_530 = arith.constant 0 : i32
        %dma_start3A_531 = arith.constant 0 : i32
        %dma_start3A_532 = tpu.memref_slice %arg9[%run_scoped3A_219, %dma_start3A_530, %dma_start3A_531] : memref<2x400x128xf32, #tpu.memory_space<vmem>> -> memref<1x400x128xf32, #tpu.memory_space<vmem>>
        %dma_start3A_533 = tpu.memref_squeeze %dma_start3A_532 : memref<1x400x128xf32, #tpu.memory_space<vmem>> -> memref<400x128xf32, #tpu.memory_space<vmem>>
        %dma_start3A_534 = arith.constant 0 : i32
        %dma_start3A_535 = arith.constant 0 : i32
        %dma_start3A_536 = tpu.memref_slice %dma_start3A_533[%dma_start3A_534, %dma_start3A_535] : memref<400x128xf32, #tpu.memory_space<vmem>> -> memref<100x128xf32, #tpu.memory_space<vmem>>
        %dma_start3A_537 = arith.constant 0 : i32
        %dma_start3A_538 = tpu.memref_slice %arg11[%run_scoped3A_220, %dma_start3A_537] : memref<4x100xi32, #tpu.memory_space<vmem>> -> memref<1x100xi32, #tpu.memory_space<vmem>>
        %dma_start3A_539 = tpu.memref_squeeze %dma_start3A_538 : memref<1x100xi32, #tpu.memory_space<vmem>> -> memref<100xi32, #tpu.memory_space<vmem>>
        %dma_start3A_540 = arith.constant 0 : i32
        %dma_start3A_541 = arith.constant 0 : i32
        %dma_start3A_542 = tpu.memref_slice %arg10[%dma_start3A_540, %dma_start3A_541] : memref<1280x128xf32, #tpu.memory_space<vmem_shared>> -> memref<1280x128xf32, #tpu.memory_space<vmem_shared>>
        tpu.enqueue_indirect_dma source(%dma_start3A_536 : memref<100x128xf32, #tpu.memory_space<vmem>>) target(%dma_start3A_542 : memref<1280x128xf32, #tpu.memory_space<vmem_shared>>) offsets(%dma_start3A_539 : memref<100xi32, #tpu.memory_space<vmem>>) semaphore(%run_scoped3A_529 : memref<!tpu.dma_semaphore, #tpu.memory_space<semaphore_mem>>) {add = true}
        %dma_wait3A_543 = arith.constant 0 : i32
        %dma_wait3A_544 = arith.constant 0 : i32
        %dma_wait3A_545 = tpu.memref_slice %arg9[%run_scoped3A_219, %dma_wait3A_543, %dma_wait3A_544] : memref<2x400x128xf32, #tpu.memory_space<vmem>> -> memref<1x400x128xf32, #tpu.memory_space<vmem>>
        %dma_wait3A_546 = tpu.memref_squeeze %dma_wait3A_545 : memref<1x400x128xf32, #tpu.memory_space<vmem>> -> memref<400x128xf32, #tpu.memory_space<vmem>>
        %dma_wait3A_547 = arith.constant 0 : i32
        %dma_wait3A_548 = arith.constant 0 : i32
        %dma_wait3A_549 = tpu.memref_slice %dma_wait3A_546[%dma_wait3A_547, %dma_wait3A_548] : memref<400x128xf32, #tpu.memory_space<vmem>> -> memref<100x128xf32, #tpu.memory_space<vmem>>
        %dma_wait3A_550 = arith.constant 0 : i32
        %dma_wait3A_551 = tpu.memref_slice %arg11[%run_scoped3A_220, %dma_wait3A_550] : memref<4x100xi32, #tpu.memory_space<vmem>> -> memref<1x100xi32, #tpu.memory_space<vmem>>
        %dma_wait3A_552 = tpu.memref_squeeze %dma_wait3A_551 : memref<1x100xi32, #tpu.memory_space<vmem>> -> memref<100xi32, #tpu.memory_space<vmem>>
        %dma_wait3A_553 = arith.constant 0 : i32
        %dma_wait3A_554 = arith.constant 0 : i32
        %dma_wait3A_555 = tpu.memref_slice %arg10[%dma_wait3A_553, %dma_wait3A_554] : memref<1280x128xf32, #tpu.memory_space<vmem_shared>> -> memref<1280x128xf32, #tpu.memory_space<vmem_shared>>
        tpu.wait_indirect_dma semaphore(%run_scoped3A_529 : memref<!tpu.dma_semaphore, #tpu.memory_space<semaphore_mem>>) src(%dma_wait3A_549 : memref<100x128xf32, #tpu.memory_space<vmem>>) dst(%dma_wait3A_555 : memref<1280x128xf32, #tpu.memory_space<vmem_shared>>)
        tpu.yield
      }) : () -> ()
      %run_scoped3A_221 = arith.constant 0 : i32
      %run_scoped3A_222 = arith.constant 1 : i32
      "tpu.region"() ({
        %run_scoped3A_529 = tpu.sem_alloc : memref<!tpu.dma_semaphore, #tpu.memory_space<semaphore_mem>>
        %dma_start3A_530 = arith.constant 0 : i32
        %dma_start3A_531 = arith.constant 0 : i32
        %dma_start3A_532 = tpu.memref_slice %arg9[%run_scoped3A_221, %dma_start3A_530, %dma_start3A_531] : memref<2x400x128xf32, #tpu.memory_space<vmem>> -> memref<1x400x128xf32, #tpu.memory_space<vmem>>
        %dma_start3A_533 = tpu.memref_squeeze %dma_start3A_532 : memref<1x400x128xf32, #tpu.memory_space<vmem>> -> memref<400x128xf32, #tpu.memory_space<vmem>>
        %dma_start3A_534 = arith.constant 100 : i32
        %dma_start3A_535 = arith.constant 0 : i32
        %dma_start3A_536 = tpu.memref_slice %dma_start3A_533[%dma_start3A_534, %dma_start3A_535] : memref<400x128xf32, #tpu.memory_space<vmem>> -> memref<100x128xf32, #tpu.memory_space<vmem>>
        %dma_start3A_537 = arith.constant 0 : i32
        %dma_start3A_538 = tpu.memref_slice %arg11[%run_scoped3A_222, %dma_start3A_537] : memref<4x100xi32, #tpu.memory_space<vmem>> -> memref<1x100xi32, #tpu.memory_space<vmem>>
        %dma_start3A_539 = tpu.memref_squeeze %dma_start3A_538 : memref<1x100xi32, #tpu.memory_space<vmem>> -> memref<100xi32, #tpu.memory_space<vmem>>
        %dma_start3A_540 = arith.constant 0 : i32
        %dma_start3A_541 = arith.constant 0 : i32
        %dma_start3A_542 = tpu.memref_slice %arg10[%dma_start3A_540, %dma_start3A_541] : memref<1280x128xf32, #tpu.memory_space<vmem_shared>> -> memref<1280x128xf32, #tpu.memory_space<vmem_shared>>
        tpu.enqueue_indirect_dma source(%dma_start3A_536 : memref<100x128xf32, #tpu.memory_space<vmem>>) target(%dma_start3A_542 : memref<1280x128xf32, #tpu.memory_space<vmem_shared>>) offsets(%dma_start3A_539 : memref<100xi32, #tpu.memory_space<vmem>>) semaphore(%run_scoped3A_529 : memref<!tpu.dma_semaphore, #tpu.memory_space<semaphore_mem>>) {add = true}
        %dma_wait3A_543 = arith.constant 0 : i32
        %dma_wait3A_544 = arith.constant 0 : i32
        %dma_wait3A_545 = tpu.memref_slice %arg9[%run_scoped3A_221, %dma_wait3A_543, %dma_wait3A_544] : memref<2x400x128xf32, #tpu.memory_space<vmem>> -> memref<1x400x128xf32, #tpu.memory_space<vmem>>
        %dma_wait3A_546 = tpu.memref_squeeze %dma_wait3A_545 : memref<1x400x128xf32, #tpu.memory_space<vmem>> -> memref<400x128xf32, #tpu.memory_space<vmem>>
        %dma_wait3A_547 = arith.constant 100 : i32
        %dma_wait3A_548 = arith.constant 0 : i32
        %dma_wait3A_549 = tpu.memref_slice %dma_wait3A_546[%dma_wait3A_547, %dma_wait3A_548] : memref<400x128xf32, #tpu.memory_space<vmem>> -> memref<100x128xf32, #tpu.memory_space<vmem>>
        %dma_wait3A_550 = arith.constant 0 : i32
        %dma_wait3A_551 = tpu.memref_slice %arg11[%run_scoped3A_222, %dma_wait3A_550] : memref<4x100xi32, #tpu.memory_space<vmem>> -> memref<1x100xi32, #tpu.memory_space<vmem>>
        %dma_wait3A_552 = tpu.memref_squeeze %dma_wait3A_551 : memref<1x100xi32, #tpu.memory_space<vmem>> -> memref<100xi32, #tpu.memory_space<vmem>>
        %dma_wait3A_553 = arith.constant 0 : i32
        %dma_wait3A_554 = arith.constant 0 : i32
        %dma_wait3A_555 = tpu.memref_slice %arg10[%dma_wait3A_553, %dma_wait3A_554] : memref<1280x128xf32, #tpu.memory_space<vmem_shared>> -> memref<1280x128xf32, #tpu.memory_space<vmem_shared>>
        tpu.wait_indirect_dma semaphore(%run_scoped3A_529 : memref<!tpu.dma_semaphore, #tpu.memory_space<semaphore_mem>>) src(%dma_wait3A_549 : memref<100x128xf32, #tpu.memory_space<vmem>>) dst(%dma_wait3A_555 : memref<1280x128xf32, #tpu.memory_space<vmem_shared>>)
        tpu.yield
      }) : () -> ()
      %run_scoped3A_223 = arith.constant 0 : i32
      %run_scoped3A_224 = arith.constant 2 : i32
      "tpu.region"() ({
        %run_scoped3A_529 = tpu.sem_alloc : memref<!tpu.dma_semaphore, #tpu.memory_space<semaphore_mem>>
        %dma_start3A_530 = arith.constant 0 : i32
        %dma_start3A_531 = arith.constant 0 : i32
        %dma_start3A_532 = tpu.memref_slice %arg9[%run_scoped3A_223, %dma_start3A_530, %dma_start3A_531] : memref<2x400x128xf32, #tpu.memory_space<vmem>> -> memref<1x400x128xf32, #tpu.memory_space<vmem>>
        %dma_start3A_533 = tpu.memref_squeeze %dma_start3A_532 : memref<1x400x128xf32, #tpu.memory_space<vmem>> -> memref<400x128xf32, #tpu.memory_space<vmem>>
        %dma_start3A_534 = arith.constant 200 : i32
        %dma_start3A_535 = arith.constant 0 : i32
        %dma_start3A_536 = tpu.memref_slice %dma_start3A_533[%dma_start3A_534, %dma_start3A_535] : memref<400x128xf32, #tpu.memory_space<vmem>> -> memref<100x128xf32, #tpu.memory_space<vmem>>
        %dma_start3A_537 = arith.constant 0 : i32
        %dma_start3A_538 = tpu.memref_slice %arg11[%run_scoped3A_224, %dma_start3A_537] : memref<4x100xi32, #tpu.memory_space<vmem>> -> memref<1x100xi32, #tpu.memory_space<vmem>>
        %dma_start3A_539 = tpu.memref_squeeze %dma_start3A_538 : memref<1x100xi32, #tpu.memory_space<vmem>> -> memref<100xi32, #tpu.memory_space<vmem>>
        %dma_start3A_540 = arith.constant 0 : i32
        %dma_start3A_541 = arith.constant 0 : i32
        %dma_start3A_542 = tpu.memref_slice %arg10[%dma_start3A_540, %dma_start3A_541] : memref<1280x128xf32, #tpu.memory_space<vmem_shared>> -> memref<1280x128xf32, #tpu.memory_space<vmem_shared>>
        tpu.enqueue_indirect_dma source(%dma_start3A_536 : memref<100x128xf32, #tpu.memory_space<vmem>>) target(%dma_start3A_542 : memref<1280x128xf32, #tpu.memory_space<vmem_shared>>) offsets(%dma_start3A_539 : memref<100xi32, #tpu.memory_space<vmem>>) semaphore(%run_scoped3A_529 : memref<!tpu.dma_semaphore, #tpu.memory_space<semaphore_mem>>) {add = true}
        %dma_wait3A_543 = arith.constant 0 : i32
        %dma_wait3A_544 = arith.constant 0 : i32
        %dma_wait3A_545 = tpu.memref_slice %arg9[%run_scoped3A_223, %dma_wait3A_543, %dma_wait3A_544] : memref<2x400x128xf32, #tpu.memory_space<vmem>> -> memref<1x400x128xf32, #tpu.memory_space<vmem>>
        %dma_wait3A_546 = tpu.memref_squeeze %dma_wait3A_545 : memref<1x400x128xf32, #tpu.memory_space<vmem>> -> memref<400x128xf32, #tpu.memory_space<vmem>>
        %dma_wait3A_547 = arith.constant 200 : i32
        %dma_wait3A_548 = arith.constant 0 : i32
        %dma_wait3A_549 = tpu.memref_slice %dma_wait3A_546[%dma_wait3A_547, %dma_wait3A_548] : memref<400x128xf32, #tpu.memory_space<vmem>> -> memref<100x128xf32, #tpu.memory_space<vmem>>
        %dma_wait3A_550 = arith.constant 0 : i32
        %dma_wait3A_551 = tpu.memref_slice %arg11[%run_scoped3A_224, %dma_wait3A_550] : memref<4x100xi32, #tpu.memory_space<vmem>> -> memref<1x100xi32, #tpu.memory_space<vmem>>
        %dma_wait3A_552 = tpu.memref_squeeze %dma_wait3A_551 : memref<1x100xi32, #tpu.memory_space<vmem>> -> memref<100xi32, #tpu.memory_space<vmem>>
        %dma_wait3A_553 = arith.constant 0 : i32
        %dma_wait3A_554 = arith.constant 0 : i32
        %dma_wait3A_555 = tpu.memref_slice %arg10[%dma_wait3A_553, %dma_wait3A_554] : memref<1280x128xf32, #tpu.memory_space<vmem_shared>> -> memref<1280x128xf32, #tpu.memory_space<vmem_shared>>
        tpu.wait_indirect_dma semaphore(%run_scoped3A_529 : memref<!tpu.dma_semaphore, #tpu.memory_space<semaphore_mem>>) src(%dma_wait3A_549 : memref<100x128xf32, #tpu.memory_space<vmem>>) dst(%dma_wait3A_555 : memref<1280x128xf32, #tpu.memory_space<vmem_shared>>)
        tpu.yield
      }) : () -> ()
      %run_scoped3A_225 = arith.constant 0 : i32
      %run_scoped3A_226 = arith.constant 3 : i32
      "tpu.region"() ({
        %run_scoped3A_529 = tpu.sem_alloc : memref<!tpu.dma_semaphore, #tpu.memory_space<semaphore_mem>>
        %dma_start3A_530 = arith.constant 0 : i32
        %dma_start3A_531 = arith.constant 0 : i32
        %dma_start3A_532 = tpu.memref_slice %arg9[%run_scoped3A_225, %dma_start3A_530, %dma_start3A_531] : memref<2x400x128xf32, #tpu.memory_space<vmem>> -> memref<1x400x128xf32, #tpu.memory_space<vmem>>
        %dma_start3A_533 = tpu.memref_squeeze %dma_start3A_532 : memref<1x400x128xf32, #tpu.memory_space<vmem>> -> memref<400x128xf32, #tpu.memory_space<vmem>>
        %dma_start3A_534 = arith.constant 300 : i32
        %dma_start3A_535 = arith.constant 0 : i32
        %dma_start3A_536 = tpu.memref_slice %dma_start3A_533[%dma_start3A_534, %dma_start3A_535] : memref<400x128xf32, #tpu.memory_space<vmem>> -> memref<100x128xf32, #tpu.memory_space<vmem>>
        %dma_start3A_537 = arith.constant 0 : i32
        %dma_start3A_538 = tpu.memref_slice %arg11[%run_scoped3A_226, %dma_start3A_537] : memref<4x100xi32, #tpu.memory_space<vmem>> -> memref<1x100xi32, #tpu.memory_space<vmem>>
        %dma_start3A_539 = tpu.memref_squeeze %dma_start3A_538 : memref<1x100xi32, #tpu.memory_space<vmem>> -> memref<100xi32, #tpu.memory_space<vmem>>
        %dma_start3A_540 = arith.constant 0 : i32
        %dma_start3A_541 = arith.constant 0 : i32
        %dma_start3A_542 = tpu.memref_slice %arg10[%dma_start3A_540, %dma_start3A_541] : memref<1280x128xf32, #tpu.memory_space<vmem_shared>> -> memref<1280x128xf32, #tpu.memory_space<vmem_shared>>
        tpu.enqueue_indirect_dma source(%dma_start3A_536 : memref<100x128xf32, #tpu.memory_space<vmem>>) target(%dma_start3A_542 : memref<1280x128xf32, #tpu.memory_space<vmem_shared>>) offsets(%dma_start3A_539 : memref<100xi32, #tpu.memory_space<vmem>>) semaphore(%run_scoped3A_529 : memref<!tpu.dma_semaphore, #tpu.memory_space<semaphore_mem>>) {add = true}
        %dma_wait3A_543 = arith.constant 0 : i32
        %dma_wait3A_544 = arith.constant 0 : i32
        %dma_wait3A_545 = tpu.memref_slice %arg9[%run_scoped3A_225, %dma_wait3A_543, %dma_wait3A_544] : memref<2x400x128xf32, #tpu.memory_space<vmem>> -> memref<1x400x128xf32, #tpu.memory_space<vmem>>
        %dma_wait3A_546 = tpu.memref_squeeze %dma_wait3A_545 : memref<1x400x128xf32, #tpu.memory_space<vmem>> -> memref<400x128xf32, #tpu.memory_space<vmem>>
        %dma_wait3A_547 = arith.constant 300 : i32
        %dma_wait3A_548 = arith.constant 0 : i32
        %dma_wait3A_549 = tpu.memref_slice %dma_wait3A_546[%dma_wait3A_547, %dma_wait3A_548] : memref<400x128xf32, #tpu.memory_space<vmem>> -> memref<100x128xf32, #tpu.memory_space<vmem>>
        %dma_wait3A_550 = arith.constant 0 : i32
        %dma_wait3A_551 = tpu.memref_slice %arg11[%run_scoped3A_226, %dma_wait3A_550] : memref<4x100xi32, #tpu.memory_space<vmem>> -> memref<1x100xi32, #tpu.memory_space<vmem>>
        %dma_wait3A_552 = tpu.memref_squeeze %dma_wait3A_551 : memref<1x100xi32, #tpu.memory_space<vmem>> -> memref<100xi32, #tpu.memory_space<vmem>>
        %dma_wait3A_553 = arith.constant 0 : i32
        %dma_wait3A_554 = arith.constant 0 : i32
        %dma_wait3A_555 = tpu.memref_slice %arg10[%dma_wait3A_553, %dma_wait3A_554] : memref<1280x128xf32, #tpu.memory_space<vmem_shared>> -> memref<1280x128xf32, #tpu.memory_space<vmem_shared>>
        tpu.wait_indirect_dma semaphore(%run_scoped3A_529 : memref<!tpu.dma_semaphore, #tpu.memory_space<semaphore_mem>>) src(%dma_wait3A_549 : memref<100x128xf32, #tpu.memory_space<vmem>>) dst(%dma_wait3A_555 : memref<1280x128xf32, #tpu.memory_space<vmem_shared>>)
        tpu.yield
      }) : () -> ()
      %ge3A_227 = arith.constant 1 : i32
      %ge3A_228 = arith.cmpi sge, %add3A_90, %ge3A_227 : i32
      %convert_element_type3A_229 = arith.extui %ge3A_228 : i1 to i32
      %cond3A_230 = arith.constant 0 : i32
      %cond3A_231 = arith.cmpi ne, %convert_element_type3A_229, %cond3A_230 : i32
      scf.if %cond3A_231 {
        %sub3A = arith.constant 1 : i32
        %sub3A_529 = arith.subi %add3A_90, %sub3A : i32
        %mul3A_530 = arith.constant 40 : i32
        %mul3A_531 = arith.muli %sub3A_529, %mul3A_530 : i32
        %add3A_532 = arith.addi %mul3A_2, %mul3A_531 : i32
        %dma_start3A_533 = arith.constant 0 : i32
        %dma_start3A_534 = tpu.memref_slice %arg6[%add3A_532, %dma_start3A_533] : memref<81920x128xf32, #tpu.memory_space<hbm>> -> memref<40x128xf32, #tpu.memory_space<hbm>>
        %dma_start3A_535 = arith.constant 0 : i32
        %dma_start3A_536 = tpu.memref_slice %arg10[%add3A_8, %dma_start3A_535] : memref<1280x128xf32, #tpu.memory_space<vmem_shared>> -> memref<40x128xf32, #tpu.memory_space<vmem_shared>>
        tpu.enqueue_dma source(%dma_start3A_536 : memref<40x128xf32, #tpu.memory_space<vmem_shared>>) target(%dma_start3A_534 : memref<40x128xf32, #tpu.memory_space<hbm>>) target_semaphore(%arg17 : memref<!tpu.dma_semaphore, #tpu.memory_space<semaphore_mem>>)
      } else {
      }
      %dma_wait3A_232 = arith.constant 4 : i32
      %dma_wait3A_233 = arith.constant 1 : i32
      %dma_wait3A_234 = arith.constant 0 : i32
      %dma_wait3A_235 = arith.constant 0 : i32
      %dma_wait3A_236 = tpu.memref_slice %arg9[%dma_wait3A_233, %dma_wait3A_234, %dma_wait3A_235] : memref<2x400x128xf32, #tpu.memory_space<vmem>> -> memref<1x400x128xf32, #tpu.memory_space<vmem>>
      %dma_wait3A_237 = tpu.memref_squeeze %dma_wait3A_236 : memref<1x400x128xf32, #tpu.memory_space<vmem>> -> memref<400x128xf32, #tpu.memory_space<vmem>>
      %dma_wait3A_238 = arith.constant 0 : i32
      %dma_wait3A_239 = arith.constant 0 : i32
      %dma_wait3A_240 = tpu.memref_slice %dma_wait3A_237[%dma_wait3A_238, %dma_wait3A_239] : memref<400x128xf32, #tpu.memory_space<vmem>> -> memref<100x128xf32, #tpu.memory_space<vmem>>
      %dma_wait3A_241 = arith.constant 0 : i32
      %dma_wait3A_242 = tpu.memref_slice %arg7[%dma_wait3A_232, %dma_wait3A_241] : memref<8x100xi32, #tpu.memory_space<vmem>> -> memref<1x100xi32, #tpu.memory_space<vmem>>
      %dma_wait3A_243 = tpu.memref_squeeze %dma_wait3A_242 : memref<1x100xi32, #tpu.memory_space<vmem>> -> memref<100xi32, #tpu.memory_space<vmem>>
      %dma_wait3A_244 = arith.constant 0 : i32
      %dma_wait3A_245 = arith.constant 0 : i32
      %dma_wait3A_246 = tpu.memref_slice %arg3[%dma_wait3A_244, %dma_wait3A_245] : memref<100001x128xf32, #tpu.memory_space<hbm>> -> memref<100001x128xf32, #tpu.memory_space<hbm>>
      tpu.wait_indirect_dma semaphore(%arg16 : memref<!tpu.dma_semaphore, #tpu.memory_space<semaphore_mem>>) src(%dma_wait3A_246 : memref<100001x128xf32, #tpu.memory_space<hbm>>) dst(%dma_wait3A_240 : memref<100x128xf32, #tpu.memory_space<vmem>>)
      %dma_wait3A_247 = arith.constant 5 : i32
      %dma_wait3A_248 = arith.constant 1 : i32
      %dma_wait3A_249 = arith.constant 0 : i32
      %dma_wait3A_250 = arith.constant 0 : i32
      %dma_wait3A_251 = tpu.memref_slice %arg9[%dma_wait3A_248, %dma_wait3A_249, %dma_wait3A_250] : memref<2x400x128xf32, #tpu.memory_space<vmem>> -> memref<1x400x128xf32, #tpu.memory_space<vmem>>
      %dma_wait3A_252 = tpu.memref_squeeze %dma_wait3A_251 : memref<1x400x128xf32, #tpu.memory_space<vmem>> -> memref<400x128xf32, #tpu.memory_space<vmem>>
      %dma_wait3A_253 = arith.constant 100 : i32
      %dma_wait3A_254 = arith.constant 0 : i32
      %dma_wait3A_255 = tpu.memref_slice %dma_wait3A_252[%dma_wait3A_253, %dma_wait3A_254] : memref<400x128xf32, #tpu.memory_space<vmem>> -> memref<100x128xf32, #tpu.memory_space<vmem>>
      %dma_wait3A_256 = arith.constant 0 : i32
      %dma_wait3A_257 = tpu.memref_slice %arg7[%dma_wait3A_247, %dma_wait3A_256] : memref<8x100xi32, #tpu.memory_space<vmem>> -> memref<1x100xi32, #tpu.memory_space<vmem>>
      %dma_wait3A_258 = tpu.memref_squeeze %dma_wait3A_257 : memref<1x100xi32, #tpu.memory_space<vmem>> -> memref<100xi32, #tpu.memory_space<vmem>>
      %dma_wait3A_259 = arith.constant 0 : i32
      %dma_wait3A_260 = arith.constant 0 : i32
      %dma_wait3A_261 = tpu.memref_slice %arg3[%dma_wait3A_259, %dma_wait3A_260] : memref<100001x128xf32, #tpu.memory_space<hbm>> -> memref<100001x128xf32, #tpu.memory_space<hbm>>
      tpu.wait_indirect_dma semaphore(%arg16 : memref<!tpu.dma_semaphore, #tpu.memory_space<semaphore_mem>>) src(%dma_wait3A_261 : memref<100001x128xf32, #tpu.memory_space<hbm>>) dst(%dma_wait3A_255 : memref<100x128xf32, #tpu.memory_space<vmem>>)
      %dma_wait3A_262 = arith.constant 6 : i32
      %dma_wait3A_263 = arith.constant 1 : i32
      %dma_wait3A_264 = arith.constant 0 : i32
      %dma_wait3A_265 = arith.constant 0 : i32
      %dma_wait3A_266 = tpu.memref_slice %arg9[%dma_wait3A_263, %dma_wait3A_264, %dma_wait3A_265] : memref<2x400x128xf32, #tpu.memory_space<vmem>> -> memref<1x400x128xf32, #tpu.memory_space<vmem>>
      %dma_wait3A_267 = tpu.memref_squeeze %dma_wait3A_266 : memref<1x400x128xf32, #tpu.memory_space<vmem>> -> memref<400x128xf32, #tpu.memory_space<vmem>>
      %dma_wait3A_268 = arith.constant 200 : i32
      %dma_wait3A_269 = arith.constant 0 : i32
      %dma_wait3A_270 = tpu.memref_slice %dma_wait3A_267[%dma_wait3A_268, %dma_wait3A_269] : memref<400x128xf32, #tpu.memory_space<vmem>> -> memref<100x128xf32, #tpu.memory_space<vmem>>
      %dma_wait3A_271 = arith.constant 0 : i32
      %dma_wait3A_272 = tpu.memref_slice %arg7[%dma_wait3A_262, %dma_wait3A_271] : memref<8x100xi32, #tpu.memory_space<vmem>> -> memref<1x100xi32, #tpu.memory_space<vmem>>
      %dma_wait3A_273 = tpu.memref_squeeze %dma_wait3A_272 : memref<1x100xi32, #tpu.memory_space<vmem>> -> memref<100xi32, #tpu.memory_space<vmem>>
      %dma_wait3A_274 = arith.constant 0 : i32
      %dma_wait3A_275 = arith.constant 0 : i32
      %dma_wait3A_276 = tpu.memref_slice %arg3[%dma_wait3A_274, %dma_wait3A_275] : memref<100001x128xf32, #tpu.memory_space<hbm>> -> memref<100001x128xf32, #tpu.memory_space<hbm>>
      tpu.wait_indirect_dma semaphore(%arg16 : memref<!tpu.dma_semaphore, #tpu.memory_space<semaphore_mem>>) src(%dma_wait3A_276 : memref<100001x128xf32, #tpu.memory_space<hbm>>) dst(%dma_wait3A_270 : memref<100x128xf32, #tpu.memory_space<vmem>>)
      %dma_wait3A_277 = arith.constant 7 : i32
      %dma_wait3A_278 = arith.constant 1 : i32
      %dma_wait3A_279 = arith.constant 0 : i32
      %dma_wait3A_280 = arith.constant 0 : i32
      %dma_wait3A_281 = tpu.memref_slice %arg9[%dma_wait3A_278, %dma_wait3A_279, %dma_wait3A_280] : memref<2x400x128xf32, #tpu.memory_space<vmem>> -> memref<1x400x128xf32, #tpu.memory_space<vmem>>
      %dma_wait3A_282 = tpu.memref_squeeze %dma_wait3A_281 : memref<1x400x128xf32, #tpu.memory_space<vmem>> -> memref<400x128xf32, #tpu.memory_space<vmem>>
      %dma_wait3A_283 = arith.constant 300 : i32
      %dma_wait3A_284 = arith.constant 0 : i32
      %dma_wait3A_285 = tpu.memref_slice %dma_wait3A_282[%dma_wait3A_283, %dma_wait3A_284] : memref<400x128xf32, #tpu.memory_space<vmem>> -> memref<100x128xf32, #tpu.memory_space<vmem>>
      %dma_wait3A_286 = arith.constant 0 : i32
      %dma_wait3A_287 = tpu.memref_slice %arg7[%dma_wait3A_277, %dma_wait3A_286] : memref<8x100xi32, #tpu.memory_space<vmem>> -> memref<1x100xi32, #tpu.memory_space<vmem>>
      %dma_wait3A_288 = tpu.memref_squeeze %dma_wait3A_287 : memref<1x100xi32, #tpu.memory_space<vmem>> -> memref<100xi32, #tpu.memory_space<vmem>>
      %dma_wait3A_289 = arith.constant 0 : i32
      %dma_wait3A_290 = arith.constant 0 : i32
      %dma_wait3A_291 = tpu.memref_slice %arg3[%dma_wait3A_289, %dma_wait3A_290] : memref<100001x128xf32, #tpu.memory_space<hbm>> -> memref<100001x128xf32, #tpu.memory_space<hbm>>
      tpu.wait_indirect_dma semaphore(%arg16 : memref<!tpu.dma_semaphore, #tpu.memory_space<semaphore_mem>>) src(%dma_wait3A_291 : memref<100001x128xf32, #tpu.memory_space<hbm>>) dst(%dma_wait3A_285 : memref<100x128xf32, #tpu.memory_space<vmem>>)
      %add3A_292 = arith.constant 1 : i32
      %add3A_293 = arith.addi %add3A_90, %add3A_292 : i32
      %lt3A_294 = arith.constant 64 : i32
      %lt3A_295 = arith.cmpi slt, %add3A_293, %lt3A_294 : i32
      %convert_element_type3A_296 = arith.extui %lt3A_295 : i1 to i32
      %cond3A_297 = arith.constant 0 : i32
      %cond3A_298 = arith.cmpi ne, %convert_element_type3A_296, %cond3A_297 : i32
      scf.if %cond3A_298 {
        %dma_start3A_529 = arith.constant 0 : i32
        %dma_start3A_530 = arith.constant 0 : i32
        %dma_start3A_531 = arith.constant 0 : i32
        %dma_start3A_532 = arith.constant 0 : i32
        %dma_start3A_533 = tpu.memref_slice %arg9[%dma_start3A_530, %dma_start3A_531, %dma_start3A_532] : memref<2x400x128xf32, #tpu.memory_space<vmem>> -> memref<1x400x128xf32, #tpu.memory_space<vmem>>
        %dma_start3A_534 = tpu.memref_squeeze %dma_start3A_533 : memref<1x400x128xf32, #tpu.memory_space<vmem>> -> memref<400x128xf32, #tpu.memory_space<vmem>>
        %dma_start3A_535 = arith.constant 0 : i32
        %dma_start3A_536 = arith.constant 0 : i32
        %dma_start3A_537 = tpu.memref_slice %dma_start3A_534[%dma_start3A_535, %dma_start3A_536] : memref<400x128xf32, #tpu.memory_space<vmem>> -> memref<100x128xf32, #tpu.memory_space<vmem>>
        %dma_start3A_538 = arith.constant 0 : i32
        %dma_start3A_539 = tpu.memref_slice %arg8[%dma_start3A_529, %dma_start3A_538] : memref<8x100xi32, #tpu.memory_space<vmem>> -> memref<1x100xi32, #tpu.memory_space<vmem>>
        %dma_start3A_540 = tpu.memref_squeeze %dma_start3A_539 : memref<1x100xi32, #tpu.memory_space<vmem>> -> memref<100xi32, #tpu.memory_space<vmem>>
        %dma_start3A_541 = arith.constant 0 : i32
        %dma_start3A_542 = arith.constant 0 : i32
        %dma_start3A_543 = tpu.memref_slice %arg3[%dma_start3A_541, %dma_start3A_542] : memref<100001x128xf32, #tpu.memory_space<hbm>> -> memref<100001x128xf32, #tpu.memory_space<hbm>>
        tpu.enqueue_indirect_dma source(%dma_start3A_543 : memref<100001x128xf32, #tpu.memory_space<hbm>>) target(%dma_start3A_537 : memref<100x128xf32, #tpu.memory_space<vmem>>) offsets(%dma_start3A_540 : memref<100xi32, #tpu.memory_space<vmem>>) semaphore(%arg15 : memref<!tpu.dma_semaphore, #tpu.memory_space<semaphore_mem>>)
        %dma_start3A_544 = arith.constant 1 : i32
        %dma_start3A_545 = arith.constant 0 : i32
        %dma_start3A_546 = arith.constant 0 : i32
        %dma_start3A_547 = arith.constant 0 : i32
        %dma_start3A_548 = tpu.memref_slice %arg9[%dma_start3A_545, %dma_start3A_546, %dma_start3A_547] : memref<2x400x128xf32, #tpu.memory_space<vmem>> -> memref<1x400x128xf32, #tpu.memory_space<vmem>>
        %dma_start3A_549 = tpu.memref_squeeze %dma_start3A_548 : memref<1x400x128xf32, #tpu.memory_space<vmem>> -> memref<400x128xf32, #tpu.memory_space<vmem>>
        %dma_start3A_550 = arith.constant 100 : i32
        %dma_start3A_551 = arith.constant 0 : i32
        %dma_start3A_552 = tpu.memref_slice %dma_start3A_549[%dma_start3A_550, %dma_start3A_551] : memref<400x128xf32, #tpu.memory_space<vmem>> -> memref<100x128xf32, #tpu.memory_space<vmem>>
        %dma_start3A_553 = arith.constant 0 : i32
        %dma_start3A_554 = tpu.memref_slice %arg8[%dma_start3A_544, %dma_start3A_553] : memref<8x100xi32, #tpu.memory_space<vmem>> -> memref<1x100xi32, #tpu.memory_space<vmem>>
        %dma_start3A_555 = tpu.memref_squeeze %dma_start3A_554 : memref<1x100xi32, #tpu.memory_space<vmem>> -> memref<100xi32, #tpu.memory_space<vmem>>
        %dma_start3A_556 = arith.constant 0 : i32
        %dma_start3A_557 = arith.constant 0 : i32
        %dma_start3A_558 = tpu.memref_slice %arg3[%dma_start3A_556, %dma_start3A_557] : memref<100001x128xf32, #tpu.memory_space<hbm>> -> memref<100001x128xf32, #tpu.memory_space<hbm>>
        tpu.enqueue_indirect_dma source(%dma_start3A_558 : memref<100001x128xf32, #tpu.memory_space<hbm>>) target(%dma_start3A_552 : memref<100x128xf32, #tpu.memory_space<vmem>>) offsets(%dma_start3A_555 : memref<100xi32, #tpu.memory_space<vmem>>) semaphore(%arg15 : memref<!tpu.dma_semaphore, #tpu.memory_space<semaphore_mem>>)
        %dma_start3A_559 = arith.constant 2 : i32
        %dma_start3A_560 = arith.constant 0 : i32
        %dma_start3A_561 = arith.constant 0 : i32
        %dma_start3A_562 = arith.constant 0 : i32
        %dma_start3A_563 = tpu.memref_slice %arg9[%dma_start3A_560, %dma_start3A_561, %dma_start3A_562] : memref<2x400x128xf32, #tpu.memory_space<vmem>> -> memref<1x400x128xf32, #tpu.memory_space<vmem>>
        %dma_start3A_564 = tpu.memref_squeeze %dma_start3A_563 : memref<1x400x128xf32, #tpu.memory_space<vmem>> -> memref<400x128xf32, #tpu.memory_space<vmem>>
        %dma_start3A_565 = arith.constant 200 : i32
        %dma_start3A_566 = arith.constant 0 : i32
        %dma_start3A_567 = tpu.memref_slice %dma_start3A_564[%dma_start3A_565, %dma_start3A_566] : memref<400x128xf32, #tpu.memory_space<vmem>> -> memref<100x128xf32, #tpu.memory_space<vmem>>
        %dma_start3A_568 = arith.constant 0 : i32
        %dma_start3A_569 = tpu.memref_slice %arg8[%dma_start3A_559, %dma_start3A_568] : memref<8x100xi32, #tpu.memory_space<vmem>> -> memref<1x100xi32, #tpu.memory_space<vmem>>
        %dma_start3A_570 = tpu.memref_squeeze %dma_start3A_569 : memref<1x100xi32, #tpu.memory_space<vmem>> -> memref<100xi32, #tpu.memory_space<vmem>>
        %dma_start3A_571 = arith.constant 0 : i32
        %dma_start3A_572 = arith.constant 0 : i32
        %dma_start3A_573 = tpu.memref_slice %arg3[%dma_start3A_571, %dma_start3A_572] : memref<100001x128xf32, #tpu.memory_space<hbm>> -> memref<100001x128xf32, #tpu.memory_space<hbm>>
        tpu.enqueue_indirect_dma source(%dma_start3A_573 : memref<100001x128xf32, #tpu.memory_space<hbm>>) target(%dma_start3A_567 : memref<100x128xf32, #tpu.memory_space<vmem>>) offsets(%dma_start3A_570 : memref<100xi32, #tpu.memory_space<vmem>>) semaphore(%arg15 : memref<!tpu.dma_semaphore, #tpu.memory_space<semaphore_mem>>)
        %dma_start3A_574 = arith.constant 3 : i32
        %dma_start3A_575 = arith.constant 0 : i32
        %dma_start3A_576 = arith.constant 0 : i32
        %dma_start3A_577 = arith.constant 0 : i32
        %dma_start3A_578 = tpu.memref_slice %arg9[%dma_start3A_575, %dma_start3A_576, %dma_start3A_577] : memref<2x400x128xf32, #tpu.memory_space<vmem>> -> memref<1x400x128xf32, #tpu.memory_space<vmem>>
        %dma_start3A_579 = tpu.memref_squeeze %dma_start3A_578 : memref<1x400x128xf32, #tpu.memory_space<vmem>> -> memref<400x128xf32, #tpu.memory_space<vmem>>
        %dma_start3A_580 = arith.constant 300 : i32
        %dma_start3A_581 = arith.constant 0 : i32
        %dma_start3A_582 = tpu.memref_slice %dma_start3A_579[%dma_start3A_580, %dma_start3A_581] : memref<400x128xf32, #tpu.memory_space<vmem>> -> memref<100x128xf32, #tpu.memory_space<vmem>>
        %dma_start3A_583 = arith.constant 0 : i32
        %dma_start3A_584 = tpu.memref_slice %arg8[%dma_start3A_574, %dma_start3A_583] : memref<8x100xi32, #tpu.memory_space<vmem>> -> memref<1x100xi32, #tpu.memory_space<vmem>>
        %dma_start3A_585 = tpu.memref_squeeze %dma_start3A_584 : memref<1x100xi32, #tpu.memory_space<vmem>> -> memref<100xi32, #tpu.memory_space<vmem>>
        %dma_start3A_586 = arith.constant 0 : i32
        %dma_start3A_587 = arith.constant 0 : i32
        %dma_start3A_588 = tpu.memref_slice %arg3[%dma_start3A_586, %dma_start3A_587] : memref<100001x128xf32, #tpu.memory_space<hbm>> -> memref<100001x128xf32, #tpu.memory_space<hbm>>
        tpu.enqueue_indirect_dma source(%dma_start3A_588 : memref<100001x128xf32, #tpu.memory_space<hbm>>) target(%dma_start3A_582 : memref<100x128xf32, #tpu.memory_space<vmem>>) offsets(%dma_start3A_585 : memref<100xi32, #tpu.memory_space<vmem>>) semaphore(%arg15 : memref<!tpu.dma_semaphore, #tpu.memory_space<semaphore_mem>>)
      } else {
      }
      %run_scoped3A_299 = arith.constant 1 : i32
      %run_scoped3A_300 = arith.constant 0 : i32
      "tpu.region"() ({
        %run_scoped3A_529 = tpu.sem_alloc : memref<!tpu.dma_semaphore, #tpu.memory_space<semaphore_mem>>
        %dma_start3A_530 = arith.constant 0 : i32
        %dma_start3A_531 = arith.constant 0 : i32
        %dma_start3A_532 = tpu.memref_slice %arg9[%run_scoped3A_299, %dma_start3A_530, %dma_start3A_531] : memref<2x400x128xf32, #tpu.memory_space<vmem>> -> memref<1x400x128xf32, #tpu.memory_space<vmem>>
        %dma_start3A_533 = tpu.memref_squeeze %dma_start3A_532 : memref<1x400x128xf32, #tpu.memory_space<vmem>> -> memref<400x128xf32, #tpu.memory_space<vmem>>
        %dma_start3A_534 = arith.constant 0 : i32
        %dma_start3A_535 = arith.constant 0 : i32
        %dma_start3A_536 = tpu.memref_slice %dma_start3A_533[%dma_start3A_534, %dma_start3A_535] : memref<400x128xf32, #tpu.memory_space<vmem>> -> memref<100x128xf32, #tpu.memory_space<vmem>>
        %dma_start3A_537 = arith.constant 0 : i32
        %dma_start3A_538 = tpu.memref_slice %arg12[%run_scoped3A_300, %dma_start3A_537] : memref<4x100xi32, #tpu.memory_space<vmem>> -> memref<1x100xi32, #tpu.memory_space<vmem>>
        %dma_start3A_539 = tpu.memref_squeeze %dma_start3A_538 : memref<1x100xi32, #tpu.memory_space<vmem>> -> memref<100xi32, #tpu.memory_space<vmem>>
        %dma_start3A_540 = arith.constant 0 : i32
        %dma_start3A_541 = arith.constant 0 : i32
        %dma_start3A_542 = tpu.memref_slice %arg10[%dma_start3A_540, %dma_start3A_541] : memref<1280x128xf32, #tpu.memory_space<vmem_shared>> -> memref<1280x128xf32, #tpu.memory_space<vmem_shared>>
        tpu.enqueue_indirect_dma source(%dma_start3A_536 : memref<100x128xf32, #tpu.memory_space<vmem>>) target(%dma_start3A_542 : memref<1280x128xf32, #tpu.memory_space<vmem_shared>>) offsets(%dma_start3A_539 : memref<100xi32, #tpu.memory_space<vmem>>) semaphore(%run_scoped3A_529 : memref<!tpu.dma_semaphore, #tpu.memory_space<semaphore_mem>>) {add = true}
        %dma_wait3A_543 = arith.constant 0 : i32
        %dma_wait3A_544 = arith.constant 0 : i32
        %dma_wait3A_545 = tpu.memref_slice %arg9[%run_scoped3A_299, %dma_wait3A_543, %dma_wait3A_544] : memref<2x400x128xf32, #tpu.memory_space<vmem>> -> memref<1x400x128xf32, #tpu.memory_space<vmem>>
        %dma_wait3A_546 = tpu.memref_squeeze %dma_wait3A_545 : memref<1x400x128xf32, #tpu.memory_space<vmem>> -> memref<400x128xf32, #tpu.memory_space<vmem>>
        %dma_wait3A_547 = arith.constant 0 : i32
        %dma_wait3A_548 = arith.constant 0 : i32
        %dma_wait3A_549 = tpu.memref_slice %dma_wait3A_546[%dma_wait3A_547, %dma_wait3A_548] : memref<400x128xf32, #tpu.memory_space<vmem>> -> memref<100x128xf32, #tpu.memory_space<vmem>>
        %dma_wait3A_550 = arith.constant 0 : i32
        %dma_wait3A_551 = tpu.memref_slice %arg12[%run_scoped3A_300, %dma_wait3A_550] : memref<4x100xi32, #tpu.memory_space<vmem>> -> memref<1x100xi32, #tpu.memory_space<vmem>>
        %dma_wait3A_552 = tpu.memref_squeeze %dma_wait3A_551 : memref<1x100xi32, #tpu.memory_space<vmem>> -> memref<100xi32, #tpu.memory_space<vmem>>
        %dma_wait3A_553 = arith.constant 0 : i32
        %dma_wait3A_554 = arith.constant 0 : i32
        %dma_wait3A_555 = tpu.memref_slice %arg10[%dma_wait3A_553, %dma_wait3A_554] : memref<1280x128xf32, #tpu.memory_space<vmem_shared>> -> memref<1280x128xf32, #tpu.memory_space<vmem_shared>>
        tpu.wait_indirect_dma semaphore(%run_scoped3A_529 : memref<!tpu.dma_semaphore, #tpu.memory_space<semaphore_mem>>) src(%dma_wait3A_549 : memref<100x128xf32, #tpu.memory_space<vmem>>) dst(%dma_wait3A_555 : memref<1280x128xf32, #tpu.memory_space<vmem_shared>>)
        tpu.yield
      }) : () -> ()
      %run_scoped3A_301 = arith.constant 1 : i32
      %run_scoped3A_302 = arith.constant 1 : i32
      "tpu.region"() ({
        %run_scoped3A_529 = tpu.sem_alloc : memref<!tpu.dma_semaphore, #tpu.memory_space<semaphore_mem>>
        %dma_start3A_530 = arith.constant 0 : i32
        %dma_start3A_531 = arith.constant 0 : i32
        %dma_start3A_532 = tpu.memref_slice %arg9[%run_scoped3A_301, %dma_start3A_530, %dma_start3A_531] : memref<2x400x128xf32, #tpu.memory_space<vmem>> -> memref<1x400x128xf32, #tpu.memory_space<vmem>>
        %dma_start3A_533 = tpu.memref_squeeze %dma_start3A_532 : memref<1x400x128xf32, #tpu.memory_space<vmem>> -> memref<400x128xf32, #tpu.memory_space<vmem>>
        %dma_start3A_534 = arith.constant 100 : i32
        %dma_start3A_535 = arith.constant 0 : i32
        %dma_start3A_536 = tpu.memref_slice %dma_start3A_533[%dma_start3A_534, %dma_start3A_535] : memref<400x128xf32, #tpu.memory_space<vmem>> -> memref<100x128xf32, #tpu.memory_space<vmem>>
        %dma_start3A_537 = arith.constant 0 : i32
        %dma_start3A_538 = tpu.memref_slice %arg12[%run_scoped3A_302, %dma_start3A_537] : memref<4x100xi32, #tpu.memory_space<vmem>> -> memref<1x100xi32, #tpu.memory_space<vmem>>
        %dma_start3A_539 = tpu.memref_squeeze %dma_start3A_538 : memref<1x100xi32, #tpu.memory_space<vmem>> -> memref<100xi32, #tpu.memory_space<vmem>>
        %dma_start3A_540 = arith.constant 0 : i32
        %dma_start3A_541 = arith.constant 0 : i32
        %dma_start3A_542 = tpu.memref_slice %arg10[%dma_start3A_540, %dma_start3A_541] : memref<1280x128xf32, #tpu.memory_space<vmem_shared>> -> memref<1280x128xf32, #tpu.memory_space<vmem_shared>>
        tpu.enqueue_indirect_dma source(%dma_start3A_536 : memref<100x128xf32, #tpu.memory_space<vmem>>) target(%dma_start3A_542 : memref<1280x128xf32, #tpu.memory_space<vmem_shared>>) offsets(%dma_start3A_539 : memref<100xi32, #tpu.memory_space<vmem>>) semaphore(%run_scoped3A_529 : memref<!tpu.dma_semaphore, #tpu.memory_space<semaphore_mem>>) {add = true}
        %dma_wait3A_543 = arith.constant 0 : i32
        %dma_wait3A_544 = arith.constant 0 : i32
        %dma_wait3A_545 = tpu.memref_slice %arg9[%run_scoped3A_301, %dma_wait3A_543, %dma_wait3A_544] : memref<2x400x128xf32, #tpu.memory_space<vmem>> -> memref<1x400x128xf32, #tpu.memory_space<vmem>>
        %dma_wait3A_546 = tpu.memref_squeeze %dma_wait3A_545 : memref<1x400x128xf32, #tpu.memory_space<vmem>> -> memref<400x128xf32, #tpu.memory_space<vmem>>
        %dma_wait3A_547 = arith.constant 100 : i32
        %dma_wait3A_548 = arith.constant 0 : i32
        %dma_wait3A_549 = tpu.memref_slice %dma_wait3A_546[%dma_wait3A_547, %dma_wait3A_548] : memref<400x128xf32, #tpu.memory_space<vmem>> -> memref<100x128xf32, #tpu.memory_space<vmem>>
        %dma_wait3A_550 = arith.constant 0 : i32
        %dma_wait3A_551 = tpu.memref_slice %arg12[%run_scoped3A_302, %dma_wait3A_550] : memref<4x100xi32, #tpu.memory_space<vmem>> -> memref<1x100xi32, #tpu.memory_space<vmem>>
        %dma_wait3A_552 = tpu.memref_squeeze %dma_wait3A_551 : memref<1x100xi32, #tpu.memory_space<vmem>> -> memref<100xi32, #tpu.memory_space<vmem>>
        %dma_wait3A_553 = arith.constant 0 : i32
        %dma_wait3A_554 = arith.constant 0 : i32
        %dma_wait3A_555 = tpu.memref_slice %arg10[%dma_wait3A_553, %dma_wait3A_554] : memref<1280x128xf32, #tpu.memory_space<vmem_shared>> -> memref<1280x128xf32, #tpu.memory_space<vmem_shared>>
        tpu.wait_indirect_dma semaphore(%run_scoped3A_529 : memref<!tpu.dma_semaphore, #tpu.memory_space<semaphore_mem>>) src(%dma_wait3A_549 : memref<100x128xf32, #tpu.memory_space<vmem>>) dst(%dma_wait3A_555 : memref<1280x128xf32, #tpu.memory_space<vmem_shared>>)
        tpu.yield
      }) : () -> ()
      %run_scoped3A_303 = arith.constant 1 : i32
      %run_scoped3A_304 = arith.constant 2 : i32
      "tpu.region"() ({
        %run_scoped3A_529 = tpu.sem_alloc : memref<!tpu.dma_semaphore, #tpu.memory_space<semaphore_mem>>
        %dma_start3A_530 = arith.constant 0 : i32
        %dma_start3A_531 = arith.constant 0 : i32
        %dma_start3A_532 = tpu.memref_slice %arg9[%run_scoped3A_303, %dma_start3A_530, %dma_start3A_531] : memref<2x400x128xf32, #tpu.memory_space<vmem>> -> memref<1x400x128xf32, #tpu.memory_space<vmem>>
        %dma_start3A_533 = tpu.memref_squeeze %dma_start3A_532 : memref<1x400x128xf32, #tpu.memory_space<vmem>> -> memref<400x128xf32, #tpu.memory_space<vmem>>
        %dma_start3A_534 = arith.constant 200 : i32
        %dma_start3A_535 = arith.constant 0 : i32
        %dma_start3A_536 = tpu.memref_slice %dma_start3A_533[%dma_start3A_534, %dma_start3A_535] : memref<400x128xf32, #tpu.memory_space<vmem>> -> memref<100x128xf32, #tpu.memory_space<vmem>>
        %dma_start3A_537 = arith.constant 0 : i32
        %dma_start3A_538 = tpu.memref_slice %arg12[%run_scoped3A_304, %dma_start3A_537] : memref<4x100xi32, #tpu.memory_space<vmem>> -> memref<1x100xi32, #tpu.memory_space<vmem>>
        %dma_start3A_539 = tpu.memref_squeeze %dma_start3A_538 : memref<1x100xi32, #tpu.memory_space<vmem>> -> memref<100xi32, #tpu.memory_space<vmem>>
        %dma_start3A_540 = arith.constant 0 : i32
        %dma_start3A_541 = arith.constant 0 : i32
        %dma_start3A_542 = tpu.memref_slice %arg10[%dma_start3A_540, %dma_start3A_541] : memref<1280x128xf32, #tpu.memory_space<vmem_shared>> -> memref<1280x128xf32, #tpu.memory_space<vmem_shared>>
        tpu.enqueue_indirect_dma source(%dma_start3A_536 : memref<100x128xf32, #tpu.memory_space<vmem>>) target(%dma_start3A_542 : memref<1280x128xf32, #tpu.memory_space<vmem_shared>>) offsets(%dma_start3A_539 : memref<100xi32, #tpu.memory_space<vmem>>) semaphore(%run_scoped3A_529 : memref<!tpu.dma_semaphore, #tpu.memory_space<semaphore_mem>>) {add = true}
        %dma_wait3A_543 = arith.constant 0 : i32
        %dma_wait3A_544 = arith.constant 0 : i32
        %dma_wait3A_545 = tpu.memref_slice %arg9[%run_scoped3A_303, %dma_wait3A_543, %dma_wait3A_544] : memref<2x400x128xf32, #tpu.memory_space<vmem>> -> memref<1x400x128xf32, #tpu.memory_space<vmem>>
        %dma_wait3A_546 = tpu.memref_squeeze %dma_wait3A_545 : memref<1x400x128xf32, #tpu.memory_space<vmem>> -> memref<400x128xf32, #tpu.memory_space<vmem>>
        %dma_wait3A_547 = arith.constant 200 : i32
        %dma_wait3A_548 = arith.constant 0 : i32
        %dma_wait3A_549 = tpu.memref_slice %dma_wait3A_546[%dma_wait3A_547, %dma_wait3A_548] : memref<400x128xf32, #tpu.memory_space<vmem>> -> memref<100x128xf32, #tpu.memory_space<vmem>>
        %dma_wait3A_550 = arith.constant 0 : i32
        %dma_wait3A_551 = tpu.memref_slice %arg12[%run_scoped3A_304, %dma_wait3A_550] : memref<4x100xi32, #tpu.memory_space<vmem>> -> memref<1x100xi32, #tpu.memory_space<vmem>>
        %dma_wait3A_552 = tpu.memref_squeeze %dma_wait3A_551 : memref<1x100xi32, #tpu.memory_space<vmem>> -> memref<100xi32, #tpu.memory_space<vmem>>
        %dma_wait3A_553 = arith.constant 0 : i32
        %dma_wait3A_554 = arith.constant 0 : i32
        %dma_wait3A_555 = tpu.memref_slice %arg10[%dma_wait3A_553, %dma_wait3A_554] : memref<1280x128xf32, #tpu.memory_space<vmem_shared>> -> memref<1280x128xf32, #tpu.memory_space<vmem_shared>>
        tpu.wait_indirect_dma semaphore(%run_scoped3A_529 : memref<!tpu.dma_semaphore, #tpu.memory_space<semaphore_mem>>) src(%dma_wait3A_549 : memref<100x128xf32, #tpu.memory_space<vmem>>) dst(%dma_wait3A_555 : memref<1280x128xf32, #tpu.memory_space<vmem_shared>>)
        tpu.yield
      }) : () -> ()
      %run_scoped3A_305 = arith.constant 1 : i32
      %run_scoped3A_306 = arith.constant 3 : i32
      "tpu.region"() ({
        %run_scoped3A_529 = tpu.sem_alloc : memref<!tpu.dma_semaphore, #tpu.memory_space<semaphore_mem>>
        %dma_start3A_530 = arith.constant 0 : i32
        %dma_start3A_531 = arith.constant 0 : i32
        %dma_start3A_532 = tpu.memref_slice %arg9[%run_scoped3A_305, %dma_start3A_530, %dma_start3A_531] : memref<2x400x128xf32, #tpu.memory_space<vmem>> -> memref<1x400x128xf32, #tpu.memory_space<vmem>>
        %dma_start3A_533 = tpu.memref_squeeze %dma_start3A_532 : memref<1x400x128xf32, #tpu.memory_space<vmem>> -> memref<400x128xf32, #tpu.memory_space<vmem>>
        %dma_start3A_534 = arith.constant 300 : i32
        %dma_start3A_535 = arith.constant 0 : i32
        %dma_start3A_536 = tpu.memref_slice %dma_start3A_533[%dma_start3A_534, %dma_start3A_535] : memref<400x128xf32, #tpu.memory_space<vmem>> -> memref<100x128xf32, #tpu.memory_space<vmem>>
        %dma_start3A_537 = arith.constant 0 : i32
        %dma_start3A_538 = tpu.memref_slice %arg12[%run_scoped3A_306, %dma_start3A_537] : memref<4x100xi32, #tpu.memory_space<vmem>> -> memref<1x100xi32, #tpu.memory_space<vmem>>
        %dma_start3A_539 = tpu.memref_squeeze %dma_start3A_538 : memref<1x100xi32, #tpu.memory_space<vmem>> -> memref<100xi32, #tpu.memory_space<vmem>>
        %dma_start3A_540 = arith.constant 0 : i32
        %dma_start3A_541 = arith.constant 0 : i32
        %dma_start3A_542 = tpu.memref_slice %arg10[%dma_start3A_540, %dma_start3A_541] : memref<1280x128xf32, #tpu.memory_space<vmem_shared>> -> memref<1280x128xf32, #tpu.memory_space<vmem_shared>>
        tpu.enqueue_indirect_dma source(%dma_start3A_536 : memref<100x128xf32, #tpu.memory_space<vmem>>) target(%dma_start3A_542 : memref<1280x128xf32, #tpu.memory_space<vmem_shared>>) offsets(%dma_start3A_539 : memref<100xi32, #tpu.memory_space<vmem>>) semaphore(%run_scoped3A_529 : memref<!tpu.dma_semaphore, #tpu.memory_space<semaphore_mem>>) {add = true}
        %dma_wait3A_543 = arith.constant 0 : i32
        %dma_wait3A_544 = arith.constant 0 : i32
        %dma_wait3A_545 = tpu.memref_slice %arg9[%run_scoped3A_305, %dma_wait3A_543, %dma_wait3A_544] : memref<2x400x128xf32, #tpu.memory_space<vmem>> -> memref<1x400x128xf32, #tpu.memory_space<vmem>>
        %dma_wait3A_546 = tpu.memref_squeeze %dma_wait3A_545 : memref<1x400x128xf32, #tpu.memory_space<vmem>> -> memref<400x128xf32, #tpu.memory_space<vmem>>
        %dma_wait3A_547 = arith.constant 300 : i32
        %dma_wait3A_548 = arith.constant 0 : i32
        %dma_wait3A_549 = tpu.memref_slice %dma_wait3A_546[%dma_wait3A_547, %dma_wait3A_548] : memref<400x128xf32, #tpu.memory_space<vmem>> -> memref<100x128xf32, #tpu.memory_space<vmem>>
        %dma_wait3A_550 = arith.constant 0 : i32
        %dma_wait3A_551 = tpu.memref_slice %arg12[%run_scoped3A_306, %dma_wait3A_550] : memref<4x100xi32, #tpu.memory_space<vmem>> -> memref<1x100xi32, #tpu.memory_space<vmem>>
        %dma_wait3A_552 = tpu.memref_squeeze %dma_wait3A_551 : memref<1x100xi32, #tpu.memory_space<vmem>> -> memref<100xi32, #tpu.memory_space<vmem>>
        %dma_wait3A_553 = arith.constant 0 : i32
        %dma_wait3A_554 = arith.constant 0 : i32
        %dma_wait3A_555 = tpu.memref_slice %arg10[%dma_wait3A_553, %dma_wait3A_554] : memref<1280x128xf32, #tpu.memory_space<vmem_shared>> -> memref<1280x128xf32, #tpu.memory_space<vmem_shared>>
        tpu.wait_indirect_dma semaphore(%run_scoped3A_529 : memref<!tpu.dma_semaphore, #tpu.memory_space<semaphore_mem>>) src(%dma_wait3A_549 : memref<100x128xf32, #tpu.memory_space<vmem>>) dst(%dma_wait3A_555 : memref<1280x128xf32, #tpu.memory_space<vmem_shared>>)
        tpu.yield
      }) : () -> ()
      %add3A_307 = arith.constant 1 : i32
      %add3A_308 = arith.addi %add3A_90, %add3A_307 : i32
      %add3A_309 = arith.constant 1 : i32
      %add3A_310 = arith.addi %add3A_308, %add3A_309 : i32
      %lt3A_311 = arith.constant 64 : i32
      %lt3A_312 = arith.cmpi slt, %add3A_310, %lt3A_311 : i32
      %convert_element_type3A_313 = arith.extui %lt3A_312 : i1 to i32
      %cond3A_314 = arith.constant 0 : i32
      %cond3A_315 = arith.cmpi ne, %convert_element_type3A_313, %cond3A_314 : i32
      scf.if %cond3A_315 {
        %add3A_529 = arith.addi %mul3A_4, %add3A_308 : i32
        %add3A_530 = arith.constant 1 : i32
        %add3A_531 = arith.addi %add3A_529, %add3A_530 : i32
        "tpu.region"() ({
          %run_scoped3A_532 = tpu.sem_alloc : memref<!tpu.dma_semaphore, #tpu.memory_space<semaphore_mem>>
          %dma_start3A_533 = arith.constant 0 : i32
          %dma_start3A_534 = arith.constant 0 : i32
          %dma_start3A_535 = tpu.memref_slice %arg2[%add3A_531, %dma_start3A_533, %dma_start3A_534] : memref<2048x8x100xi32, #tpu.memory_space<hbm>> -> memref<1x8x100xi32, #tpu.memory_space<hbm>>
          %dma_start3A_536 = tpu.memref_squeeze %dma_start3A_535 : memref<1x8x100xi32, #tpu.memory_space<hbm>> -> memref<8x100xi32, #tpu.memory_space<hbm>>
          %dma_start3A_537 = arith.constant 0 : i32
          %dma_start3A_538 = arith.constant 0 : i32
          %dma_start3A_539 = tpu.memref_slice %arg2[%add3A_531, %dma_start3A_537, %dma_start3A_538] : memref<2048x8x100xi32, #tpu.memory_space<hbm>> -> memref<1x8x100xi32, #tpu.memory_space<hbm>>
          %dma_start3A_540 = tpu.memref_squeeze %dma_start3A_539 : memref<1x8x100xi32, #tpu.memory_space<hbm>> -> memref<8x100xi32, #tpu.memory_space<hbm>>
          tpu.enqueue_dma source(%dma_start3A_540 : memref<8x100xi32, #tpu.memory_space<hbm>>) target(%arg7 : memref<8x100xi32, #tpu.memory_space<vmem>>) target_semaphore(%run_scoped3A_532 : memref<!tpu.dma_semaphore, #tpu.memory_space<semaphore_mem>>)
          %dma_wait3A_541 = arith.constant 0 : i32
          %dma_wait3A_542 = arith.constant 0 : i32
          %dma_wait3A_543 = tpu.memref_slice %arg2[%add3A_531, %dma_wait3A_541, %dma_wait3A_542] : memref<2048x8x100xi32, #tpu.memory_space<hbm>> -> memref<1x8x100xi32, #tpu.memory_space<hbm>>
          %dma_wait3A_544 = tpu.memref_squeeze %dma_wait3A_543 : memref<1x8x100xi32, #tpu.memory_space<hbm>> -> memref<8x100xi32, #tpu.memory_space<hbm>>
          %dma_wait3A_545 = arith.constant 0 : i32
          %dma_wait3A_546 = arith.constant 0 : i32
          %dma_wait3A_547 = tpu.memref_slice %arg2[%add3A_531, %dma_wait3A_545, %dma_wait3A_546] : memref<2048x8x100xi32, #tpu.memory_space<hbm>> -> memref<1x8x100xi32, #tpu.memory_space<hbm>>
          %dma_wait3A_548 = tpu.memref_squeeze %dma_wait3A_547 : memref<1x8x100xi32, #tpu.memory_space<hbm>> -> memref<8x100xi32, #tpu.memory_space<hbm>>
          tpu.wait_dma2 semaphore(%run_scoped3A_532 : memref<!tpu.dma_semaphore, #tpu.memory_space<semaphore_mem>>) src(%dma_wait3A_548 : memref<8x100xi32, #tpu.memory_space<hbm>>) dst(%arg7 : memref<8x100xi32, #tpu.memory_space<vmem>>)
          tpu.yield
        }) : () -> ()
      } else {
      }
      %dma_wait3A_316 = arith.constant 0 : i32
      %dma_wait3A_317 = arith.constant 0 : i32
      %dma_wait3A_318 = arith.constant 0 : i32
      %dma_wait3A_319 = arith.constant 0 : i32
      %dma_wait3A_320 = tpu.memref_slice %arg9[%dma_wait3A_317, %dma_wait3A_318, %dma_wait3A_319] : memref<2x400x128xf32, #tpu.memory_space<vmem>> -> memref<1x400x128xf32, #tpu.memory_space<vmem>>
      %dma_wait3A_321 = tpu.memref_squeeze %dma_wait3A_320 : memref<1x400x128xf32, #tpu.memory_space<vmem>> -> memref<400x128xf32, #tpu.memory_space<vmem>>
      %dma_wait3A_322 = arith.constant 0 : i32
      %dma_wait3A_323 = arith.constant 0 : i32
      %dma_wait3A_324 = tpu.memref_slice %dma_wait3A_321[%dma_wait3A_322, %dma_wait3A_323] : memref<400x128xf32, #tpu.memory_space<vmem>> -> memref<100x128xf32, #tpu.memory_space<vmem>>
      %dma_wait3A_325 = arith.constant 0 : i32
      %dma_wait3A_326 = tpu.memref_slice %arg8[%dma_wait3A_316, %dma_wait3A_325] : memref<8x100xi32, #tpu.memory_space<vmem>> -> memref<1x100xi32, #tpu.memory_space<vmem>>
      %dma_wait3A_327 = tpu.memref_squeeze %dma_wait3A_326 : memref<1x100xi32, #tpu.memory_space<vmem>> -> memref<100xi32, #tpu.memory_space<vmem>>
      %dma_wait3A_328 = arith.constant 0 : i32
      %dma_wait3A_329 = arith.constant 0 : i32
      %dma_wait3A_330 = tpu.memref_slice %arg3[%dma_wait3A_328, %dma_wait3A_329] : memref<100001x128xf32, #tpu.memory_space<hbm>> -> memref<100001x128xf32, #tpu.memory_space<hbm>>
      tpu.wait_indirect_dma semaphore(%arg15 : memref<!tpu.dma_semaphore, #tpu.memory_space<semaphore_mem>>) src(%dma_wait3A_330 : memref<100001x128xf32, #tpu.memory_space<hbm>>) dst(%dma_wait3A_324 : memref<100x128xf32, #tpu.memory_space<vmem>>)
      %dma_wait3A_331 = arith.constant 1 : i32
      %dma_wait3A_332 = arith.constant 0 : i32
      %dma_wait3A_333 = arith.constant 0 : i32
      %dma_wait3A_334 = arith.constant 0 : i32
      %dma_wait3A_335 = tpu.memref_slice %arg9[%dma_wait3A_332, %dma_wait3A_333, %dma_wait3A_334] : memref<2x400x128xf32, #tpu.memory_space<vmem>> -> memref<1x400x128xf32, #tpu.memory_space<vmem>>
      %dma_wait3A_336 = tpu.memref_squeeze %dma_wait3A_335 : memref<1x400x128xf32, #tpu.memory_space<vmem>> -> memref<400x128xf32, #tpu.memory_space<vmem>>
      %dma_wait3A_337 = arith.constant 100 : i32
      %dma_wait3A_338 = arith.constant 0 : i32
      %dma_wait3A_339 = tpu.memref_slice %dma_wait3A_336[%dma_wait3A_337, %dma_wait3A_338] : memref<400x128xf32, #tpu.memory_space<vmem>> -> memref<100x128xf32, #tpu.memory_space<vmem>>
      %dma_wait3A_340 = arith.constant 0 : i32
      %dma_wait3A_341 = tpu.memref_slice %arg8[%dma_wait3A_331, %dma_wait3A_340] : memref<8x100xi32, #tpu.memory_space<vmem>> -> memref<1x100xi32, #tpu.memory_space<vmem>>
      %dma_wait3A_342 = tpu.memref_squeeze %dma_wait3A_341 : memref<1x100xi32, #tpu.memory_space<vmem>> -> memref<100xi32, #tpu.memory_space<vmem>>
      %dma_wait3A_343 = arith.constant 0 : i32
      %dma_wait3A_344 = arith.constant 0 : i32
      %dma_wait3A_345 = tpu.memref_slice %arg3[%dma_wait3A_343, %dma_wait3A_344] : memref<100001x128xf32, #tpu.memory_space<hbm>> -> memref<100001x128xf32, #tpu.memory_space<hbm>>
      tpu.wait_indirect_dma semaphore(%arg15 : memref<!tpu.dma_semaphore, #tpu.memory_space<semaphore_mem>>) src(%dma_wait3A_345 : memref<100001x128xf32, #tpu.memory_space<hbm>>) dst(%dma_wait3A_339 : memref<100x128xf32, #tpu.memory_space<vmem>>)
      %dma_wait3A_346 = arith.constant 2 : i32
      %dma_wait3A_347 = arith.constant 0 : i32
      %dma_wait3A_348 = arith.constant 0 : i32
      %dma_wait3A_349 = arith.constant 0 : i32
      %dma_wait3A_350 = tpu.memref_slice %arg9[%dma_wait3A_347, %dma_wait3A_348, %dma_wait3A_349] : memref<2x400x128xf32, #tpu.memory_space<vmem>> -> memref<1x400x128xf32, #tpu.memory_space<vmem>>
      %dma_wait3A_351 = tpu.memref_squeeze %dma_wait3A_350 : memref<1x400x128xf32, #tpu.memory_space<vmem>> -> memref<400x128xf32, #tpu.memory_space<vmem>>
      %dma_wait3A_352 = arith.constant 200 : i32
      %dma_wait3A_353 = arith.constant 0 : i32
      %dma_wait3A_354 = tpu.memref_slice %dma_wait3A_351[%dma_wait3A_352, %dma_wait3A_353] : memref<400x128xf32, #tpu.memory_space<vmem>> -> memref<100x128xf32, #tpu.memory_space<vmem>>
      %dma_wait3A_355 = arith.constant 0 : i32
      %dma_wait3A_356 = tpu.memref_slice %arg8[%dma_wait3A_346, %dma_wait3A_355] : memref<8x100xi32, #tpu.memory_space<vmem>> -> memref<1x100xi32, #tpu.memory_space<vmem>>
      %dma_wait3A_357 = tpu.memref_squeeze %dma_wait3A_356 : memref<1x100xi32, #tpu.memory_space<vmem>> -> memref<100xi32, #tpu.memory_space<vmem>>
      %dma_wait3A_358 = arith.constant 0 : i32
      %dma_wait3A_359 = arith.constant 0 : i32
      %dma_wait3A_360 = tpu.memref_slice %arg3[%dma_wait3A_358, %dma_wait3A_359] : memref<100001x128xf32, #tpu.memory_space<hbm>> -> memref<100001x128xf32, #tpu.memory_space<hbm>>
      tpu.wait_indirect_dma semaphore(%arg15 : memref<!tpu.dma_semaphore, #tpu.memory_space<semaphore_mem>>) src(%dma_wait3A_360 : memref<100001x128xf32, #tpu.memory_space<hbm>>) dst(%dma_wait3A_354 : memref<100x128xf32, #tpu.memory_space<vmem>>)
      %dma_wait3A_361 = arith.constant 3 : i32
      %dma_wait3A_362 = arith.constant 0 : i32
      %dma_wait3A_363 = arith.constant 0 : i32
      %dma_wait3A_364 = arith.constant 0 : i32
      %dma_wait3A_365 = tpu.memref_slice %arg9[%dma_wait3A_362, %dma_wait3A_363, %dma_wait3A_364] : memref<2x400x128xf32, #tpu.memory_space<vmem>> -> memref<1x400x128xf32, #tpu.memory_space<vmem>>
      %dma_wait3A_366 = tpu.memref_squeeze %dma_wait3A_365 : memref<1x400x128xf32, #tpu.memory_space<vmem>> -> memref<400x128xf32, #tpu.memory_space<vmem>>
      %dma_wait3A_367 = arith.constant 300 : i32
      %dma_wait3A_368 = arith.constant 0 : i32
      %dma_wait3A_369 = tpu.memref_slice %dma_wait3A_366[%dma_wait3A_367, %dma_wait3A_368] : memref<400x128xf32, #tpu.memory_space<vmem>> -> memref<100x128xf32, #tpu.memory_space<vmem>>
      %dma_wait3A_370 = arith.constant 0 : i32
      %dma_wait3A_371 = tpu.memref_slice %arg8[%dma_wait3A_361, %dma_wait3A_370] : memref<8x100xi32, #tpu.memory_space<vmem>> -> memref<1x100xi32, #tpu.memory_space<vmem>>
      %dma_wait3A_372 = tpu.memref_squeeze %dma_wait3A_371 : memref<1x100xi32, #tpu.memory_space<vmem>> -> memref<100xi32, #tpu.memory_space<vmem>>
      %dma_wait3A_373 = arith.constant 0 : i32
      %dma_wait3A_374 = arith.constant 0 : i32
      %dma_wait3A_375 = tpu.memref_slice %arg3[%dma_wait3A_373, %dma_wait3A_374] : memref<100001x128xf32, #tpu.memory_space<hbm>> -> memref<100001x128xf32, #tpu.memory_space<hbm>>
      tpu.wait_indirect_dma semaphore(%arg15 : memref<!tpu.dma_semaphore, #tpu.memory_space<semaphore_mem>>) src(%dma_wait3A_375 : memref<100001x128xf32, #tpu.memory_space<hbm>>) dst(%dma_wait3A_369 : memref<100x128xf32, #tpu.memory_space<vmem>>)
      %dma_start3A_376 = arith.constant 4 : i32
      %dma_start3A_377 = arith.constant 1 : i32
      %dma_start3A_378 = arith.constant 0 : i32
      %dma_start3A_379 = arith.constant 0 : i32
      %dma_start3A_380 = tpu.memref_slice %arg9[%dma_start3A_377, %dma_start3A_378, %dma_start3A_379] : memref<2x400x128xf32, #tpu.memory_space<vmem>> -> memref<1x400x128xf32, #tpu.memory_space<vmem>>
      %dma_start3A_381 = tpu.memref_squeeze %dma_start3A_380 : memref<1x400x128xf32, #tpu.memory_space<vmem>> -> memref<400x128xf32, #tpu.memory_space<vmem>>
      %dma_start3A_382 = arith.constant 0 : i32
      %dma_start3A_383 = arith.constant 0 : i32
      %dma_start3A_384 = tpu.memref_slice %dma_start3A_381[%dma_start3A_382, %dma_start3A_383] : memref<400x128xf32, #tpu.memory_space<vmem>> -> memref<100x128xf32, #tpu.memory_space<vmem>>
      %dma_start3A_385 = arith.constant 0 : i32
      %dma_start3A_386 = tpu.memref_slice %arg8[%dma_start3A_376, %dma_start3A_385] : memref<8x100xi32, #tpu.memory_space<vmem>> -> memref<1x100xi32, #tpu.memory_space<vmem>>
      %dma_start3A_387 = tpu.memref_squeeze %dma_start3A_386 : memref<1x100xi32, #tpu.memory_space<vmem>> -> memref<100xi32, #tpu.memory_space<vmem>>
      %dma_start3A_388 = arith.constant 0 : i32
      %dma_start3A_389 = arith.constant 0 : i32
      %dma_start3A_390 = tpu.memref_slice %arg3[%dma_start3A_388, %dma_start3A_389] : memref<100001x128xf32, #tpu.memory_space<hbm>> -> memref<100001x128xf32, #tpu.memory_space<hbm>>
      tpu.enqueue_indirect_dma source(%dma_start3A_390 : memref<100001x128xf32, #tpu.memory_space<hbm>>) target(%dma_start3A_384 : memref<100x128xf32, #tpu.memory_space<vmem>>) offsets(%dma_start3A_387 : memref<100xi32, #tpu.memory_space<vmem>>) semaphore(%arg16 : memref<!tpu.dma_semaphore, #tpu.memory_space<semaphore_mem>>)
      %dma_start3A_391 = arith.constant 5 : i32
      %dma_start3A_392 = arith.constant 1 : i32
      %dma_start3A_393 = arith.constant 0 : i32
      %dma_start3A_394 = arith.constant 0 : i32
      %dma_start3A_395 = tpu.memref_slice %arg9[%dma_start3A_392, %dma_start3A_393, %dma_start3A_394] : memref<2x400x128xf32, #tpu.memory_space<vmem>> -> memref<1x400x128xf32, #tpu.memory_space<vmem>>
      %dma_start3A_396 = tpu.memref_squeeze %dma_start3A_395 : memref<1x400x128xf32, #tpu.memory_space<vmem>> -> memref<400x128xf32, #tpu.memory_space<vmem>>
      %dma_start3A_397 = arith.constant 100 : i32
      %dma_start3A_398 = arith.constant 0 : i32
      %dma_start3A_399 = tpu.memref_slice %dma_start3A_396[%dma_start3A_397, %dma_start3A_398] : memref<400x128xf32, #tpu.memory_space<vmem>> -> memref<100x128xf32, #tpu.memory_space<vmem>>
      %dma_start3A_400 = arith.constant 0 : i32
      %dma_start3A_401 = tpu.memref_slice %arg8[%dma_start3A_391, %dma_start3A_400] : memref<8x100xi32, #tpu.memory_space<vmem>> -> memref<1x100xi32, #tpu.memory_space<vmem>>
      %dma_start3A_402 = tpu.memref_squeeze %dma_start3A_401 : memref<1x100xi32, #tpu.memory_space<vmem>> -> memref<100xi32, #tpu.memory_space<vmem>>
      %dma_start3A_403 = arith.constant 0 : i32
      %dma_start3A_404 = arith.constant 0 : i32
      %dma_start3A_405 = tpu.memref_slice %arg3[%dma_start3A_403, %dma_start3A_404] : memref<100001x128xf32, #tpu.memory_space<hbm>> -> memref<100001x128xf32, #tpu.memory_space<hbm>>
      tpu.enqueue_indirect_dma source(%dma_start3A_405 : memref<100001x128xf32, #tpu.memory_space<hbm>>) target(%dma_start3A_399 : memref<100x128xf32, #tpu.memory_space<vmem>>) offsets(%dma_start3A_402 : memref<100xi32, #tpu.memory_space<vmem>>) semaphore(%arg16 : memref<!tpu.dma_semaphore, #tpu.memory_space<semaphore_mem>>)
      %dma_start3A_406 = arith.constant 6 : i32
      %dma_start3A_407 = arith.constant 1 : i32
      %dma_start3A_408 = arith.constant 0 : i32
      %dma_start3A_409 = arith.constant 0 : i32
      %dma_start3A_410 = tpu.memref_slice %arg9[%dma_start3A_407, %dma_start3A_408, %dma_start3A_409] : memref<2x400x128xf32, #tpu.memory_space<vmem>> -> memref<1x400x128xf32, #tpu.memory_space<vmem>>
      %dma_start3A_411 = tpu.memref_squeeze %dma_start3A_410 : memref<1x400x128xf32, #tpu.memory_space<vmem>> -> memref<400x128xf32, #tpu.memory_space<vmem>>
      %dma_start3A_412 = arith.constant 200 : i32
      %dma_start3A_413 = arith.constant 0 : i32
      %dma_start3A_414 = tpu.memref_slice %dma_start3A_411[%dma_start3A_412, %dma_start3A_413] : memref<400x128xf32, #tpu.memory_space<vmem>> -> memref<100x128xf32, #tpu.memory_space<vmem>>
      %dma_start3A_415 = arith.constant 0 : i32
      %dma_start3A_416 = tpu.memref_slice %arg8[%dma_start3A_406, %dma_start3A_415] : memref<8x100xi32, #tpu.memory_space<vmem>> -> memref<1x100xi32, #tpu.memory_space<vmem>>
      %dma_start3A_417 = tpu.memref_squeeze %dma_start3A_416 : memref<1x100xi32, #tpu.memory_space<vmem>> -> memref<100xi32, #tpu.memory_space<vmem>>
      %dma_start3A_418 = arith.constant 0 : i32
      %dma_start3A_419 = arith.constant 0 : i32
      %dma_start3A_420 = tpu.memref_slice %arg3[%dma_start3A_418, %dma_start3A_419] : memref<100001x128xf32, #tpu.memory_space<hbm>> -> memref<100001x128xf32, #tpu.memory_space<hbm>>
      tpu.enqueue_indirect_dma source(%dma_start3A_420 : memref<100001x128xf32, #tpu.memory_space<hbm>>) target(%dma_start3A_414 : memref<100x128xf32, #tpu.memory_space<vmem>>) offsets(%dma_start3A_417 : memref<100xi32, #tpu.memory_space<vmem>>) semaphore(%arg16 : memref<!tpu.dma_semaphore, #tpu.memory_space<semaphore_mem>>)
      %dma_start3A_421 = arith.constant 7 : i32
      %dma_start3A_422 = arith.constant 1 : i32
      %dma_start3A_423 = arith.constant 0 : i32
      %dma_start3A_424 = arith.constant 0 : i32
      %dma_start3A_425 = tpu.memref_slice %arg9[%dma_start3A_422, %dma_start3A_423, %dma_start3A_424] : memref<2x400x128xf32, #tpu.memory_space<vmem>> -> memref<1x400x128xf32, #tpu.memory_space<vmem>>
      %dma_start3A_426 = tpu.memref_squeeze %dma_start3A_425 : memref<1x400x128xf32, #tpu.memory_space<vmem>> -> memref<400x128xf32, #tpu.memory_space<vmem>>
      %dma_start3A_427 = arith.constant 300 : i32
      %dma_start3A_428 = arith.constant 0 : i32
      %dma_start3A_429 = tpu.memref_slice %dma_start3A_426[%dma_start3A_427, %dma_start3A_428] : memref<400x128xf32, #tpu.memory_space<vmem>> -> memref<100x128xf32, #tpu.memory_space<vmem>>
      %dma_start3A_430 = arith.constant 0 : i32
      %dma_start3A_431 = tpu.memref_slice %arg8[%dma_start3A_421, %dma_start3A_430] : memref<8x100xi32, #tpu.memory_space<vmem>> -> memref<1x100xi32, #tpu.memory_space<vmem>>
      %dma_start3A_432 = tpu.memref_squeeze %dma_start3A_431 : memref<1x100xi32, #tpu.memory_space<vmem>> -> memref<100xi32, #tpu.memory_space<vmem>>
      %dma_start3A_433 = arith.constant 0 : i32
      %dma_start3A_434 = arith.constant 0 : i32
      %dma_start3A_435 = tpu.memref_slice %arg3[%dma_start3A_433, %dma_start3A_434] : memref<100001x128xf32, #tpu.memory_space<hbm>> -> memref<100001x128xf32, #tpu.memory_space<hbm>>
      tpu.enqueue_indirect_dma source(%dma_start3A_435 : memref<100001x128xf32, #tpu.memory_space<hbm>>) target(%dma_start3A_429 : memref<100x128xf32, #tpu.memory_space<vmem>>) offsets(%dma_start3A_432 : memref<100xi32, #tpu.memory_space<vmem>>) semaphore(%arg16 : memref<!tpu.dma_semaphore, #tpu.memory_space<semaphore_mem>>)
      %ge3A_436 = arith.constant 2 : i32
      %ge3A_437 = arith.cmpi sge, %add3A_308, %ge3A_436 : i32
      %convert_element_type3A_438 = arith.extui %ge3A_437 : i1 to i32
      %cond3A_439 = arith.constant 0 : i32
      %cond3A_440 = arith.cmpi ne, %convert_element_type3A_438, %cond3A_439 : i32
      scf.if %cond3A_440 {
        %sub3A = arith.constant 2 : i32
        %sub3A_529 = arith.subi %add3A_308, %sub3A : i32
        %mul3A_530 = arith.constant 40 : i32
        %mul3A_531 = arith.muli %sub3A_529, %mul3A_530 : i32
        %add3A_532 = arith.addi %mul3A_2, %mul3A_531 : i32
        %dma_wait3A_533 = arith.constant 0 : i32
        %dma_wait3A_534 = tpu.memref_slice %arg6[%add3A_532, %dma_wait3A_533] : memref<81920x128xf32, #tpu.memory_space<hbm>> -> memref<40x128xf32, #tpu.memory_space<hbm>>
        %dma_wait3A_535 = arith.constant 0 : i32
        %dma_wait3A_536 = tpu.memref_slice %arg10[%add3A_8, %dma_wait3A_535] : memref<1280x128xf32, #tpu.memory_space<vmem_shared>> -> memref<40x128xf32, #tpu.memory_space<vmem_shared>>
        tpu.wait_dma2 semaphore(%arg17 : memref<!tpu.dma_semaphore, #tpu.memory_space<semaphore_mem>>) src(%dma_wait3A_536 : memref<40x128xf32, #tpu.memory_space<vmem_shared>>) dst(%dma_wait3A_534 : memref<40x128xf32, #tpu.memory_space<hbm>>)
      } else {
      }
      "tpu.region"() ({
        %run_scoped3A_529 = tpu.sem_alloc : memref<!tpu.dma_semaphore, #tpu.memory_space<semaphore_mem>>
        %dma_start3A_530 = arith.constant 0 : i32
        %dma_start3A_531 = tpu.memref_slice %arg10[%add3A_8, %dma_start3A_530] : memref<1280x128xf32, #tpu.memory_space<vmem_shared>> -> memref<40x128xf32, #tpu.memory_space<vmem_shared>>
        tpu.enqueue_dma source(%arg4 : memref<40x128xf32, #tpu.memory_space<hbm>>) target(%dma_start3A_531 : memref<40x128xf32, #tpu.memory_space<vmem_shared>>) target_semaphore(%run_scoped3A_529 : memref<!tpu.dma_semaphore, #tpu.memory_space<semaphore_mem>>)
        %dma_wait3A_532 = arith.constant 0 : i32
        %dma_wait3A_533 = tpu.memref_slice %arg10[%add3A_8, %dma_wait3A_532] : memref<1280x128xf32, #tpu.memory_space<vmem_shared>> -> memref<40x128xf32, #tpu.memory_space<vmem_shared>>
        tpu.wait_dma2 semaphore(%run_scoped3A_529 : memref<!tpu.dma_semaphore, #tpu.memory_space<semaphore_mem>>) src(%arg4 : memref<40x128xf32, #tpu.memory_space<hbm>>) dst(%dma_wait3A_533 : memref<40x128xf32, #tpu.memory_space<vmem_shared>>)
        tpu.yield
      }) : () -> ()
      %run_scoped3A_441 = arith.constant 0 : i32
      %run_scoped3A_442 = arith.constant 0 : i32
      "tpu.region"() ({
        %run_scoped3A_529 = tpu.sem_alloc : memref<!tpu.dma_semaphore, #tpu.memory_space<semaphore_mem>>
        %dma_start3A_530 = arith.constant 0 : i32
        %dma_start3A_531 = arith.constant 0 : i32
        %dma_start3A_532 = tpu.memref_slice %arg9[%run_scoped3A_441, %dma_start3A_530, %dma_start3A_531] : memref<2x400x128xf32, #tpu.memory_space<vmem>> -> memref<1x400x128xf32, #tpu.memory_space<vmem>>
        %dma_start3A_533 = tpu.memref_squeeze %dma_start3A_532 : memref<1x400x128xf32, #tpu.memory_space<vmem>> -> memref<400x128xf32, #tpu.memory_space<vmem>>
        %dma_start3A_534 = arith.constant 0 : i32
        %dma_start3A_535 = arith.constant 0 : i32
        %dma_start3A_536 = tpu.memref_slice %dma_start3A_533[%dma_start3A_534, %dma_start3A_535] : memref<400x128xf32, #tpu.memory_space<vmem>> -> memref<100x128xf32, #tpu.memory_space<vmem>>
        %dma_start3A_537 = arith.constant 0 : i32
        %dma_start3A_538 = tpu.memref_slice %arg13[%run_scoped3A_442, %dma_start3A_537] : memref<4x100xi32, #tpu.memory_space<vmem>> -> memref<1x100xi32, #tpu.memory_space<vmem>>
        %dma_start3A_539 = tpu.memref_squeeze %dma_start3A_538 : memref<1x100xi32, #tpu.memory_space<vmem>> -> memref<100xi32, #tpu.memory_space<vmem>>
        %dma_start3A_540 = arith.constant 0 : i32
        %dma_start3A_541 = arith.constant 0 : i32
        %dma_start3A_542 = tpu.memref_slice %arg10[%dma_start3A_540, %dma_start3A_541] : memref<1280x128xf32, #tpu.memory_space<vmem_shared>> -> memref<1280x128xf32, #tpu.memory_space<vmem_shared>>
        tpu.enqueue_indirect_dma source(%dma_start3A_536 : memref<100x128xf32, #tpu.memory_space<vmem>>) target(%dma_start3A_542 : memref<1280x128xf32, #tpu.memory_space<vmem_shared>>) offsets(%dma_start3A_539 : memref<100xi32, #tpu.memory_space<vmem>>) semaphore(%run_scoped3A_529 : memref<!tpu.dma_semaphore, #tpu.memory_space<semaphore_mem>>) {add = true}
        %dma_wait3A_543 = arith.constant 0 : i32
        %dma_wait3A_544 = arith.constant 0 : i32
        %dma_wait3A_545 = tpu.memref_slice %arg9[%run_scoped3A_441, %dma_wait3A_543, %dma_wait3A_544] : memref<2x400x128xf32, #tpu.memory_space<vmem>> -> memref<1x400x128xf32, #tpu.memory_space<vmem>>
        %dma_wait3A_546 = tpu.memref_squeeze %dma_wait3A_545 : memref<1x400x128xf32, #tpu.memory_space<vmem>> -> memref<400x128xf32, #tpu.memory_space<vmem>>
        %dma_wait3A_547 = arith.constant 0 : i32
        %dma_wait3A_548 = arith.constant 0 : i32
        %dma_wait3A_549 = tpu.memref_slice %dma_wait3A_546[%dma_wait3A_547, %dma_wait3A_548] : memref<400x128xf32, #tpu.memory_space<vmem>> -> memref<100x128xf32, #tpu.memory_space<vmem>>
        %dma_wait3A_550 = arith.constant 0 : i32
        %dma_wait3A_551 = tpu.memref_slice %arg13[%run_scoped3A_442, %dma_wait3A_550] : memref<4x100xi32, #tpu.memory_space<vmem>> -> memref<1x100xi32, #tpu.memory_space<vmem>>
        %dma_wait3A_552 = tpu.memref_squeeze %dma_wait3A_551 : memref<1x100xi32, #tpu.memory_space<vmem>> -> memref<100xi32, #tpu.memory_space<vmem>>
        %dma_wait3A_553 = arith.constant 0 : i32
        %dma_wait3A_554 = arith.constant 0 : i32
        %dma_wait3A_555 = tpu.memref_slice %arg10[%dma_wait3A_553, %dma_wait3A_554] : memref<1280x128xf32, #tpu.memory_space<vmem_shared>> -> memref<1280x128xf32, #tpu.memory_space<vmem_shared>>
        tpu.wait_indirect_dma semaphore(%run_scoped3A_529 : memref<!tpu.dma_semaphore, #tpu.memory_space<semaphore_mem>>) src(%dma_wait3A_549 : memref<100x128xf32, #tpu.memory_space<vmem>>) dst(%dma_wait3A_555 : memref<1280x128xf32, #tpu.memory_space<vmem_shared>>)
        tpu.yield
      }) : () -> ()
      %run_scoped3A_443 = arith.constant 0 : i32
      %run_scoped3A_444 = arith.constant 1 : i32
      "tpu.region"() ({
        %run_scoped3A_529 = tpu.sem_alloc : memref<!tpu.dma_semaphore, #tpu.memory_space<semaphore_mem>>
        %dma_start3A_530 = arith.constant 0 : i32
        %dma_start3A_531 = arith.constant 0 : i32
        %dma_start3A_532 = tpu.memref_slice %arg9[%run_scoped3A_443, %dma_start3A_530, %dma_start3A_531] : memref<2x400x128xf32, #tpu.memory_space<vmem>> -> memref<1x400x128xf32, #tpu.memory_space<vmem>>
        %dma_start3A_533 = tpu.memref_squeeze %dma_start3A_532 : memref<1x400x128xf32, #tpu.memory_space<vmem>> -> memref<400x128xf32, #tpu.memory_space<vmem>>
        %dma_start3A_534 = arith.constant 100 : i32
        %dma_start3A_535 = arith.constant 0 : i32
        %dma_start3A_536 = tpu.memref_slice %dma_start3A_533[%dma_start3A_534, %dma_start3A_535] : memref<400x128xf32, #tpu.memory_space<vmem>> -> memref<100x128xf32, #tpu.memory_space<vmem>>
        %dma_start3A_537 = arith.constant 0 : i32
        %dma_start3A_538 = tpu.memref_slice %arg13[%run_scoped3A_444, %dma_start3A_537] : memref<4x100xi32, #tpu.memory_space<vmem>> -> memref<1x100xi32, #tpu.memory_space<vmem>>
        %dma_start3A_539 = tpu.memref_squeeze %dma_start3A_538 : memref<1x100xi32, #tpu.memory_space<vmem>> -> memref<100xi32, #tpu.memory_space<vmem>>
        %dma_start3A_540 = arith.constant 0 : i32
        %dma_start3A_541 = arith.constant 0 : i32
        %dma_start3A_542 = tpu.memref_slice %arg10[%dma_start3A_540, %dma_start3A_541] : memref<1280x128xf32, #tpu.memory_space<vmem_shared>> -> memref<1280x128xf32, #tpu.memory_space<vmem_shared>>
        tpu.enqueue_indirect_dma source(%dma_start3A_536 : memref<100x128xf32, #tpu.memory_space<vmem>>) target(%dma_start3A_542 : memref<1280x128xf32, #tpu.memory_space<vmem_shared>>) offsets(%dma_start3A_539 : memref<100xi32, #tpu.memory_space<vmem>>) semaphore(%run_scoped3A_529 : memref<!tpu.dma_semaphore, #tpu.memory_space<semaphore_mem>>) {add = true}
        %dma_wait3A_543 = arith.constant 0 : i32
        %dma_wait3A_544 = arith.constant 0 : i32
        %dma_wait3A_545 = tpu.memref_slice %arg9[%run_scoped3A_443, %dma_wait3A_543, %dma_wait3A_544] : memref<2x400x128xf32, #tpu.memory_space<vmem>> -> memref<1x400x128xf32, #tpu.memory_space<vmem>>
        %dma_wait3A_546 = tpu.memref_squeeze %dma_wait3A_545 : memref<1x400x128xf32, #tpu.memory_space<vmem>> -> memref<400x128xf32, #tpu.memory_space<vmem>>
        %dma_wait3A_547 = arith.constant 100 : i32
        %dma_wait3A_548 = arith.constant 0 : i32
        %dma_wait3A_549 = tpu.memref_slice %dma_wait3A_546[%dma_wait3A_547, %dma_wait3A_548] : memref<400x128xf32, #tpu.memory_space<vmem>> -> memref<100x128xf32, #tpu.memory_space<vmem>>
        %dma_wait3A_550 = arith.constant 0 : i32
        %dma_wait3A_551 = tpu.memref_slice %arg13[%run_scoped3A_444, %dma_wait3A_550] : memref<4x100xi32, #tpu.memory_space<vmem>> -> memref<1x100xi32, #tpu.memory_space<vmem>>
        %dma_wait3A_552 = tpu.memref_squeeze %dma_wait3A_551 : memref<1x100xi32, #tpu.memory_space<vmem>> -> memref<100xi32, #tpu.memory_space<vmem>>
        %dma_wait3A_553 = arith.constant 0 : i32
        %dma_wait3A_554 = arith.constant 0 : i32
        %dma_wait3A_555 = tpu.memref_slice %arg10[%dma_wait3A_553, %dma_wait3A_554] : memref<1280x128xf32, #tpu.memory_space<vmem_shared>> -> memref<1280x128xf32, #tpu.memory_space<vmem_shared>>
        tpu.wait_indirect_dma semaphore(%run_scoped3A_529 : memref<!tpu.dma_semaphore, #tpu.memory_space<semaphore_mem>>) src(%dma_wait3A_549 : memref<100x128xf32, #tpu.memory_space<vmem>>) dst(%dma_wait3A_555 : memref<1280x128xf32, #tpu.memory_space<vmem_shared>>)
        tpu.yield
      }) : () -> ()
      %run_scoped3A_445 = arith.constant 0 : i32
      %run_scoped3A_446 = arith.constant 2 : i32
      "tpu.region"() ({
        %run_scoped3A_529 = tpu.sem_alloc : memref<!tpu.dma_semaphore, #tpu.memory_space<semaphore_mem>>
        %dma_start3A_530 = arith.constant 0 : i32
        %dma_start3A_531 = arith.constant 0 : i32
        %dma_start3A_532 = tpu.memref_slice %arg9[%run_scoped3A_445, %dma_start3A_530, %dma_start3A_531] : memref<2x400x128xf32, #tpu.memory_space<vmem>> -> memref<1x400x128xf32, #tpu.memory_space<vmem>>
        %dma_start3A_533 = tpu.memref_squeeze %dma_start3A_532 : memref<1x400x128xf32, #tpu.memory_space<vmem>> -> memref<400x128xf32, #tpu.memory_space<vmem>>
        %dma_start3A_534 = arith.constant 200 : i32
        %dma_start3A_535 = arith.constant 0 : i32
        %dma_start3A_536 = tpu.memref_slice %dma_start3A_533[%dma_start3A_534, %dma_start3A_535] : memref<400x128xf32, #tpu.memory_space<vmem>> -> memref<100x128xf32, #tpu.memory_space<vmem>>
        %dma_start3A_537 = arith.constant 0 : i32
        %dma_start3A_538 = tpu.memref_slice %arg13[%run_scoped3A_446, %dma_start3A_537] : memref<4x100xi32, #tpu.memory_space<vmem>> -> memref<1x100xi32, #tpu.memory_space<vmem>>
        %dma_start3A_539 = tpu.memref_squeeze %dma_start3A_538 : memref<1x100xi32, #tpu.memory_space<vmem>> -> memref<100xi32, #tpu.memory_space<vmem>>
        %dma_start3A_540 = arith.constant 0 : i32
        %dma_start3A_541 = arith.constant 0 : i32
        %dma_start3A_542 = tpu.memref_slice %arg10[%dma_start3A_540, %dma_start3A_541] : memref<1280x128xf32, #tpu.memory_space<vmem_shared>> -> memref<1280x128xf32, #tpu.memory_space<vmem_shared>>
        tpu.enqueue_indirect_dma source(%dma_start3A_536 : memref<100x128xf32, #tpu.memory_space<vmem>>) target(%dma_start3A_542 : memref<1280x128xf32, #tpu.memory_space<vmem_shared>>) offsets(%dma_start3A_539 : memref<100xi32, #tpu.memory_space<vmem>>) semaphore(%run_scoped3A_529 : memref<!tpu.dma_semaphore, #tpu.memory_space<semaphore_mem>>) {add = true}
        %dma_wait3A_543 = arith.constant 0 : i32
        %dma_wait3A_544 = arith.constant 0 : i32
        %dma_wait3A_545 = tpu.memref_slice %arg9[%run_scoped3A_445, %dma_wait3A_543, %dma_wait3A_544] : memref<2x400x128xf32, #tpu.memory_space<vmem>> -> memref<1x400x128xf32, #tpu.memory_space<vmem>>
        %dma_wait3A_546 = tpu.memref_squeeze %dma_wait3A_545 : memref<1x400x128xf32, #tpu.memory_space<vmem>> -> memref<400x128xf32, #tpu.memory_space<vmem>>
        %dma_wait3A_547 = arith.constant 200 : i32
        %dma_wait3A_548 = arith.constant 0 : i32
        %dma_wait3A_549 = tpu.memref_slice %dma_wait3A_546[%dma_wait3A_547, %dma_wait3A_548] : memref<400x128xf32, #tpu.memory_space<vmem>> -> memref<100x128xf32, #tpu.memory_space<vmem>>
        %dma_wait3A_550 = arith.constant 0 : i32
        %dma_wait3A_551 = tpu.memref_slice %arg13[%run_scoped3A_446, %dma_wait3A_550] : memref<4x100xi32, #tpu.memory_space<vmem>> -> memref<1x100xi32, #tpu.memory_space<vmem>>
        %dma_wait3A_552 = tpu.memref_squeeze %dma_wait3A_551 : memref<1x100xi32, #tpu.memory_space<vmem>> -> memref<100xi32, #tpu.memory_space<vmem>>
        %dma_wait3A_553 = arith.constant 0 : i32
        %dma_wait3A_554 = arith.constant 0 : i32
        %dma_wait3A_555 = tpu.memref_slice %arg10[%dma_wait3A_553, %dma_wait3A_554] : memref<1280x128xf32, #tpu.memory_space<vmem_shared>> -> memref<1280x128xf32, #tpu.memory_space<vmem_shared>>
        tpu.wait_indirect_dma semaphore(%run_scoped3A_529 : memref<!tpu.dma_semaphore, #tpu.memory_space<semaphore_mem>>) src(%dma_wait3A_549 : memref<100x128xf32, #tpu.memory_space<vmem>>) dst(%dma_wait3A_555 : memref<1280x128xf32, #tpu.memory_space<vmem_shared>>)
        tpu.yield
      }) : () -> ()
      %run_scoped3A_447 = arith.constant 0 : i32
      %run_scoped3A_448 = arith.constant 3 : i32
      "tpu.region"() ({
        %run_scoped3A_529 = tpu.sem_alloc : memref<!tpu.dma_semaphore, #tpu.memory_space<semaphore_mem>>
        %dma_start3A_530 = arith.constant 0 : i32
        %dma_start3A_531 = arith.constant 0 : i32
        %dma_start3A_532 = tpu.memref_slice %arg9[%run_scoped3A_447, %dma_start3A_530, %dma_start3A_531] : memref<2x400x128xf32, #tpu.memory_space<vmem>> -> memref<1x400x128xf32, #tpu.memory_space<vmem>>
        %dma_start3A_533 = tpu.memref_squeeze %dma_start3A_532 : memref<1x400x128xf32, #tpu.memory_space<vmem>> -> memref<400x128xf32, #tpu.memory_space<vmem>>
        %dma_start3A_534 = arith.constant 300 : i32
        %dma_start3A_535 = arith.constant 0 : i32
        %dma_start3A_536 = tpu.memref_slice %dma_start3A_533[%dma_start3A_534, %dma_start3A_535] : memref<400x128xf32, #tpu.memory_space<vmem>> -> memref<100x128xf32, #tpu.memory_space<vmem>>
        %dma_start3A_537 = arith.constant 0 : i32
        %dma_start3A_538 = tpu.memref_slice %arg13[%run_scoped3A_448, %dma_start3A_537] : memref<4x100xi32, #tpu.memory_space<vmem>> -> memref<1x100xi32, #tpu.memory_space<vmem>>
        %dma_start3A_539 = tpu.memref_squeeze %dma_start3A_538 : memref<1x100xi32, #tpu.memory_space<vmem>> -> memref<100xi32, #tpu.memory_space<vmem>>
        %dma_start3A_540 = arith.constant 0 : i32
        %dma_start3A_541 = arith.constant 0 : i32
        %dma_start3A_542 = tpu.memref_slice %arg10[%dma_start3A_540, %dma_start3A_541] : memref<1280x128xf32, #tpu.memory_space<vmem_shared>> -> memref<1280x128xf32, #tpu.memory_space<vmem_shared>>
        tpu.enqueue_indirect_dma source(%dma_start3A_536 : memref<100x128xf32, #tpu.memory_space<vmem>>) target(%dma_start3A_542 : memref<1280x128xf32, #tpu.memory_space<vmem_shared>>) offsets(%dma_start3A_539 : memref<100xi32, #tpu.memory_space<vmem>>) semaphore(%run_scoped3A_529 : memref<!tpu.dma_semaphore, #tpu.memory_space<semaphore_mem>>) {add = true}
        %dma_wait3A_543 = arith.constant 0 : i32
        %dma_wait3A_544 = arith.constant 0 : i32
        %dma_wait3A_545 = tpu.memref_slice %arg9[%run_scoped3A_447, %dma_wait3A_543, %dma_wait3A_544] : memref<2x400x128xf32, #tpu.memory_space<vmem>> -> memref<1x400x128xf32, #tpu.memory_space<vmem>>
        %dma_wait3A_546 = tpu.memref_squeeze %dma_wait3A_545 : memref<1x400x128xf32, #tpu.memory_space<vmem>> -> memref<400x128xf32, #tpu.memory_space<vmem>>
        %dma_wait3A_547 = arith.constant 300 : i32
        %dma_wait3A_548 = arith.constant 0 : i32
        %dma_wait3A_549 = tpu.memref_slice %dma_wait3A_546[%dma_wait3A_547, %dma_wait3A_548] : memref<400x128xf32, #tpu.memory_space<vmem>> -> memref<100x128xf32, #tpu.memory_space<vmem>>
        %dma_wait3A_550 = arith.constant 0 : i32
        %dma_wait3A_551 = tpu.memref_slice %arg13[%run_scoped3A_448, %dma_wait3A_550] : memref<4x100xi32, #tpu.memory_space<vmem>> -> memref<1x100xi32, #tpu.memory_space<vmem>>
        %dma_wait3A_552 = tpu.memref_squeeze %dma_wait3A_551 : memref<1x100xi32, #tpu.memory_space<vmem>> -> memref<100xi32, #tpu.memory_space<vmem>>
        %dma_wait3A_553 = arith.constant 0 : i32
        %dma_wait3A_554 = arith.constant 0 : i32
        %dma_wait3A_555 = tpu.memref_slice %arg10[%dma_wait3A_553, %dma_wait3A_554] : memref<1280x128xf32, #tpu.memory_space<vmem_shared>> -> memref<1280x128xf32, #tpu.memory_space<vmem_shared>>
        tpu.wait_indirect_dma semaphore(%run_scoped3A_529 : memref<!tpu.dma_semaphore, #tpu.memory_space<semaphore_mem>>) src(%dma_wait3A_549 : memref<100x128xf32, #tpu.memory_space<vmem>>) dst(%dma_wait3A_555 : memref<1280x128xf32, #tpu.memory_space<vmem_shared>>)
        tpu.yield
      }) : () -> ()
      %ge3A_449 = arith.constant 1 : i32
      %ge3A_450 = arith.cmpi sge, %add3A_308, %ge3A_449 : i32
      %convert_element_type3A_451 = arith.extui %ge3A_450 : i1 to i32
      %cond3A_452 = arith.constant 0 : i32
      %cond3A_453 = arith.cmpi ne, %convert_element_type3A_451, %cond3A_452 : i32
      scf.if %cond3A_453 {
        %sub3A = arith.constant 1 : i32
        %sub3A_529 = arith.subi %add3A_308, %sub3A : i32
        %mul3A_530 = arith.constant 40 : i32
        %mul3A_531 = arith.muli %sub3A_529, %mul3A_530 : i32
        %add3A_532 = arith.addi %mul3A_2, %mul3A_531 : i32
        %dma_start3A_533 = arith.constant 0 : i32
        %dma_start3A_534 = tpu.memref_slice %arg6[%add3A_532, %dma_start3A_533] : memref<81920x128xf32, #tpu.memory_space<hbm>> -> memref<40x128xf32, #tpu.memory_space<hbm>>
        %dma_start3A_535 = arith.constant 0 : i32
        %dma_start3A_536 = tpu.memref_slice %arg10[%mul3A_6, %dma_start3A_535] : memref<1280x128xf32, #tpu.memory_space<vmem_shared>> -> memref<40x128xf32, #tpu.memory_space<vmem_shared>>
        tpu.enqueue_dma source(%dma_start3A_536 : memref<40x128xf32, #tpu.memory_space<vmem_shared>>) target(%dma_start3A_534 : memref<40x128xf32, #tpu.memory_space<hbm>>) target_semaphore(%arg17 : memref<!tpu.dma_semaphore, #tpu.memory_space<semaphore_mem>>)
      } else {
      }
      %dma_wait3A_454 = arith.constant 4 : i32
      %dma_wait3A_455 = arith.constant 1 : i32
      %dma_wait3A_456 = arith.constant 0 : i32
      %dma_wait3A_457 = arith.constant 0 : i32
      %dma_wait3A_458 = tpu.memref_slice %arg9[%dma_wait3A_455, %dma_wait3A_456, %dma_wait3A_457] : memref<2x400x128xf32, #tpu.memory_space<vmem>> -> memref<1x400x128xf32, #tpu.memory_space<vmem>>
      %dma_wait3A_459 = tpu.memref_squeeze %dma_wait3A_458 : memref<1x400x128xf32, #tpu.memory_space<vmem>> -> memref<400x128xf32, #tpu.memory_space<vmem>>
      %dma_wait3A_460 = arith.constant 0 : i32
      %dma_wait3A_461 = arith.constant 0 : i32
      %dma_wait3A_462 = tpu.memref_slice %dma_wait3A_459[%dma_wait3A_460, %dma_wait3A_461] : memref<400x128xf32, #tpu.memory_space<vmem>> -> memref<100x128xf32, #tpu.memory_space<vmem>>
      %dma_wait3A_463 = arith.constant 0 : i32
      %dma_wait3A_464 = tpu.memref_slice %arg8[%dma_wait3A_454, %dma_wait3A_463] : memref<8x100xi32, #tpu.memory_space<vmem>> -> memref<1x100xi32, #tpu.memory_space<vmem>>
      %dma_wait3A_465 = tpu.memref_squeeze %dma_wait3A_464 : memref<1x100xi32, #tpu.memory_space<vmem>> -> memref<100xi32, #tpu.memory_space<vmem>>
      %dma_wait3A_466 = arith.constant 0 : i32
      %dma_wait3A_467 = arith.constant 0 : i32
      %dma_wait3A_468 = tpu.memref_slice %arg3[%dma_wait3A_466, %dma_wait3A_467] : memref<100001x128xf32, #tpu.memory_space<hbm>> -> memref<100001x128xf32, #tpu.memory_space<hbm>>
      tpu.wait_indirect_dma semaphore(%arg16 : memref<!tpu.dma_semaphore, #tpu.memory_space<semaphore_mem>>) src(%dma_wait3A_468 : memref<100001x128xf32, #tpu.memory_space<hbm>>) dst(%dma_wait3A_462 : memref<100x128xf32, #tpu.memory_space<vmem>>)
      %dma_wait3A_469 = arith.constant 5 : i32
      %dma_wait3A_470 = arith.constant 1 : i32
      %dma_wait3A_471 = arith.constant 0 : i32
      %dma_wait3A_472 = arith.constant 0 : i32
      %dma_wait3A_473 = tpu.memref_slice %arg9[%dma_wait3A_470, %dma_wait3A_471, %dma_wait3A_472] : memref<2x400x128xf32, #tpu.memory_space<vmem>> -> memref<1x400x128xf32, #tpu.memory_space<vmem>>
      %dma_wait3A_474 = tpu.memref_squeeze %dma_wait3A_473 : memref<1x400x128xf32, #tpu.memory_space<vmem>> -> memref<400x128xf32, #tpu.memory_space<vmem>>
      %dma_wait3A_475 = arith.constant 100 : i32
      %dma_wait3A_476 = arith.constant 0 : i32
      %dma_wait3A_477 = tpu.memref_slice %dma_wait3A_474[%dma_wait3A_475, %dma_wait3A_476] : memref<400x128xf32, #tpu.memory_space<vmem>> -> memref<100x128xf32, #tpu.memory_space<vmem>>
      %dma_wait3A_478 = arith.constant 0 : i32
      %dma_wait3A_479 = tpu.memref_slice %arg8[%dma_wait3A_469, %dma_wait3A_478] : memref<8x100xi32, #tpu.memory_space<vmem>> -> memref<1x100xi32, #tpu.memory_space<vmem>>
      %dma_wait3A_480 = tpu.memref_squeeze %dma_wait3A_479 : memref<1x100xi32, #tpu.memory_space<vmem>> -> memref<100xi32, #tpu.memory_space<vmem>>
      %dma_wait3A_481 = arith.constant 0 : i32
      %dma_wait3A_482 = arith.constant 0 : i32
      %dma_wait3A_483 = tpu.memref_slice %arg3[%dma_wait3A_481, %dma_wait3A_482] : memref<100001x128xf32, #tpu.memory_space<hbm>> -> memref<100001x128xf32, #tpu.memory_space<hbm>>
      tpu.wait_indirect_dma semaphore(%arg16 : memref<!tpu.dma_semaphore, #tpu.memory_space<semaphore_mem>>) src(%dma_wait3A_483 : memref<100001x128xf32, #tpu.memory_space<hbm>>) dst(%dma_wait3A_477 : memref<100x128xf32, #tpu.memory_space<vmem>>)
      %dma_wait3A_484 = arith.constant 6 : i32
      %dma_wait3A_485 = arith.constant 1 : i32
      %dma_wait3A_486 = arith.constant 0 : i32
      %dma_wait3A_487 = arith.constant 0 : i32
      %dma_wait3A_488 = tpu.memref_slice %arg9[%dma_wait3A_485, %dma_wait3A_486, %dma_wait3A_487] : memref<2x400x128xf32, #tpu.memory_space<vmem>> -> memref<1x400x128xf32, #tpu.memory_space<vmem>>
      %dma_wait3A_489 = tpu.memref_squeeze %dma_wait3A_488 : memref<1x400x128xf32, #tpu.memory_space<vmem>> -> memref<400x128xf32, #tpu.memory_space<vmem>>
      %dma_wait3A_490 = arith.constant 200 : i32
      %dma_wait3A_491 = arith.constant 0 : i32
      %dma_wait3A_492 = tpu.memref_slice %dma_wait3A_489[%dma_wait3A_490, %dma_wait3A_491] : memref<400x128xf32, #tpu.memory_space<vmem>> -> memref<100x128xf32, #tpu.memory_space<vmem>>
      %dma_wait3A_493 = arith.constant 0 : i32
      %dma_wait3A_494 = tpu.memref_slice %arg8[%dma_wait3A_484, %dma_wait3A_493] : memref<8x100xi32, #tpu.memory_space<vmem>> -> memref<1x100xi32, #tpu.memory_space<vmem>>
      %dma_wait3A_495 = tpu.memref_squeeze %dma_wait3A_494 : memref<1x100xi32, #tpu.memory_space<vmem>> -> memref<100xi32, #tpu.memory_space<vmem>>
      %dma_wait3A_496 = arith.constant 0 : i32
      %dma_wait3A_497 = arith.constant 0 : i32
      %dma_wait3A_498 = tpu.memref_slice %arg3[%dma_wait3A_496, %dma_wait3A_497] : memref<100001x128xf32, #tpu.memory_space<hbm>> -> memref<100001x128xf32, #tpu.memory_space<hbm>>
      tpu.wait_indirect_dma semaphore(%arg16 : memref<!tpu.dma_semaphore, #tpu.memory_space<semaphore_mem>>) src(%dma_wait3A_498 : memref<100001x128xf32, #tpu.memory_space<hbm>>) dst(%dma_wait3A_492 : memref<100x128xf32, #tpu.memory_space<vmem>>)
      %dma_wait3A_499 = arith.constant 7 : i32
      %dma_wait3A_500 = arith.constant 1 : i32
      %dma_wait3A_501 = arith.constant 0 : i32
      %dma_wait3A_502 = arith.constant 0 : i32
      %dma_wait3A_503 = tpu.memref_slice %arg9[%dma_wait3A_500, %dma_wait3A_501, %dma_wait3A_502] : memref<2x400x128xf32, #tpu.memory_space<vmem>> -> memref<1x400x128xf32, #tpu.memory_space<vmem>>
      %dma_wait3A_504 = tpu.memref_squeeze %dma_wait3A_503 : memref<1x400x128xf32, #tpu.memory_space<vmem>> -> memref<400x128xf32, #tpu.memory_space<vmem>>
      %dma_wait3A_505 = arith.constant 300 : i32
      %dma_wait3A_506 = arith.constant 0 : i32
      %dma_wait3A_507 = tpu.memref_slice %dma_wait3A_504[%dma_wait3A_505, %dma_wait3A_506] : memref<400x128xf32, #tpu.memory_space<vmem>> -> memref<100x128xf32, #tpu.memory_space<vmem>>
      %dma_wait3A_508 = arith.constant 0 : i32
      %dma_wait3A_509 = tpu.memref_slice %arg8[%dma_wait3A_499, %dma_wait3A_508] : memref<8x100xi32, #tpu.memory_space<vmem>> -> memref<1x100xi32, #tpu.memory_space<vmem>>
      %dma_wait3A_510 = tpu.memref_squeeze %dma_wait3A_509 : memref<1x100xi32, #tpu.memory_space<vmem>> -> memref<100xi32, #tpu.memory_space<vmem>>
      %dma_wait3A_511 = arith.constant 0 : i32
      %dma_wait3A_512 = arith.constant 0 : i32
      %dma_wait3A_513 = tpu.memref_slice %arg3[%dma_wait3A_511, %dma_wait3A_512] : memref<100001x128xf32, #tpu.memory_space<hbm>> -> memref<100001x128xf32, #tpu.memory_space<hbm>>
      tpu.wait_indirect_dma semaphore(%arg16 : memref<!tpu.dma_semaphore, #tpu.memory_space<semaphore_mem>>) src(%dma_wait3A_513 : memref<100001x128xf32, #tpu.memory_space<hbm>>) dst(%dma_wait3A_507 : memref<100x128xf32, #tpu.memory_space<vmem>>)
      %add3A_514 = arith.constant 1 : i32
      %add3A_515 = arith.addi %add3A_308, %add3A_514 : i32
      %lt3A_516 = arith.constant 64 : i32
      %lt3A_517 = arith.cmpi slt, %add3A_515, %lt3A_516 : i32
      %convert_element_type3A_518 = arith.extui %lt3A_517 : i1 to i32
      %cond3A_519 = arith.constant 0 : i32
      %cond3A_520 = arith.cmpi ne, %convert_element_type3A_518, %cond3A_519 : i32
      scf.if %cond3A_520 {
        %dma_start3A_529 = arith.constant 0 : i32
        %dma_start3A_530 = arith.constant 0 : i32
        %dma_start3A_531 = arith.constant 0 : i32
        %dma_start3A_532 = arith.constant 0 : i32
        %dma_start3A_533 = tpu.memref_slice %arg9[%dma_start3A_530, %dma_start3A_531, %dma_start3A_532] : memref<2x400x128xf32, #tpu.memory_space<vmem>> -> memref<1x400x128xf32, #tpu.memory_space<vmem>>
        %dma_start3A_534 = tpu.memref_squeeze %dma_start3A_533 : memref<1x400x128xf32, #tpu.memory_space<vmem>> -> memref<400x128xf32, #tpu.memory_space<vmem>>
        %dma_start3A_535 = arith.constant 0 : i32
        %dma_start3A_536 = arith.constant 0 : i32
        %dma_start3A_537 = tpu.memref_slice %dma_start3A_534[%dma_start3A_535, %dma_start3A_536] : memref<400x128xf32, #tpu.memory_space<vmem>> -> memref<100x128xf32, #tpu.memory_space<vmem>>
        %dma_start3A_538 = arith.constant 0 : i32
        %dma_start3A_539 = tpu.memref_slice %arg7[%dma_start3A_529, %dma_start3A_538] : memref<8x100xi32, #tpu.memory_space<vmem>> -> memref<1x100xi32, #tpu.memory_space<vmem>>
        %dma_start3A_540 = tpu.memref_squeeze %dma_start3A_539 : memref<1x100xi32, #tpu.memory_space<vmem>> -> memref<100xi32, #tpu.memory_space<vmem>>
        %dma_start3A_541 = arith.constant 0 : i32
        %dma_start3A_542 = arith.constant 0 : i32
        %dma_start3A_543 = tpu.memref_slice %arg3[%dma_start3A_541, %dma_start3A_542] : memref<100001x128xf32, #tpu.memory_space<hbm>> -> memref<100001x128xf32, #tpu.memory_space<hbm>>
        tpu.enqueue_indirect_dma source(%dma_start3A_543 : memref<100001x128xf32, #tpu.memory_space<hbm>>) target(%dma_start3A_537 : memref<100x128xf32, #tpu.memory_space<vmem>>) offsets(%dma_start3A_540 : memref<100xi32, #tpu.memory_space<vmem>>) semaphore(%arg15 : memref<!tpu.dma_semaphore, #tpu.memory_space<semaphore_mem>>)
        %dma_start3A_544 = arith.constant 1 : i32
        %dma_start3A_545 = arith.constant 0 : i32
        %dma_start3A_546 = arith.constant 0 : i32
        %dma_start3A_547 = arith.constant 0 : i32
        %dma_start3A_548 = tpu.memref_slice %arg9[%dma_start3A_545, %dma_start3A_546, %dma_start3A_547] : memref<2x400x128xf32, #tpu.memory_space<vmem>> -> memref<1x400x128xf32, #tpu.memory_space<vmem>>
        %dma_start3A_549 = tpu.memref_squeeze %dma_start3A_548 : memref<1x400x128xf32, #tpu.memory_space<vmem>> -> memref<400x128xf32, #tpu.memory_space<vmem>>
        %dma_start3A_550 = arith.constant 100 : i32
        %dma_start3A_551 = arith.constant 0 : i32
        %dma_start3A_552 = tpu.memref_slice %dma_start3A_549[%dma_start3A_550, %dma_start3A_551] : memref<400x128xf32, #tpu.memory_space<vmem>> -> memref<100x128xf32, #tpu.memory_space<vmem>>
        %dma_start3A_553 = arith.constant 0 : i32
        %dma_start3A_554 = tpu.memref_slice %arg7[%dma_start3A_544, %dma_start3A_553] : memref<8x100xi32, #tpu.memory_space<vmem>> -> memref<1x100xi32, #tpu.memory_space<vmem>>
        %dma_start3A_555 = tpu.memref_squeeze %dma_start3A_554 : memref<1x100xi32, #tpu.memory_space<vmem>> -> memref<100xi32, #tpu.memory_space<vmem>>
        %dma_start3A_556 = arith.constant 0 : i32
        %dma_start3A_557 = arith.constant 0 : i32
        %dma_start3A_558 = tpu.memref_slice %arg3[%dma_start3A_556, %dma_start3A_557] : memref<100001x128xf32, #tpu.memory_space<hbm>> -> memref<100001x128xf32, #tpu.memory_space<hbm>>
        tpu.enqueue_indirect_dma source(%dma_start3A_558 : memref<100001x128xf32, #tpu.memory_space<hbm>>) target(%dma_start3A_552 : memref<100x128xf32, #tpu.memory_space<vmem>>) offsets(%dma_start3A_555 : memref<100xi32, #tpu.memory_space<vmem>>) semaphore(%arg15 : memref<!tpu.dma_semaphore, #tpu.memory_space<semaphore_mem>>)
        %dma_start3A_559 = arith.constant 2 : i32
        %dma_start3A_560 = arith.constant 0 : i32
        %dma_start3A_561 = arith.constant 0 : i32
        %dma_start3A_562 = arith.constant 0 : i32
        %dma_start3A_563 = tpu.memref_slice %arg9[%dma_start3A_560, %dma_start3A_561, %dma_start3A_562] : memref<2x400x128xf32, #tpu.memory_space<vmem>> -> memref<1x400x128xf32, #tpu.memory_space<vmem>>
        %dma_start3A_564 = tpu.memref_squeeze %dma_start3A_563 : memref<1x400x128xf32, #tpu.memory_space<vmem>> -> memref<400x128xf32, #tpu.memory_space<vmem>>
        %dma_start3A_565 = arith.constant 200 : i32
        %dma_start3A_566 = arith.constant 0 : i32
        %dma_start3A_567 = tpu.memref_slice %dma_start3A_564[%dma_start3A_565, %dma_start3A_566] : memref<400x128xf32, #tpu.memory_space<vmem>> -> memref<100x128xf32, #tpu.memory_space<vmem>>
        %dma_start3A_568 = arith.constant 0 : i32
        %dma_start3A_569 = tpu.memref_slice %arg7[%dma_start3A_559, %dma_start3A_568] : memref<8x100xi32, #tpu.memory_space<vmem>> -> memref<1x100xi32, #tpu.memory_space<vmem>>
        %dma_start3A_570 = tpu.memref_squeeze %dma_start3A_569 : memref<1x100xi32, #tpu.memory_space<vmem>> -> memref<100xi32, #tpu.memory_space<vmem>>
        %dma_start3A_571 = arith.constant 0 : i32
        %dma_start3A_572 = arith.constant 0 : i32
        %dma_start3A_573 = tpu.memref_slice %arg3[%dma_start3A_571, %dma_start3A_572] : memref<100001x128xf32, #tpu.memory_space<hbm>> -> memref<100001x128xf32, #tpu.memory_space<hbm>>
        tpu.enqueue_indirect_dma source(%dma_start3A_573 : memref<100001x128xf32, #tpu.memory_space<hbm>>) target(%dma_start3A_567 : memref<100x128xf32, #tpu.memory_space<vmem>>) offsets(%dma_start3A_570 : memref<100xi32, #tpu.memory_space<vmem>>) semaphore(%arg15 : memref<!tpu.dma_semaphore, #tpu.memory_space<semaphore_mem>>)
        %dma_start3A_574 = arith.constant 3 : i32
        %dma_start3A_575 = arith.constant 0 : i32
        %dma_start3A_576 = arith.constant 0 : i32
        %dma_start3A_577 = arith.constant 0 : i32
        %dma_start3A_578 = tpu.memref_slice %arg9[%dma_start3A_575, %dma_start3A_576, %dma_start3A_577] : memref<2x400x128xf32, #tpu.memory_space<vmem>> -> memref<1x400x128xf32, #tpu.memory_space<vmem>>
        %dma_start3A_579 = tpu.memref_squeeze %dma_start3A_578 : memref<1x400x128xf32, #tpu.memory_space<vmem>> -> memref<400x128xf32, #tpu.memory_space<vmem>>
        %dma_start3A_580 = arith.constant 300 : i32
        %dma_start3A_581 = arith.constant 0 : i32
        %dma_start3A_582 = tpu.memref_slice %dma_start3A_579[%dma_start3A_580, %dma_start3A_581] : memref<400x128xf32, #tpu.memory_space<vmem>> -> memref<100x128xf32, #tpu.memory_space<vmem>>
        %dma_start3A_583 = arith.constant 0 : i32
        %dma_start3A_584 = tpu.memref_slice %arg7[%dma_start3A_574, %dma_start3A_583] : memref<8x100xi32, #tpu.memory_space<vmem>> -> memref<1x100xi32, #tpu.memory_space<vmem>>
        %dma_start3A_585 = tpu.memref_squeeze %dma_start3A_584 : memref<1x100xi32, #tpu.memory_space<vmem>> -> memref<100xi32, #tpu.memory_space<vmem>>
        %dma_start3A_586 = arith.constant 0 : i32
        %dma_start3A_587 = arith.constant 0 : i32
        %dma_start3A_588 = tpu.memref_slice %arg3[%dma_start3A_586, %dma_start3A_587] : memref<100001x128xf32, #tpu.memory_space<hbm>> -> memref<100001x128xf32, #tpu.memory_space<hbm>>
        tpu.enqueue_indirect_dma source(%dma_start3A_588 : memref<100001x128xf32, #tpu.memory_space<hbm>>) target(%dma_start3A_582 : memref<100x128xf32, #tpu.memory_space<vmem>>) offsets(%dma_start3A_585 : memref<100xi32, #tpu.memory_space<vmem>>) semaphore(%arg15 : memref<!tpu.dma_semaphore, #tpu.memory_space<semaphore_mem>>)
      } else {
      }
      %run_scoped3A_521 = arith.constant 1 : i32
      %run_scoped3A_522 = arith.constant 0 : i32
      "tpu.region"() ({
        %run_scoped3A_529 = tpu.sem_alloc : memref<!tpu.dma_semaphore, #tpu.memory_space<semaphore_mem>>
        %dma_start3A_530 = arith.constant 0 : i32
        %dma_start3A_531 = arith.constant 0 : i32
        %dma_start3A_532 = tpu.memref_slice %arg9[%run_scoped3A_521, %dma_start3A_530, %dma_start3A_531] : memref<2x400x128xf32, #tpu.memory_space<vmem>> -> memref<1x400x128xf32, #tpu.memory_space<vmem>>
        %dma_start3A_533 = tpu.memref_squeeze %dma_start3A_532 : memref<1x400x128xf32, #tpu.memory_space<vmem>> -> memref<400x128xf32, #tpu.memory_space<vmem>>
        %dma_start3A_534 = arith.constant 0 : i32
        %dma_start3A_535 = arith.constant 0 : i32
        %dma_start3A_536 = tpu.memref_slice %dma_start3A_533[%dma_start3A_534, %dma_start3A_535] : memref<400x128xf32, #tpu.memory_space<vmem>> -> memref<100x128xf32, #tpu.memory_space<vmem>>
        %dma_start3A_537 = arith.constant 0 : i32
        %dma_start3A_538 = tpu.memref_slice %arg14[%run_scoped3A_522, %dma_start3A_537] : memref<4x100xi32, #tpu.memory_space<vmem>> -> memref<1x100xi32, #tpu.memory_space<vmem>>
        %dma_start3A_539 = tpu.memref_squeeze %dma_start3A_538 : memref<1x100xi32, #tpu.memory_space<vmem>> -> memref<100xi32, #tpu.memory_space<vmem>>
        %dma_start3A_540 = arith.constant 0 : i32
        %dma_start3A_541 = arith.constant 0 : i32
        %dma_start3A_542 = tpu.memref_slice %arg10[%dma_start3A_540, %dma_start3A_541] : memref<1280x128xf32, #tpu.memory_space<vmem_shared>> -> memref<1280x128xf32, #tpu.memory_space<vmem_shared>>
        tpu.enqueue_indirect_dma source(%dma_start3A_536 : memref<100x128xf32, #tpu.memory_space<vmem>>) target(%dma_start3A_542 : memref<1280x128xf32, #tpu.memory_space<vmem_shared>>) offsets(%dma_start3A_539 : memref<100xi32, #tpu.memory_space<vmem>>) semaphore(%run_scoped3A_529 : memref<!tpu.dma_semaphore, #tpu.memory_space<semaphore_mem>>) {add = true}
        %dma_wait3A_543 = arith.constant 0 : i32
        %dma_wait3A_544 = arith.constant 0 : i32
        %dma_wait3A_545 = tpu.memref_slice %arg9[%run_scoped3A_521, %dma_wait3A_543, %dma_wait3A_544] : memref<2x400x128xf32, #tpu.memory_space<vmem>> -> memref<1x400x128xf32, #tpu.memory_space<vmem>>
        %dma_wait3A_546 = tpu.memref_squeeze %dma_wait3A_545 : memref<1x400x128xf32, #tpu.memory_space<vmem>> -> memref<400x128xf32, #tpu.memory_space<vmem>>
        %dma_wait3A_547 = arith.constant 0 : i32
        %dma_wait3A_548 = arith.constant 0 : i32
        %dma_wait3A_549 = tpu.memref_slice %dma_wait3A_546[%dma_wait3A_547, %dma_wait3A_548] : memref<400x128xf32, #tpu.memory_space<vmem>> -> memref<100x128xf32, #tpu.memory_space<vmem>>
        %dma_wait3A_550 = arith.constant 0 : i32
        %dma_wait3A_551 = tpu.memref_slice %arg14[%run_scoped3A_522, %dma_wait3A_550] : memref<4x100xi32, #tpu.memory_space<vmem>> -> memref<1x100xi32, #tpu.memory_space<vmem>>
        %dma_wait3A_552 = tpu.memref_squeeze %dma_wait3A_551 : memref<1x100xi32, #tpu.memory_space<vmem>> -> memref<100xi32, #tpu.memory_space<vmem>>
        %dma_wait3A_553 = arith.constant 0 : i32
        %dma_wait3A_554 = arith.constant 0 : i32
        %dma_wait3A_555 = tpu.memref_slice %arg10[%dma_wait3A_553, %dma_wait3A_554] : memref<1280x128xf32, #tpu.memory_space<vmem_shared>> -> memref<1280x128xf32, #tpu.memory_space<vmem_shared>>
        tpu.wait_indirect_dma semaphore(%run_scoped3A_529 : memref<!tpu.dma_semaphore, #tpu.memory_space<semaphore_mem>>) src(%dma_wait3A_549 : memref<100x128xf32, #tpu.memory_space<vmem>>) dst(%dma_wait3A_555 : memref<1280x128xf32, #tpu.memory_space<vmem_shared>>)
        tpu.yield
      }) : () -> ()
      %run_scoped3A_523 = arith.constant 1 : i32
      %run_scoped3A_524 = arith.constant 1 : i32
      "tpu.region"() ({
        %run_scoped3A_529 = tpu.sem_alloc : memref<!tpu.dma_semaphore, #tpu.memory_space<semaphore_mem>>
        %dma_start3A_530 = arith.constant 0 : i32
        %dma_start3A_531 = arith.constant 0 : i32
        %dma_start3A_532 = tpu.memref_slice %arg9[%run_scoped3A_523, %dma_start3A_530, %dma_start3A_531] : memref<2x400x128xf32, #tpu.memory_space<vmem>> -> memref<1x400x128xf32, #tpu.memory_space<vmem>>
        %dma_start3A_533 = tpu.memref_squeeze %dma_start3A_532 : memref<1x400x128xf32, #tpu.memory_space<vmem>> -> memref<400x128xf32, #tpu.memory_space<vmem>>
        %dma_start3A_534 = arith.constant 100 : i32
        %dma_start3A_535 = arith.constant 0 : i32
        %dma_start3A_536 = tpu.memref_slice %dma_start3A_533[%dma_start3A_534, %dma_start3A_535] : memref<400x128xf32, #tpu.memory_space<vmem>> -> memref<100x128xf32, #tpu.memory_space<vmem>>
        %dma_start3A_537 = arith.constant 0 : i32
        %dma_start3A_538 = tpu.memref_slice %arg14[%run_scoped3A_524, %dma_start3A_537] : memref<4x100xi32, #tpu.memory_space<vmem>> -> memref<1x100xi32, #tpu.memory_space<vmem>>
        %dma_start3A_539 = tpu.memref_squeeze %dma_start3A_538 : memref<1x100xi32, #tpu.memory_space<vmem>> -> memref<100xi32, #tpu.memory_space<vmem>>
        %dma_start3A_540 = arith.constant 0 : i32
        %dma_start3A_541 = arith.constant 0 : i32
        %dma_start3A_542 = tpu.memref_slice %arg10[%dma_start3A_540, %dma_start3A_541] : memref<1280x128xf32, #tpu.memory_space<vmem_shared>> -> memref<1280x128xf32, #tpu.memory_space<vmem_shared>>
        tpu.enqueue_indirect_dma source(%dma_start3A_536 : memref<100x128xf32, #tpu.memory_space<vmem>>) target(%dma_start3A_542 : memref<1280x128xf32, #tpu.memory_space<vmem_shared>>) offsets(%dma_start3A_539 : memref<100xi32, #tpu.memory_space<vmem>>) semaphore(%run_scoped3A_529 : memref<!tpu.dma_semaphore, #tpu.memory_space<semaphore_mem>>) {add = true}
        %dma_wait3A_543 = arith.constant 0 : i32
        %dma_wait3A_544 = arith.constant 0 : i32
        %dma_wait3A_545 = tpu.memref_slice %arg9[%run_scoped3A_523, %dma_wait3A_543, %dma_wait3A_544] : memref<2x400x128xf32, #tpu.memory_space<vmem>> -> memref<1x400x128xf32, #tpu.memory_space<vmem>>
        %dma_wait3A_546 = tpu.memref_squeeze %dma_wait3A_545 : memref<1x400x128xf32, #tpu.memory_space<vmem>> -> memref<400x128xf32, #tpu.memory_space<vmem>>
        %dma_wait3A_547 = arith.constant 100 : i32
        %dma_wait3A_548 = arith.constant 0 : i32
        %dma_wait3A_549 = tpu.memref_slice %dma_wait3A_546[%dma_wait3A_547, %dma_wait3A_548] : memref<400x128xf32, #tpu.memory_space<vmem>> -> memref<100x128xf32, #tpu.memory_space<vmem>>
        %dma_wait3A_550 = arith.constant 0 : i32
        %dma_wait3A_551 = tpu.memref_slice %arg14[%run_scoped3A_524, %dma_wait3A_550] : memref<4x100xi32, #tpu.memory_space<vmem>> -> memref<1x100xi32, #tpu.memory_space<vmem>>
        %dma_wait3A_552 = tpu.memref_squeeze %dma_wait3A_551 : memref<1x100xi32, #tpu.memory_space<vmem>> -> memref<100xi32, #tpu.memory_space<vmem>>
        %dma_wait3A_553 = arith.constant 0 : i32
        %dma_wait3A_554 = arith.constant 0 : i32
        %dma_wait3A_555 = tpu.memref_slice %arg10[%dma_wait3A_553, %dma_wait3A_554] : memref<1280x128xf32, #tpu.memory_space<vmem_shared>> -> memref<1280x128xf32, #tpu.memory_space<vmem_shared>>
        tpu.wait_indirect_dma semaphore(%run_scoped3A_529 : memref<!tpu.dma_semaphore, #tpu.memory_space<semaphore_mem>>) src(%dma_wait3A_549 : memref<100x128xf32, #tpu.memory_space<vmem>>) dst(%dma_wait3A_555 : memref<1280x128xf32, #tpu.memory_space<vmem_shared>>)
        tpu.yield
      }) : () -> ()
      %run_scoped3A_525 = arith.constant 1 : i32
      %run_scoped3A_526 = arith.constant 2 : i32
      "tpu.region"() ({
        %run_scoped3A_529 = tpu.sem_alloc : memref<!tpu.dma_semaphore, #tpu.memory_space<semaphore_mem>>
        %dma_start3A_530 = arith.constant 0 : i32
        %dma_start3A_531 = arith.constant 0 : i32
        %dma_start3A_532 = tpu.memref_slice %arg9[%run_scoped3A_525, %dma_start3A_530, %dma_start3A_531] : memref<2x400x128xf32, #tpu.memory_space<vmem>> -> memref<1x400x128xf32, #tpu.memory_space<vmem>>
        %dma_start3A_533 = tpu.memref_squeeze %dma_start3A_532 : memref<1x400x128xf32, #tpu.memory_space<vmem>> -> memref<400x128xf32, #tpu.memory_space<vmem>>
        %dma_start3A_534 = arith.constant 200 : i32
        %dma_start3A_535 = arith.constant 0 : i32
        %dma_start3A_536 = tpu.memref_slice %dma_start3A_533[%dma_start3A_534, %dma_start3A_535] : memref<400x128xf32, #tpu.memory_space<vmem>> -> memref<100x128xf32, #tpu.memory_space<vmem>>
        %dma_start3A_537 = arith.constant 0 : i32
        %dma_start3A_538 = tpu.memref_slice %arg14[%run_scoped3A_526, %dma_start3A_537] : memref<4x100xi32, #tpu.memory_space<vmem>> -> memref<1x100xi32, #tpu.memory_space<vmem>>
        %dma_start3A_539 = tpu.memref_squeeze %dma_start3A_538 : memref<1x100xi32, #tpu.memory_space<vmem>> -> memref<100xi32, #tpu.memory_space<vmem>>
        %dma_start3A_540 = arith.constant 0 : i32
        %dma_start3A_541 = arith.constant 0 : i32
        %dma_start3A_542 = tpu.memref_slice %arg10[%dma_start3A_540, %dma_start3A_541] : memref<1280x128xf32, #tpu.memory_space<vmem_shared>> -> memref<1280x128xf32, #tpu.memory_space<vmem_shared>>
        tpu.enqueue_indirect_dma source(%dma_start3A_536 : memref<100x128xf32, #tpu.memory_space<vmem>>) target(%dma_start3A_542 : memref<1280x128xf32, #tpu.memory_space<vmem_shared>>) offsets(%dma_start3A_539 : memref<100xi32, #tpu.memory_space<vmem>>) semaphore(%run_scoped3A_529 : memref<!tpu.dma_semaphore, #tpu.memory_space<semaphore_mem>>) {add = true}
        %dma_wait3A_543 = arith.constant 0 : i32
        %dma_wait3A_544 = arith.constant 0 : i32
        %dma_wait3A_545 = tpu.memref_slice %arg9[%run_scoped3A_525, %dma_wait3A_543, %dma_wait3A_544] : memref<2x400x128xf32, #tpu.memory_space<vmem>> -> memref<1x400x128xf32, #tpu.memory_space<vmem>>
        %dma_wait3A_546 = tpu.memref_squeeze %dma_wait3A_545 : memref<1x400x128xf32, #tpu.memory_space<vmem>> -> memref<400x128xf32, #tpu.memory_space<vmem>>
        %dma_wait3A_547 = arith.constant 200 : i32
        %dma_wait3A_548 = arith.constant 0 : i32
        %dma_wait3A_549 = tpu.memref_slice %dma_wait3A_546[%dma_wait3A_547, %dma_wait3A_548] : memref<400x128xf32, #tpu.memory_space<vmem>> -> memref<100x128xf32, #tpu.memory_space<vmem>>
        %dma_wait3A_550 = arith.constant 0 : i32
        %dma_wait3A_551 = tpu.memref_slice %arg14[%run_scoped3A_526, %dma_wait3A_550] : memref<4x100xi32, #tpu.memory_space<vmem>> -> memref<1x100xi32, #tpu.memory_space<vmem>>
        %dma_wait3A_552 = tpu.memref_squeeze %dma_wait3A_551 : memref<1x100xi32, #tpu.memory_space<vmem>> -> memref<100xi32, #tpu.memory_space<vmem>>
        %dma_wait3A_553 = arith.constant 0 : i32
        %dma_wait3A_554 = arith.constant 0 : i32
        %dma_wait3A_555 = tpu.memref_slice %arg10[%dma_wait3A_553, %dma_wait3A_554] : memref<1280x128xf32, #tpu.memory_space<vmem_shared>> -> memref<1280x128xf32, #tpu.memory_space<vmem_shared>>
        tpu.wait_indirect_dma semaphore(%run_scoped3A_529 : memref<!tpu.dma_semaphore, #tpu.memory_space<semaphore_mem>>) src(%dma_wait3A_549 : memref<100x128xf32, #tpu.memory_space<vmem>>) dst(%dma_wait3A_555 : memref<1280x128xf32, #tpu.memory_space<vmem_shared>>)
        tpu.yield
      }) : () -> ()
      %run_scoped3A_527 = arith.constant 1 : i32
      %run_scoped3A_528 = arith.constant 3 : i32
      "tpu.region"() ({
        %run_scoped3A_529 = tpu.sem_alloc : memref<!tpu.dma_semaphore, #tpu.memory_space<semaphore_mem>>
        %dma_start3A_530 = arith.constant 0 : i32
        %dma_start3A_531 = arith.constant 0 : i32
        %dma_start3A_532 = tpu.memref_slice %arg9[%run_scoped3A_527, %dma_start3A_530, %dma_start3A_531] : memref<2x400x128xf32, #tpu.memory_space<vmem>> -> memref<1x400x128xf32, #tpu.memory_space<vmem>>
        %dma_start3A_533 = tpu.memref_squeeze %dma_start3A_532 : memref<1x400x128xf32, #tpu.memory_space<vmem>> -> memref<400x128xf32, #tpu.memory_space<vmem>>
        %dma_start3A_534 = arith.constant 300 : i32
        %dma_start3A_535 = arith.constant 0 : i32
        %dma_start3A_536 = tpu.memref_slice %dma_start3A_533[%dma_start3A_534, %dma_start3A_535] : memref<400x128xf32, #tpu.memory_space<vmem>> -> memref<100x128xf32, #tpu.memory_space<vmem>>
        %dma_start3A_537 = arith.constant 0 : i32
        %dma_start3A_538 = tpu.memref_slice %arg14[%run_scoped3A_528, %dma_start3A_537] : memref<4x100xi32, #tpu.memory_space<vmem>> -> memref<1x100xi32, #tpu.memory_space<vmem>>
        %dma_start3A_539 = tpu.memref_squeeze %dma_start3A_538 : memref<1x100xi32, #tpu.memory_space<vmem>> -> memref<100xi32, #tpu.memory_space<vmem>>
        %dma_start3A_540 = arith.constant 0 : i32
        %dma_start3A_541 = arith.constant 0 : i32
        %dma_start3A_542 = tpu.memref_slice %arg10[%dma_start3A_540, %dma_start3A_541] : memref<1280x128xf32, #tpu.memory_space<vmem_shared>> -> memref<1280x128xf32, #tpu.memory_space<vmem_shared>>
        tpu.enqueue_indirect_dma source(%dma_start3A_536 : memref<100x128xf32, #tpu.memory_space<vmem>>) target(%dma_start3A_542 : memref<1280x128xf32, #tpu.memory_space<vmem_shared>>) offsets(%dma_start3A_539 : memref<100xi32, #tpu.memory_space<vmem>>) semaphore(%run_scoped3A_529 : memref<!tpu.dma_semaphore, #tpu.memory_space<semaphore_mem>>) {add = true}
        %dma_wait3A_543 = arith.constant 0 : i32
        %dma_wait3A_544 = arith.constant 0 : i32
        %dma_wait3A_545 = tpu.memref_slice %arg9[%run_scoped3A_527, %dma_wait3A_543, %dma_wait3A_544] : memref<2x400x128xf32, #tpu.memory_space<vmem>> -> memref<1x400x128xf32, #tpu.memory_space<vmem>>
        %dma_wait3A_546 = tpu.memref_squeeze %dma_wait3A_545 : memref<1x400x128xf32, #tpu.memory_space<vmem>> -> memref<400x128xf32, #tpu.memory_space<vmem>>
        %dma_wait3A_547 = arith.constant 300 : i32
        %dma_wait3A_548 = arith.constant 0 : i32
        %dma_wait3A_549 = tpu.memref_slice %dma_wait3A_546[%dma_wait3A_547, %dma_wait3A_548] : memref<400x128xf32, #tpu.memory_space<vmem>> -> memref<100x128xf32, #tpu.memory_space<vmem>>
        %dma_wait3A_550 = arith.constant 0 : i32
        %dma_wait3A_551 = tpu.memref_slice %arg14[%run_scoped3A_528, %dma_wait3A_550] : memref<4x100xi32, #tpu.memory_space<vmem>> -> memref<1x100xi32, #tpu.memory_space<vmem>>
        %dma_wait3A_552 = tpu.memref_squeeze %dma_wait3A_551 : memref<1x100xi32, #tpu.memory_space<vmem>> -> memref<100xi32, #tpu.memory_space<vmem>>
        %dma_wait3A_553 = arith.constant 0 : i32
        %dma_wait3A_554 = arith.constant 0 : i32
        %dma_wait3A_555 = tpu.memref_slice %arg10[%dma_wait3A_553, %dma_wait3A_554] : memref<1280x128xf32, #tpu.memory_space<vmem_shared>> -> memref<1280x128xf32, #tpu.memory_space<vmem_shared>>
        tpu.wait_indirect_dma semaphore(%run_scoped3A_529 : memref<!tpu.dma_semaphore, #tpu.memory_space<semaphore_mem>>) src(%dma_wait3A_549 : memref<100x128xf32, #tpu.memory_space<vmem>>) dst(%dma_wait3A_555 : memref<1280x128xf32, #tpu.memory_space<vmem_shared>>)
        tpu.yield
      }) : () -> ()
    }
    %scan3A_78 = arith.constant 32 : i32
    %add3A_79 = arith.constant 2480 : i32
    %add3A_80 = arith.addi %mul3A_2, %add3A_79 : i32
    %dma_wait3A = arith.constant 0 : i32
    %dma_wait3A_81 = tpu.memref_slice %arg6[%add3A_80, %dma_wait3A] : memref<81920x128xf32, #tpu.memory_space<hbm>> -> memref<40x128xf32, #tpu.memory_space<hbm>>
    %dma_wait3A_82 = arith.constant 0 : i32
    %dma_wait3A_83 = tpu.memref_slice %arg10[%mul3A_6, %dma_wait3A_82] : memref<1280x128xf32, #tpu.memory_space<vmem_shared>> -> memref<40x128xf32, #tpu.memory_space<vmem_shared>>
    tpu.wait_dma2 semaphore(%arg17 : memref<!tpu.dma_semaphore, #tpu.memory_space<semaphore_mem>>) src(%dma_wait3A_83 : memref<40x128xf32, #tpu.memory_space<vmem_shared>>) dst(%dma_wait3A_81 : memref<40x128xf32, #tpu.memory_space<hbm>>)
    "tpu.region"() ({
      %run_scoped3A_86 = tpu.sem_alloc : memref<!tpu.dma_semaphore, #tpu.memory_space<semaphore_mem>>
      %dma_start3A_87 = arith.constant 0 : i32
      %dma_start3A_88 = tpu.memref_slice %arg10[%mul3A_6, %dma_start3A_87] : memref<1280x128xf32, #tpu.memory_space<vmem_shared>> -> memref<40x128xf32, #tpu.memory_space<vmem_shared>>
      tpu.enqueue_dma source(%arg4 : memref<40x128xf32, #tpu.memory_space<hbm>>) target(%dma_start3A_88 : memref<40x128xf32, #tpu.memory_space<vmem_shared>>) target_semaphore(%run_scoped3A_86 : memref<!tpu.dma_semaphore, #tpu.memory_space<semaphore_mem>>)
      %dma_wait3A_89 = arith.constant 0 : i32
      %dma_wait3A_90 = tpu.memref_slice %arg10[%mul3A_6, %dma_wait3A_89] : memref<1280x128xf32, #tpu.memory_space<vmem_shared>> -> memref<40x128xf32, #tpu.memory_space<vmem_shared>>
      tpu.wait_dma2 semaphore(%run_scoped3A_86 : memref<!tpu.dma_semaphore, #tpu.memory_space<semaphore_mem>>) src(%arg4 : memref<40x128xf32, #tpu.memory_space<hbm>>) dst(%dma_wait3A_90 : memref<40x128xf32, #tpu.memory_space<vmem_shared>>)
      tpu.yield
    }) : () -> ()
    "tpu.region"() ({
      %run_scoped3A_86 = tpu.sem_alloc : memref<!tpu.dma_semaphore, #tpu.memory_space<semaphore_mem>>
      %dma_start3A_87 = arith.constant 0 : i32
      %dma_start3A_88 = tpu.memref_slice %arg10[%mul3A_6, %dma_start3A_87] : memref<1280x128xf32, #tpu.memory_space<vmem_shared>> -> memref<40x128xf32, #tpu.memory_space<vmem_shared>>
      tpu.enqueue_dma source(%arg4 : memref<40x128xf32, #tpu.memory_space<hbm>>) target(%dma_start3A_88 : memref<40x128xf32, #tpu.memory_space<vmem_shared>>) target_semaphore(%run_scoped3A_86 : memref<!tpu.dma_semaphore, #tpu.memory_space<semaphore_mem>>)
      %dma_wait3A_89 = arith.constant 0 : i32
      %dma_wait3A_90 = tpu.memref_slice %arg10[%mul3A_6, %dma_wait3A_89] : memref<1280x128xf32, #tpu.memory_space<vmem_shared>> -> memref<40x128xf32, #tpu.memory_space<vmem_shared>>
      tpu.wait_dma2 semaphore(%run_scoped3A_86 : memref<!tpu.dma_semaphore, #tpu.memory_space<semaphore_mem>>) src(%arg4 : memref<40x128xf32, #tpu.memory_space<hbm>>) dst(%dma_wait3A_90 : memref<40x128xf32, #tpu.memory_space<vmem_shared>>)
      tpu.yield
    }) : () -> ()
    %add3A_84 = arith.constant 2520 : i32
    %add3A_85 = arith.addi %mul3A_2, %add3A_84 : i32
    "tpu.region"() ({
      %run_scoped3A_86 = tpu.sem_alloc : memref<!tpu.dma_semaphore, #tpu.memory_space<semaphore_mem>>
      %dma_start3A_87 = arith.constant 0 : i32
      %dma_start3A_88 = tpu.memref_slice %arg6[%add3A_85, %dma_start3A_87] : memref<81920x128xf32, #tpu.memory_space<hbm>> -> memref<40x128xf32, #tpu.memory_space<hbm>>
      %dma_start3A_89 = arith.constant 0 : i32
      %dma_start3A_90 = tpu.memref_slice %arg10[%add3A_8, %dma_start3A_89] : memref<1280x128xf32, #tpu.memory_space<vmem_shared>> -> memref<40x128xf32, #tpu.memory_space<vmem_shared>>
      tpu.enqueue_dma source(%dma_start3A_90 : memref<40x128xf32, #tpu.memory_space<vmem_shared>>) target(%dma_start3A_88 : memref<40x128xf32, #tpu.memory_space<hbm>>) target_semaphore(%run_scoped3A_86 : memref<!tpu.dma_semaphore, #tpu.memory_space<semaphore_mem>>)
      %dma_wait3A_91 = arith.constant 0 : i32
      %dma_wait3A_92 = tpu.memref_slice %arg6[%add3A_85, %dma_wait3A_91] : memref<81920x128xf32, #tpu.memory_space<hbm>> -> memref<40x128xf32, #tpu.memory_space<hbm>>
      %dma_wait3A_93 = arith.constant 0 : i32
      %dma_wait3A_94 = tpu.memref_slice %arg10[%add3A_8, %dma_wait3A_93] : memref<1280x128xf32, #tpu.memory_space<vmem_shared>> -> memref<40x128xf32, #tpu.memory_space<vmem_shared>>
      tpu.wait_dma2 semaphore(%run_scoped3A_86 : memref<!tpu.dma_semaphore, #tpu.memory_space<semaphore_mem>>) src(%dma_wait3A_94 : memref<40x128xf32, #tpu.memory_space<vmem_shared>>) dst(%dma_wait3A_92 : memref<40x128xf32, #tpu.memory_space<hbm>>)
      tpu.yield
    }) : () -> ()
    return
  }
}

</mosaic_0001>

<sc_bundles>
// kernel: kernel.3.cloned.1.call-start
scs
__scs_entry_jumppad:
0x0: {  	(pc) =	sbr.rel $0x88, $3  }
0x1: {  	(tag) =	ssettag $0x0;
	lr =	simm.s32 $0x1  }
0x2: {  	[smem:$0x3F9E] =	sst lr;
	_ =	strace $0xD0000000  }
0x3: {  	_ = 	snop  }
0x4: {  	_ = 	snop  }
0x5: {  	_ = 	snop  }
0x6: {  	_ = 	snop  }
0x7: {  	_ = 	snop  }
__scs_overlays_trampoline_lowered:
0x8: {  	[smem:$0x3FAD] =	sst s0  }
0x9: {  	[smem:$0x3FAE] =	sst s1  }
0xa: {  	[smem:$0x3FAF] =	sst s2  }
0xb: {  	[smem:$0x3FB0] =	sst s3  }
0xc: {  	[smem:$0x3FB1] =	sst s4  }
0xd: {  	[smem:$0x3FB2] =	sst s5  }
0xe: {  	[smem:$0x3FB3] =	sst s6  }
0xf: {  	[smem:$0x3FB4] =	sst s7  }
0x10: {  	[smem:$0x3FB5] =	sst s8  }
0x11: {  	[smem:$0x3FB6] =	sst s9;
	s0 =	simm.s32 @!p0 $0x0  }
0x12: {  	s1 =	sld [smem:$0x3F9C];
	s0 =	simm.s32 @p0 $0x1  }
0x13: {  	[smem:$0x3FB7] =	sst s0;
	s0 =	simm.s32 @!p1 $0x0  }
0x14: {  	s2 =	sld [smem:$0x3F9B];
	s0 =	simm.s32 @p1 $0x1  }
0x15: {  	[smem:$0x3FB8] =	sst s0;
	s0 =	simm.s32 @!p2 $0x0  }
0x16: {  	s3 =	sld [smem:$0x3FDB];
	s0 =	simm.s32 @p2 $0x1  }
0x17: {  	s4 =	simm.s32 $0x1BF5;
	[smem:$0x3FBA] =	sst s0  }
0x18: {  	s0 =	sld [smem:$0x3F9D];
	_ =	swait.ge [sflag:s4], $0x0  }
0x19: {  	s7 =	sld [smem:$0x3F9E]  }
0x1a: {  	s8 =	sadd.s32 $0xFFFFE003, lr  }
0x1b: {  	s9 =	sadd.s32 $0xFFFFFEF7, lr;
	s5 =	simm.s32 $0xFFFFFFFF;
	p2 =	slt.u32 s8, $0xFFFFF086  }
0x1c: {  	p1 =	slt.u32 s9, $0xF7A;
	s5 =	simm.s32 @!p2 $0x0  }
0x1d: {  	s5 =	simm.s32 @p1 $0x1;
	p0 =	seq.s32 s7, s2  }
0x1e: {  	s7 =	smul.u32 @!p0 $0xF7A, s2;
	p2 =	seq.s32 @!p0 s5, $0x0  }
0x1f: {  	s9 =	smul.u32 $0xF7A, s1;
	s8 =	simm.s32 @!p0 $0x1BF5;
	p2 =	por !p2, p0  }
0x20: {  	[sflag:s8] =	ssyncset.s32 @!p0 $0xFFFFF086;
	s6 =	sadd.s32 @!p0 s3, s7;
	s7 =	simm.s32 @!p0 $0x108  }
0x21: {  	s3 =	sadd.s32 s3, s9;
	s6 =	sadd.s32 @!p0 $0x88, s6;
	s7 =	simm.s32 @p2 $0x1082  }
0x22: {  	[simem:s7], [sflag:s8] =	dma.local @!p0 [hbm:s6], $0xF7A  }
0x23: {  	s9 =	sor.u32 $0xD0000000, s2;
	s6 =	simm.s32 $0x108;
	_ =	swait.ge @!p0 [sflag:s8], $0x0  }
0x24: {  	s3 =	sadd.s32 $0x88, s3;
	s6 =	simm.s32 @!p1 $0x1082;
	[sflag:s4] =	ssyncset.s32 $0xFFFFF086  }
0x25: {  	[simem:s6], [sflag:s4] =	dma.local [hbm:s3], $0xF7A  }
0x26: {  	[smem:$0x3F9E] =	sst s1;
	(tag) =	ssettag s2;
	_ =	strace s9  }
0x27: {  	s1 =	sld [smem:$0x3FAE]  }
0x28: {  	s2 =	sld [smem:$0x3FAF]  }
0x29: {  	s4 =	sld [smem:$0x3FB1]  }
0x2a: {  	p0 =	seq.s32 s5, $0x0;
	s5 =	sld [smem:$0x3FB2]  }
0x2b: {  	s6 =	sld [smem:$0x3FB3]  }
0x2c: {  	s7 =	sld [smem:$0x3FB4]  }
0x2d: {  	s3 =	simm.s32 $0x108;
	s8 =	sld [smem:$0x3FB5]  }
0x2e: {  	s3 =	simm.s32 @!p0 $0x1082;
	s9 =	sld [smem:$0x3FB6]  }
0x2f: {  	lr =	sadd.s32 s0, s3;
	s0 =	sld [smem:$0x3FAD]  }
0x30: {  	s3 =	sld [smem:$0x3FB0]  }
0x31: {  	[smem:$0x3FB9] =	sst s10  }
0x32: {  	s10 =	sld [smem:$0x3FB7];
	_ =	sdelay $0x3  }
0x33: {  	p0 =	seq.s32 s10, $0x1;
	s10 =	sld [smem:$0x3FB9];
	_ =	sdelay $0x3  }
0x34: {  	[smem:$0x3FB9] =	sst s10  }
0x35: {  	s10 =	sld [smem:$0x3FB8];
	_ =	sdelay $0x3  }
0x36: {  	p1 =	seq.s32 s10, $0x1;
	s10 =	sld [smem:$0x3FB9];
	_ =	sdelay $0x3  }
0x37: {  	[smem:$0x3FB9] =	sst s10  }
0x38: {  	s10 =	sld [smem:$0x3FBA]  }
0x39: {  	_ = 	snop;
	(pc) =	sbr.ind lr, $3  }
0x3a: {  	_ = 	snop  }
0x3b: {  	_ = 	snop  }
0x3c: {  	p2 =	seq.s32 s10, $0x1;
	s10 =	sld [smem:$0x3FB9]  }
0x3d: {  	_ =	shalt  }
0x3e: {  	_ =	shalt  }
0x3f: {  	_ =	shalt  }
0x40: {  	_ =	shalt  }
0x41: {  	_ =	shalt  }
0x42: {  	_ =	shalt  }
0x43: {  	_ =	shalt  }
0x44: {  	_ =	shalt  }
0x45: {  	_ =	shalt  }
0x46: {  	_ =	shalt  }
0x47: {  	_ =	shalt  }
0x48: {  	_ =	shalt  }
0x49: {  	_ =	shalt  }
0x4a: {  	_ =	shalt  }
0x4b: {  	_ =	shalt  }
0x4c: {  	_ =	shalt  }
0x4d: {  	_ =	shalt  }
0x4e: {  	_ =	shalt  }
0x4f: {  	_ =	shalt  }
0x50: {  	_ =	shalt  }
0x51: {  	_ =	shalt  }
0x52: {  	_ =	shalt  }
0x53: {  	_ =	shalt  }
0x54: {  	_ =	shalt  }
0x55: {  	_ =	shalt  }
0x56: {  	_ =	shalt  }
0x57: {  	_ =	shalt  }
0x58: {  	_ =	shalt  }
0x59: {  	_ =	shalt  }
0x5a: {  	_ =	shalt  }
0x5b: {  	_ =	shalt  }
0x5c: {  	_ =	shalt  }
0x5d: {  	_ =	shalt  }
0x5e: {  	_ =	shalt  }
0x5f: {  	_ =	shalt  }
0x60: {  	_ =	shalt  }
0x61: {  	_ =	shalt  }
0x62: {  	_ =	shalt  }
0x63: {  	_ =	shalt  }
0x64: {  	_ =	shalt  }
0x65: {  	_ =	shalt  }
0x66: {  	_ =	shalt  }
0x67: {  	_ =	shalt  }
0x68: {  	_ =	shalt  }
0x69: {  	_ =	shalt  }
0x6a: {  	_ =	shalt  }
0x6b: {  	_ =	shalt  }
0x6c: {  	_ =	shalt  }
0x6d: {  	_ =	shalt  }
0x6e: {  	_ =	shalt  }
0x6f: {  	_ =	shalt  }
0x70: {  	_ =	shalt  }
0x71: {  	_ =	shalt  }
0x72: {  	_ =	shalt  }
0x73: {  	_ =	shalt  }
0x74: {  	_ =	shalt  }
0x75: {  	_ =	shalt  }
0x76: {  	_ =	shalt  }
0x77: {  	_ =	shalt  }
0x78: {  	_ =	shalt  }
0x79: {  	_ =	shalt  }
0x7a: {  	_ =	shalt  }
0x7b: {  	_ =	shalt  }
0x7c: {  	_ =	shalt  }
0x7d: {  	_ =	shalt  }
0x7e: {  	_ =	shalt  }
0x7f: {  	_ =	shalt  }
0x80: {  	_ =	shalt  }
0x81: {  	_ =	shalt  }
0x82: {  	_ =	shalt  }
0x83: {  	_ =	shalt  }
0x84: {  	_ =	shalt  }
0x85: {  	_ =	shalt  }
0x86: {  	_ =	shalt  }
0x87: {  	_ =	shalt  }
.Lfunc_end0:
.L_simem_size_0:
called_computation.1_lowered:
.L_overlay_start_0:
0x88: {  	s2 =	sld [smem:$0x3FD9]  }
0x89: {  	s3 =	sld [smem:$0x3FFE];
	_ =	sdelay $0x1  }
0x8a: {  	s1 =	srdreg.scid  }
0x8b: {  	s0 =	sand.u32 $0x1, s1  }
0x8c: {  	s17 =	sshll.u32 s0, $0xA;
	s2 =	sadd.s32 s3, s2  }
0x8d: {  	s2 =	sadd.s32 s2, s17  }
0x8e: {  	[smem:$0x3FC5] =	sst s2  }
0x8f: {  	_ = 	snop  }
0x90: {  	s2 =	sld [smem:$0x3FC8]  }
0x91: {  	s18 =	sld [smem:$0x3FD0];
	(tm) =	ssettm $0x1  }
0x92: {  	s4 =	sld [smem:$0x3FFB];
	_ =	sdelay $0x3  }
0x93: {  	_ =	strace s4  }
0x94: {  	s4 =	sld [smem:$0x3FFC];
	_ =	sdelay $0x3  }
0x95: {  	_ =	strace s4  }
0x96: {  	s4 =	sld [smem:$0x3FFD];
	_ =	sdelay $0x3  }
0x97: {  	_ =	strace s4  }
0x98: {  	_ =	strace $0x8FFFFFFF  }
0x99: {  	s19 =	sld [smem:$0x3FDB];
	_ =	sdelay $0x1  }
0x9a: {  	s5 =	simm.s32 $_scs_section_size  }
0x9b: {  	s6 =	simm.s32 $_size__tile_overlayer_lowered;
	s7 =	simm.s32 $_tile_overlayer_lowered  }
0x9c: {  	s22 =	simm.s32 $0x1BFF;
	s21 =	sshll.u32 s7, $0x1;
	s4 =	sadd.s32 s5, s19  }
0x9d: {  	s8 =	simm.s32 $0x0;
	s20 =	sshll.u32 s6, $0x1;
	s6 =	sadd.s32 s21, s4  }
0x9e: {  	[timem:s8], [sflag:s22] =	dma.local [hbm:s6], s20  }
0x9f: {  	_ =	swait.ge [sflag:s22], s20  }
0xa0: {  	s5 =	ssub.s32 $0x0, s20;
	[sflag:s22] =	ssyncset.done $0x0  }
0xa1: {  	[sflag:s22] =	ssyncadd.s32 s5;
	_ =	sdelay $0x1  }
0xa2: {  	s23 =	simm.s32 $0x1B8B  }
0xa3: {  	_ =	swait.ge [sflag:s23], $0x1  }
0xa4: {  	[sflag:s23] =	ssyncset.done $0x0  }
0xa5: {  	s25 =	simm.s32 $0x1B8E;
	s24 =	sld [smem:$0x3FFE];
	[sflag:s23] =	ssyncadd.s32 $0xFFFFFFFF  }
0xa6: {  	s26 =	simm.s32 $execute0_lowered;
	[smem:$0x3FD2] =	sst s25  }
0xa7: {  	s6 =	sshll.u32 s26, $0x1;
	_ =	strace $0x80000046;
	[dreg:$0x1] =	wrdreg $0xFFFFFFFF  }
0xa8: {  	s28 =	simm.s32 $_size_execute0_lowered;
	s4 =	sadd.s32 s4, s6;
	[dreg:$0x0] =	wrdreg $0x0  }
0xa9: {  	s6 =	sshll.u32 s28, $0x1;
	[dreg:$0x2] =	wrdreg s4  }
0xaa: {  	[dreg:$0x3] =	wrdreg s6  }
0xab: {  	[dreg:$0x4] =	wrdreg $0xC0  }
0xac: {  	_ =	task [dreg:s8], $0x5FFFF  }
0xad: {  	[dreg:$0x1] =	wrdreg $0xFFFFFFFF  }
0xae: {  	[dreg:$0x0] =	wrdreg $0x60  }
0xaf: {  	[dreg:$0x2] =	wrdreg s24  }
0xb0: {  	[dreg:$0x3] =	wrdreg s2  }
0xb1: {  	[dreg:$0x4] =	wrdreg s18  }
0xb2: {  	[dreg:$0x5] =	wrdreg $0x198000  }
0xb3: {  	[dreg:$0x6] =	wrdreg $0x9  }
0xb4: {  	_ =	task.clear_ibuf [dreg:s8], $0x7FFFF;
	_ =	strace $0x90000046  }
0xb5: {  	s29 =	simm.s32 $0x9;
	_ =	strace $0x80000048  }
0xb6: {  	_ =	swait.ge [sflag:s29], $0x1  }
0xb7: {  	[sflag:s29] =	ssyncadd.s32 $0xFFFFFFFF  }
0xb8: {  	_ =	strace $0x90000048  }
0xb9: {  	_ =	sfence  }
0xba: {  	s30 =	sld [smem:$0x0];
	_ =	sdelay $0x2  }
0xbb: {  	s31 =	sshll.u32 s1, $0xD;
	s1 =	sshrl.u32 s1, $0x2  }
0xbc: {  	s3 =	sand.u32 $0x4000, s31;
	s1 =	sadd.s32 s1, s30  }
0xbd: {  	s0 =	sor.u32 s3, s0;
	s1 =	sshll.u32 s1, $0x11  }
0xbe: {  	s0 =	sor.u32 s1, s0  }
0xbf: {  	s0 =	sadd.s32 $0x8F2B, s0  }
0xc0: {  	[sflag:s0] =	ssyncadd.remote.s32 $0x1  }
0xc1: {  	_ =	sfence.sel $0xFFFF  }
0xc2: {  	[dreg:$0x0] =	wrdreg $0xFFFFFFFF;
	(pc) =	sbr.abs _section_cstart, $3  }
0xc3: {  	[dreg:$0x1] =	wrdreg $0xFFFFFFFF  }
0xc4: {  	_ =	task.clear_ibuf [dreg:s8], $0x2FFFF;
	_ =	strace $0x9FFFFFFF  }
0xc5: {  	(tm) =	ssettm $0x7FFFFFFF  }
tec
execute0_lowered:
.L_overlay_start_1:
0x0: {  	(tag) =	ssettag $0x1  }
0x1: {  	s0 =	rddreg [dreg:$0x0]  }
0x2: {  	s1 =	rddreg [dreg:$0x1]  }
0x3: {  	s3 =	rddreg [dreg:$0x2]  }
0x4: {  	s2 =	rddreg [dreg:$0x3];
	s16 =	simm.s32 $0x0;
	s12 =	stileid.u32  }
0x5: {  	s4 =	srdreg.scid;
	s26 =	simm.s32 $0x200;
	s14 =	simm.s32 $0x380  }
0x6: {  	s15 =	simm.s32 $0x1C080;
	s28 =	simm.s32 $0x6C00;
	s30 =	simm.s32 $0x9E00  }
0x7: {  	s31 =	simm.s32 $0x400;
	s29 =	simm.s32 $0x13400;
	[smem:$0x7FF] =	sst s16  }
0x8: {  	s6 =	sadd.s32 $0xC00, s0;
	s7 =	sshll.u32 s12, $0x8;
	s4 =	sand.u32 $0x1, s4  }
0x9: {  	s5 =	sadd.s32 $0x800, s0;
	_ =	strace $0x80000047;
	[dreg:$0x5] =	wrdreg s26  }
0xa: {  	s9 =	sshll.u32 s12, $0x1;
	s10 =	smul.u32 $0xA000, s12;
	[dreg:$0x8] =	wrdreg s14  }
0xb: {  	s19 =	sor.u32 s4, s9;
	s9 =	simm.s32 $0x280;
	[dreg:$0x9] =	wrdreg s15  }
0xc: {  	s17 =	smul.u32 $0x14000, s12;
	s26 =	simm.s32 $0x1C300;
	[dreg:$0x6] =	wrdreg s9  }
0xd: {  	s0 =	sadd.s32 s7, s0;
	s15 =	simm.s32 $0x1C480;
	[dreg:$0x10] =	wrdreg s26  }
0xe: {  	s18 =	ssub.s32 $0x2, s4;
	s20 =	sadd.s32 $0x40C00, s0;
	[dreg:$0x16] =	wrdreg s15  }
0xf: {  	s8 =	sshrl.u32 s18, $0x1;
	s21 =	sadd.s32 $0x40C40, s0;
	[dreg:$0x1c] =	wrdreg s20  }
0x10: {  	s13 =	sadd.s32 $0x40C80, s0;
	s9 =	simm.s32 $0x700;
	[dreg:$0x1d] =	wrdreg s21  }
0x11: {  	s22 =	sshrl.u32 s10, $0x2;
	s23 =	sshll.u32 s19, $0xD;
	[dreg:$0x14] =	wrdreg s9  }
0x12: {  	s24 =	smul.u32 $0x50000, s19;
	s26 =	simm.s32 $0x1C780;
	[dreg:$0x1e] =	wrdreg s13  }
0x13: {  	s19 =	smul.u32 $0xA000, s4;
	s25 =	sadd.s32 s6, s23;
	[dreg:$0x1b] =	wrdreg s26  }
0x14: {  	s4 =	sshll.u32 s4, $0xD;
	s10 =	sadd.s32 s22, s2;
	[smem:$0x7F9] =	sst s25  }
0x15: {  	s7 =	ssub.s32 s18, s8;
	s18 =	simm.s32 $0x1C100;
	[dreg:$0x1f] =	wrdreg s10  }
0x16: {  	s20 =	simm.s32 $0x1C180;
	s21 =	simm.s32 $0x480;
	[dreg:$0xa] =	wrdreg s18  }
0x17: {  	s22 =	simm.s32 $0x500;
	s23 =	sshll.u32 s12, $0xE;
	[dreg:$0xb] =	wrdreg s20  }
0x18: {  	s8 =	simm.s32 $0x680;
	s26 =	simm.s32 $0x10200;
	[dreg:$0xc] =	wrdreg s21  }
0x19: {  	s11 =	sadd.s32 $0x1400, s10;
	s0 =	sshrl.u32 s24, $0x3;
	[dreg:$0xd] =	wrdreg s22  }
0x1a: {  	s10 =	simm.s32 $0x300;
	s7 =	smax.u32 s7, $0x1;
	[dreg:$0x13] =	wrdreg s8  }
0x1b: {  	s24 =	simm.s32 $0x580;
	s25 =	simm.s32 $0x1C280;
	[dreg:$0x7] =	wrdreg s10  }
0x1c: {  	s18 =	simm.s32 $0x1C000;
	s20 =	simm.s32 $0x1C400;
	[smem:$0x7FB] =	sst s7  }
0x1d: {  	s21 =	sadd.s32 $0x40, s13;
	s22 =	simm.s32 $0x1C500;
	[dreg:$0xe] =	wrdreg s24  }
0x1e: {  	s8 =	simm.s32 $0x0;
	s0 =	sadd.s32 s3, s0;
	[dreg:$0xf] =	wrdreg s25  }
0x1f: {  	s3 =	sadd.s32 s17, s3;
	s7 =	simm.s32 $0x600;
	[smem:$0x7FD] =	sst s21  }
0x20: {  	s17 =	simm.s32 $0x4;
	s10 =	simm.s32 $0x780;
	[dreg:$0x17] =	wrdreg s22  }
0x21: {  	s22 =	simm.s32 $0x64;
	s24 =	simm.s32 $0x1C680;
	s25 =	simm.s32 $0x1C700  }
0x22: {  	s21 =	simm.s32 $0x1C400;
	s0 =	sadd.s32 $0x9D80, s0;
	[dreg:$0x12] =	wrdreg s7  }
0x23: {  	s14 =	sadd.s32 s19, s3;
	s3 =	sadd.s32 s23, s6;
	[dreg:$0x15] =	wrdreg s10  }
0x24: {  	s6 =	simm.s32 $0x1C380;
	s19 =	simm.s32 $0x1C200;
	[dreg:$0x19] =	wrdreg s24  }
0x25: {  	s23 =	simm.s32 $0x1C580;
	[dreg:$0x1a] =	wrdreg s25;
	s25 =	simm.s32 $0x3A00  }
0x26: {  	s24 =	simm.s32 $0xD000;
	s7 =	simm.s32 $0x2;
	[smem:$0x7FA] =	sst s0  }
0x27: {  	s3 =	sadd.s32 s4, s3;
	[dreg:$0x11] =	wrdreg s6;
	s4 =	simm.s32 $0x1C600  }
0x28: {  	[dreg:$0x18] =	wrdreg s23;
	s23 =	simm.s32 $0x800;
	s3 =	sadd.s32 $0x80, s3  }
0x29: {  	s0 =	simm.s32 $0x1;
	s6 =	simm.s32 $0x16600;
	[smem:$0x7FC] =	sst s3  }
.LBB2_1:
0x2a: {  	[smem:$0x7F8] =	sst s8  }
0x2b: {  	s3 =	rddreg [dreg:$0x1c]  }
0x2c: {  	[tilespmem:s18], [sflag:$0x4] =	stream.linear.gather [hbm4b:s3+s16], $0x200, $0x38;
	[tilespmem:$0x1C800] =	vst v63  }
0x2d: {  	_ =	swait.ge [sflag:s17], $0x200  }
0x2e: {  	[sflag:s17] =	ssyncset.done $0x0  }
0x2f: {  	s8 =	rddreg [dreg:$0x1d];
	[sflag:s17] =	ssyncadd.s32 $0xFFFFFE00  }
0x30: {  	[tilespmem:s19], [sflag:$0x4] =	stream.linear.gather [hbm4b:s8+s16], $0x200, $0x38;
	[tilespmem:$0x1C800] =	vst v63  }
0x31: {  	_ =	swait.ge [sflag:s17], $0x200  }
0x32: {  	[sflag:s17] =	ssyncset.done $0x0  }
0x33: {  	s9 =	rddreg [dreg:$0x1e];
	[sflag:s17] =	ssyncadd.s32 $0xFFFFFE00  }
0x34: {  	[tilespmem:s20], [sflag:$0x4] =	stream.linear.gather [hbm4b:s9+s16], $0x200, $0x38;
	[tilespmem:$0x1C800] =	vst v63  }
0x35: {  	_ =	swait.ge [sflag:s17], $0x200  }
0x36: {  	s10 =	sld [smem:$0x7FD]  }
0x37: {  	[sflag:s17] =	ssyncset.done $0x0  }
0x38: {  	[sflag:s17] =	ssyncadd.s32 $0xFFFFFE00  }
0x39: {  	[tilespmem:s4], [sflag:$0x4] =	stream.linear.gather [hbm4b:s10+s16], $0x200, $0x38;
	[tilespmem:$0x1C800] =	vst v63  }
0x3a: {  	_ =	swait.ge [sflag:s17], $0x200  }
0x3b: {  	s13 =	sld [smem:$0x7F9]  }
0x3c: {  	[sflag:s17] =	ssyncset.done $0x0  }
0x3d: {  	[sflag:s17] =	ssyncadd.s32 $0xFFFFFE00  }
0x3e: {  	[tilespmem:s16], [sflag:$0x4] =	stream.linear.gather [hbm4b:s13+s16], $0x400, $0x38;
	[tilespmem:$0x1C800] =	vst v63  }
0x3f: {  	_ =	swait.ge [sflag:s17], $0x400  }
0x40: {  	[sflag:s17] =	ssyncset.done $0x0  }
0x41: {  	[sflag:s17] =	ssyncadd.s32 $0xFFFFFC00  }
0x42: {  	[tilespmem:s23], [sflag:$0x1] =	stream.indirect.gather [hbm4b:s1+s22], $0x80, s16, s22, $0xb8;
	[tilespmem:$0x1C800] =	vst v63  }
0x43: {  	s15 =	simm.s32 $0x80  }
0x44: {  	[tilespmem:s25], [sflag:$0x1] =	stream.indirect.gather [hbm4b:s1+s22], $0x80, s15, s22, $0xb8;
	[tilespmem:$0x1C800] =	vst v63  }
0x45: {  	s4 =	simm.s32 $0x100  }
0x46: {  	[tilespmem:s28], [sflag:$0x1] =	stream.indirect.gather [hbm4b:s1+s22], $0x80, s4, s22, $0xb8;
	[tilespmem:$0x1C800] =	vst v63  }
0x47: {  	s8 =	simm.s32 $0x180;
	s15 =	sld [smem:$0x7FC]  }
0x48: {  	[tilespmem:s30], [sflag:$0x1] =	stream.indirect.gather [hbm4b:s1+s22], $0x80, s8, s22, $0xb8;
	[tilespmem:$0x1C800] =	vst v63  }
0x49: {  	_ = 	snop  }
0x4a: {  	[tilespmem:s31], [sflag:$0x4] =	stream.linear.gather [hbm4b:s15+s16], $0x400, $0x38;
	[tilespmem:$0x1C800] =	vst v63  }
0x4b: {  	_ =	swait.ge [sflag:s17], $0x400  }
0x4c: {  	[sflag:s17] =	ssyncset.done $0x0  }
0x4d: {  	[sflag:s17] =	ssyncadd.s32 $0xFFFFFC00  }
0x4e: {  	_ =	swait.ge [sflag:s0], $0x3200  }
0x4f: {  	[sflag:s0] =	ssyncset.done $0x0  }
0x50: {  	[sflag:s0] =	ssyncadd.s32 $0xFFFFCE00  }
0x51: {  	_ =	swait.ge [sflag:s0], $0x3200  }
0x52: {  	[sflag:s0] =	ssyncset.done $0x0  }
0x53: {  	[sflag:s0] =	ssyncadd.s32 $0xFFFFCE00  }
0x54: {  	_ =	swait.ge [sflag:s0], $0x3200  }
0x55: {  	[sflag:s0] =	ssyncset.done $0x0  }
0x56: {  	[sflag:s0] =	ssyncadd.s32 $0xFFFFCE00  }
0x57: {  	_ =	swait.ge [sflag:s0], $0x3200  }
0x58: {  	[sflag:s0] =	ssyncset.done $0x0  }
0x59: {  	s9 =	rddreg [dreg:$0x5];
	[sflag:s0] =	ssyncadd.s32 $0xFFFFCE00  }
0x5a: {  	[tilespmem:s24], [sflag:$0x2] =	stream.indirect.gather [hbm4b:s1+s22], $0x80, s9, s22, $0xb8;
	[tilespmem:$0x1C800] =	vst v63  }
0x5b: {  	s10 =	rddreg [dreg:$0x6]  }
0x5c: {  	[tilespmem:s26], [sflag:$0x2] =	stream.indirect.gather [hbm4b:s1+s22], $0x80, s10, s22, $0xb8;
	[tilespmem:$0x1C800] =	vst v63  }
0x5d: {  	p0 =	por $0x1, $0x1;
	s13 =	rddreg [dreg:$0x7]  }
0x5e: {  	[tilespmem:s29], [sflag:$0x2] =	stream.indirect.gather [hbm4b:s1+s22], $0x80, s13, s22, $0xb8;
	[tilespmem:$0x1C800] =	vst v63  }
0x5f: {  	s4 =	simm.s32 @!p0 $0x3;
	s8 =	rddreg [dreg:$0x8]  }
0x60: {  	[tilespmem:s6], [sflag:$0x2] =	stream.indirect.gather [hbm4b:s1+s22], $0x80, s8, s22, $0xb8;
	[tilespmem:$0x1C800] =	vst v63  }
0x61: {  	_ =	swait.ge @!p0 [sflag:s4], $0x280  }
0x62: {  	s3 =	sshll.u32 s12, $0x6;
	[sflag:s4] =	ssyncset.done @!p0 $0x0;
	s9 =	rddreg [dreg:$0x1f]  }
0x63: {  	s13 =	sor.u32 $0x1C04, s3;
	s8 =	sshrl.u32 s9, $0x3;
	[sflag:s4] =	ssyncadd.s32 @!p0 $0xFFFFFD80  }
0x64: {  	[spmem:s8], [sflag:s13] =	dma.local [hbm:s5], $0x280  }
0x65: {  	_ =	swait.ge [sflag:s17], $0x280  }
0x66: {  	[sflag:s17] =	ssyncset.done $0x0  }
0x67: {  	[sflag:s17] =	ssyncadd.s32 $0xFFFFFD80  }
0x68: {  	[spmem:s2] =	stream.indirect.scatter.add.f32 [tilespmem:s23], [sflag:$0x4], $0x80, s18, s22, $0xb8;
	[tilespmem:$0x1C800] =	vst v63  }
0x69: {  	_ =	swait.ge [sflag:s17], $0x3200  }
0x6a: {  	[sflag:s17] =	ssyncset.done $0x0  }
0x6b: {  	s9 =	rddreg [dreg:$0x9];
	[sflag:s17] =	ssyncadd.s32 $0xFFFFCE00  }
0x6c: {  	[spmem:s2] =	stream.indirect.scatter.add.f32 [tilespmem:s25], [sflag:$0x4], $0x80, s9, s22, $0xb8;
	[tilespmem:$0x1C800] =	vst v63  }
0x6d: {  	_ =	swait.ge [sflag:s17], $0x3200  }
0x6e: {  	[sflag:s17] =	ssyncset.done $0x0  }
0x6f: {  	s10 =	rddreg [dreg:$0xa];
	[sflag:s17] =	ssyncadd.s32 $0xFFFFCE00  }
0x70: {  	[spmem:s2] =	stream.indirect.scatter.add.f32 [tilespmem:s28], [sflag:$0x4], $0x80, s10, s22, $0xb8;
	[tilespmem:$0x1C800] =	vst v63  }
0x71: {  	_ =	swait.ge [sflag:s17], $0x3200  }
0x72: {  	[sflag:s17] =	ssyncset.done $0x0  }
0x73: {  	s10 =	rddreg [dreg:$0xb];
	[sflag:s17] =	ssyncadd.s32 $0xFFFFCE00  }
0x74: {  	[spmem:s2] =	stream.indirect.scatter.add.f32 [tilespmem:s30], [sflag:$0x4], $0x80, s10, s22, $0xb8;
	[tilespmem:$0x1C800] =	vst v63  }
0x75: {  	s9 =	sadd.s32 @!p0 $0x0, s14;
	_ =	swait.ge [sflag:s17], $0x3200  }
0x76: {  	s9 =	sadd.s32 @!p0 $0xFFFFFD80, s9;
	s10 =	sshll.u32 @!p0 s12, $0x6;
	[sflag:s17] =	ssyncset.done $0x0  }
0x77: {  	s12 =	sshrl.u32 @!p0 s11, $0x3;
	s10 =	sor.u32 @!p0 $0x1C03, s10;
	[sflag:s17] =	ssyncadd.s32 $0xFFFFCE00  }
0x78: {  	[hbm:s9], [sflag:s10] =	dma.local @!p0 [spmem:s12], $0x280  }
0x79: {  	_ =	swait.ge [sflag:s7], $0x3200  }
0x7a: {  	[sflag:s7] =	ssyncset.done $0x0  }
0x7b: {  	[sflag:s7] =	ssyncadd.s32 $0xFFFFCE00  }
0x7c: {  	_ =	swait.ge [sflag:s7], $0x3200  }
0x7d: {  	[sflag:s7] =	ssyncset.done $0x0  }
0x7e: {  	[sflag:s7] =	ssyncadd.s32 $0xFFFFCE00  }
0x7f: {  	_ =	swait.ge [sflag:s7], $0x3200  }
0x80: {  	[sflag:s7] =	ssyncset.done $0x0  }
0x81: {  	[sflag:s7] =	ssyncadd.s32 $0xFFFFCE00  }
0x82: {  	_ =	swait.ge [sflag:s7], $0x3200  }
0x83: {  	[sflag:s7] =	ssyncset.done $0x0  }
0x84: {  	[sflag:s7] =	ssyncadd.s32 $0xFFFFCE00  }
0x85: {  	[tilespmem:s23], [sflag:$0x1] =	stream.indirect.gather [hbm4b:s1+s22], $0x80, s31, s22, $0xb8;
	[tilespmem:$0x1C800] =	vst v63  }
0x86: {  	s12 =	rddreg [dreg:$0xc]  }
0x87: {  	[tilespmem:s25], [sflag:$0x1] =	stream.indirect.gather [hbm4b:s1+s22], $0x80, s12, s22, $0xb8;
	[tilespmem:$0x1C800] =	vst v63  }
0x88: {  	s10 =	rddreg [dreg:$0xd]  }
0x89: {  	[tilespmem:s28], [sflag:$0x1] =	stream.indirect.gather [hbm4b:s1+s22], $0x80, s10, s22, $0xb8;
	[tilespmem:$0x1C800] =	vst v63  }
0x8a: {  	s12 =	rddreg [dreg:$0xe]  }
0x8b: {  	[tilespmem:s30], [sflag:$0x1] =	stream.indirect.gather [hbm4b:s1+s22], $0x80, s12, s22, $0xb8;
	[tilespmem:$0x1C800] =	vst v63  }
0x8c: {  	_ = 	snop  }
0x8d: {  	[spmem:s2] =	stream.indirect.scatter.add.f32 [tilespmem:s24], [sflag:$0x4], $0x80, s19, s22, $0xb8;
	[tilespmem:$0x1C800] =	vst v63  }
0x8e: {  	_ =	swait.ge [sflag:s17], $0x3200  }
0x8f: {  	[sflag:s17] =	ssyncset.done $0x0  }
0x90: {  	s12 =	rddreg [dreg:$0xf];
	[sflag:s17] =	ssyncadd.s32 $0xFFFFCE00  }
0x91: {  	[spmem:s2] =	stream.indirect.scatter.add.f32 [tilespmem:s26], [sflag:$0x4], $0x80, s12, s22, $0xb8;
	[tilespmem:$0x1C800] =	vst v63  }
0x92: {  	_ =	swait.ge [sflag:s17], $0x3200  }
0x93: {  	[sflag:s17] =	ssyncset.done $0x0  }
0x94: {  	s10 =	rddreg [dreg:$0x10];
	[sflag:s17] =	ssyncadd.s32 $0xFFFFCE00  }
0x95: {  	[spmem:s2] =	stream.indirect.scatter.add.f32 [tilespmem:s29], [sflag:$0x4], $0x80, s10, s22, $0xb8;
	[tilespmem:$0x1C800] =	vst v63  }
0x96: {  	_ =	swait.ge [sflag:s17], $0x3200  }
0x97: {  	[sflag:s17] =	ssyncset.done $0x0  }
0x98: {  	s12 =	rddreg [dreg:$0x11];
	[sflag:s17] =	ssyncadd.s32 $0xFFFFCE00  }
0x99: {  	[spmem:s2] =	stream.indirect.scatter.add.f32 [tilespmem:s6], [sflag:$0x4], $0x80, s12, s22, $0xb8;
	[tilespmem:$0x1C800] =	vst v63  }
0x9a: {  	p1 =	por $0x0, $0x0;
	_ =	swait.ge [sflag:s17], $0x3200  }
0x9b: {  	s9 =	sadd.s32 @!p1 $0x80, s15;
	[sflag:s17] =	ssyncset.done $0x0  }
0x9c: {  	s10 =	simm.s32 @!p1 $0x0;
	s12 =	simm.s32 @!p1 $0x4;
	[sflag:s17] =	ssyncadd.s32 $0xFFFFCE00  }
0x9d: {  	[tilespmem:s10], [sflag:$0x4] =	stream.linear.gather @!p1 [hbm4b:s9+s10], $0x400, $0x38;
	[tilespmem:$0x1C800] =	vst v63  }
0x9e: {  	_ =	swait.ge @!p1 [sflag:s12], $0x400  }
0x9f: {  	[sflag:s12] =	ssyncset.done @!p1 $0x0  }
0xa0: {  	[sflag:s12] =	ssyncadd.s32 @!p1 $0xFFFFFC00  }
0xa1: {  	_ =	swait.ge [sflag:s0], $0x3200  }
0xa2: {  	[sflag:s0] =	ssyncset.done $0x0  }
0xa3: {  	[sflag:s0] =	ssyncadd.s32 $0xFFFFCE00  }
0xa4: {  	_ =	swait.ge [sflag:s0], $0x3200  }
0xa5: {  	[sflag:s0] =	ssyncset.done $0x0  }
0xa6: {  	[sflag:s0] =	ssyncadd.s32 $0xFFFFCE00  }
0xa7: {  	_ =	swait.ge [sflag:s0], $0x3200  }
0xa8: {  	[sflag:s0] =	ssyncset.done $0x0  }
0xa9: {  	[sflag:s0] =	ssyncadd.s32 $0xFFFFCE00  }
0xaa: {  	_ =	swait.ge [sflag:s0], $0x3200  }
0xab: {  	[sflag:s0] =	ssyncset.done $0x0  }
0xac: {  	s9 =	rddreg [dreg:$0x12];
	[sflag:s0] =	ssyncadd.s32 $0xFFFFCE00  }
0xad: {  	[tilespmem:s24], [sflag:$0x2] =	stream.indirect.gather [hbm4b:s1+s22], $0x80, s9, s22, $0xb8;
	[tilespmem:$0x1C800] =	vst v63  }
0xae: {  	s12 =	rddreg [dreg:$0x13]  }
0xaf: {  	[tilespmem:s26], [sflag:$0x2] =	stream.indirect.gather [hbm4b:s1+s22], $0x80, s12, s22, $0xb8;
	[tilespmem:$0x1C800] =	vst v63  }
0xb0: {  	s9 =	rddreg [dreg:$0x14]  }
0xb1: {  	[tilespmem:s29], [sflag:$0x2] =	stream.indirect.gather [hbm4b:s1+s22], $0x80, s9, s22, $0xb8;
	[tilespmem:$0x1C800] =	vst v63  }
0xb2: {  	s12 =	rddreg [dreg:$0x15]  }
0xb3: {  	[tilespmem:s6], [sflag:$0x2] =	stream.indirect.gather [hbm4b:s1+s22], $0x80, s12, s22, $0xb8;
	[tilespmem:$0x1C800] =	vst v63  }
0xb4: {  	_ =	swait.ge @!p0 [sflag:s4], $0x280  }
0xb5: {  	[sflag:s4] =	ssyncset.done @!p0 $0x0  }
0xb6: {  	s9 =	sshrl.u32 s11, $0x3;
	[sflag:s4] =	ssyncadd.s32 @!p0 $0xFFFFFD80  }
0xb7: {  	[spmem:s9], [sflag:s13] =	dma.local [hbm:s5], $0x280  }
0xb8: {  	_ =	swait.ge [sflag:s17], $0x280  }
0xb9: {  	[sflag:s17] =	ssyncset.done $0x0  }
0xba: {  	[sflag:s17] =	ssyncadd.s32 $0xFFFFFD80  }
0xbb: {  	[spmem:s2] =	stream.indirect.scatter.add.f32 [tilespmem:s23], [sflag:$0x4], $0x80, s20, s22, $0xb8;
	[tilespmem:$0x1C800] =	vst v63  }
0xbc: {  	_ =	swait.ge [sflag:s17], $0x3200  }
0xbd: {  	[sflag:s17] =	ssyncset.done $0x0  }
0xbe: {  	s20 =	rddreg [dreg:$0x16];
	[sflag:s17] =	ssyncadd.s32 $0xFFFFCE00  }
0xbf: {  	[spmem:s2] =	stream.indirect.scatter.add.f32 [tilespmem:s25], [sflag:$0x4], $0x80, s20, s22, $0xb8;
	[tilespmem:$0x1C800] =	vst v63  }
0xc0: {  	_ =	swait.ge [sflag:s17], $0x3200  }
0xc1: {  	[sflag:s17] =	ssyncset.done $0x0  }
0xc2: {  	s12 =	rddreg [dreg:$0x17];
	[sflag:s17] =	ssyncadd.s32 $0xFFFFCE00  }
0xc3: {  	[spmem:s2] =	stream.indirect.scatter.add.f32 [tilespmem:s28], [sflag:$0x4], $0x80, s12, s22, $0xb8;
	[tilespmem:$0x1C800] =	vst v63  }
0xc4: {  	_ =	swait.ge [sflag:s17], $0x3200  }
0xc5: {  	[sflag:s17] =	ssyncset.done $0x0  }
0xc6: {  	s20 =	rddreg [dreg:$0x18];
	[sflag:s17] =	ssyncadd.s32 $0xFFFFCE00  }
0xc7: {  	[spmem:s2] =	stream.indirect.scatter.add.f32 [tilespmem:s30], [sflag:$0x4], $0x80, s20, s22, $0xb8;
	[tilespmem:$0x1C800] =	vst v63  }
0xc8: {  	_ =	swait.ge [sflag:s17], $0x3200  }
0xc9: {  	[sflag:s17] =	ssyncset.done $0x0  }
0xca: {  	s12 =	sadd.s32 $0x0, s14;
	s20 =	sor.u32 $0x1C03, s3;
	[sflag:s17] =	ssyncadd.s32 $0xFFFFCE00  }
0xcb: {  	[hbm:s12], [sflag:s20] =	dma.local [spmem:s8], $0x280  }
0xcc: {  	_ =	swait.ge [sflag:s7], $0x3200  }
0xcd: {  	[sflag:s7] =	ssyncset.done $0x0  }
0xce: {  	[sflag:s7] =	ssyncadd.s32 $0xFFFFCE00  }
0xcf: {  	_ =	swait.ge [sflag:s7], $0x3200  }
0xd0: {  	[sflag:s7] =	ssyncset.done $0x0  }
0xd1: {  	[sflag:s7] =	ssyncadd.s32 $0xFFFFCE00  }
0xd2: {  	_ =	swait.ge [sflag:s7], $0x3200  }
0xd3: {  	[sflag:s7] =	ssyncset.done $0x0  }
0xd4: {  	[sflag:s7] =	ssyncadd.s32 $0xFFFFCE00  }
0xd5: {  	_ =	swait.ge [sflag:s7], $0x3200  }
0xd6: {  	[sflag:s7] =	ssyncset.done $0x0  }
0xd7: {  	s4 =	simm.s32 @!p1 $0x800;
	s3 =	simm.s32 @!p1 $0x64;
	[sflag:s7] =	ssyncadd.s32 $0xFFFFCE00  }
0xd8: {  	[tilespmem:s4], [sflag:$0x1] =	stream.indirect.gather @!p1 [hbm4b:s1+s3], $0x80, s10, s3, $0xb8;
	[tilespmem:$0x1C800] =	vst v63  }
0xd9: {  	s4 =	simm.s32 @!p1 $0x80;
	s10 =	simm.s32 @!p1 $0x3A00  }
0xda: {  	[tilespmem:s10], [sflag:$0x1] =	stream.indirect.gather @!p1 [hbm4b:s1+s3], $0x80, s4, s3, $0xb8;
	[tilespmem:$0x1C800] =	vst v63  }
0xdb: {  	s4 =	simm.s32 @!p1 $0x100;
	s10 =	simm.s32 @!p1 $0x6C00  }
0xdc: {  	[tilespmem:s10], [sflag:$0x1] =	stream.indirect.gather @!p1 [hbm4b:s1+s3], $0x80, s4, s3, $0xb8;
	[tilespmem:$0x1C800] =	vst v63  }
0xdd: {  	s4 =	simm.s32 @!p1 $0x180;
	s10 =	simm.s32 @!p1 $0x9E00  }
0xde: {  	[tilespmem:s10], [sflag:$0x1] =	stream.indirect.gather @!p1 [hbm4b:s1+s3], $0x80, s4, s3, $0xb8;
	[tilespmem:$0x1C800] =	vst v63  }
0xdf: {  	s12 =	simm.s32 $0x1C600  }
0xe0: {  	[spmem:s2] =	stream.indirect.scatter.add.f32 [tilespmem:s24], [sflag:$0x4], $0x80, s12, s22, $0xb8;
	[tilespmem:$0x1C800] =	vst v63  }
0xe1: {  	_ =	swait.ge [sflag:s17], $0x3200  }
0xe2: {  	[sflag:s17] =	ssyncset.done $0x0  }
0xe3: {  	s4 =	rddreg [dreg:$0x19];
	[sflag:s17] =	ssyncadd.s32 $0xFFFFCE00  }
0xe4: {  	[spmem:s2] =	stream.indirect.scatter.add.f32 [tilespmem:s26], [sflag:$0x4], $0x80, s4, s22, $0xb8;
	[tilespmem:$0x1C800] =	vst v63  }
0xe5: {  	_ =	swait.ge [sflag:s17], $0x3200  }
0xe6: {  	[sflag:s17] =	ssyncset.done $0x0  }
0xe7: {  	s10 =	rddreg [dreg:$0x1a];
	[sflag:s17] =	ssyncadd.s32 $0xFFFFCE00  }
0xe8: {  	[spmem:s2] =	stream.indirect.scatter.add.f32 [tilespmem:s29], [sflag:$0x4], $0x80, s10, s22, $0xb8;
	[tilespmem:$0x1C800] =	vst v63  }
0xe9: {  	_ =	swait.ge [sflag:s17], $0x3200  }
0xea: {  	[sflag:s17] =	ssyncset.done $0x0  }
0xeb: {  	s12 =	rddreg [dreg:$0x1b];
	[sflag:s17] =	ssyncadd.s32 $0xFFFFCE00  }
0xec: {  	[spmem:s2] =	stream.indirect.scatter.add.f32 [tilespmem:s6], [sflag:$0x4], $0x80, s12, s22, $0xb8;
	[tilespmem:$0x1C800] =	vst v63  }
0xed: {  	s10 =	simm.s32 $0x500;
	_ =	swait.ge [sflag:s17], $0x3200  }
.LBB2_2:
0xee: {  	[sflag:s17] =	ssyncset.done $0x0  }
0xef: {  	s15 =	sadd.s32 $0x100, s15;
	[sflag:s17] =	ssyncadd.s32 $0xFFFFCE00  }
0xf0: {  	[tilespmem:s31], [sflag:$0x4] =	stream.linear.gather [hbm4b:s15+s16], $0x400, $0x38;
	[tilespmem:$0x1C800] =	vst v63  }
0xf1: {  	_ =	swait.ge [sflag:s17], $0x400  }
0xf2: {  	[sflag:s17] =	ssyncset.done $0x0  }
0xf3: {  	[sflag:s17] =	ssyncadd.s32 $0xFFFFFC00  }
0xf4: {  	_ =	swait.ge [sflag:s0], $0x3200  }
0xf5: {  	[sflag:s0] =	ssyncset.done $0x0  }
0xf6: {  	[sflag:s0] =	ssyncadd.s32 $0xFFFFCE00  }
0xf7: {  	_ =	swait.ge [sflag:s0], $0x3200  }
0xf8: {  	[sflag:s0] =	ssyncset.done $0x0  }
0xf9: {  	[sflag:s0] =	ssyncadd.s32 $0xFFFFCE00  }
0xfa: {  	_ =	swait.ge [sflag:s0], $0x3200  }
0xfb: {  	[sflag:s0] =	ssyncset.done $0x0  }
0xfc: {  	[sflag:s0] =	ssyncadd.s32 $0xFFFFCE00  }
0xfd: {  	_ =	swait.ge [sflag:s0], $0x3200  }
0xfe: {  	[sflag:s0] =	ssyncset.done $0x0  }
0xff: {  	s3 =	rddreg [dreg:$0x5];
	[sflag:s0] =	ssyncadd.s32 $0xFFFFCE00  }
0x100: {  	[tilespmem:s24], [sflag:$0x2] =	stream.indirect.gather [hbm4b:s1+s22], $0x80, s3, s22, $0xb8;
	[tilespmem:$0x1C800] =	vst v63  }
0x101: {  	s12 =	smov.u32 s10;
	s4 =	rddreg [dreg:$0x6]  }
0x102: {  	[tilespmem:s26], [sflag:$0x2] =	stream.indirect.gather [hbm4b:s1+s22], $0x80, s4, s22, $0xb8;
	[tilespmem:$0x1C800] =	vst v63  }
0x103: {  	p1 =	seq.s32 s12, $0x0;
	s3 =	rddreg [dreg:$0x7]  }
0x104: {  	[tilespmem:s29], [sflag:$0x2] =	stream.indirect.gather [hbm4b:s1+s22], $0x80, s3, s22, $0xb8;
	[tilespmem:$0x1C800] =	vst v63  }
0x105: {  	s16 =	rddreg [dreg:$0x8];
	s3 =	simm.s32 @!p1 $0x3  }
0x106: {  	[tilespmem:s6], [sflag:$0x2] =	stream.indirect.gather [hbm4b:s1+s22], $0x80, s16, s22, $0xb8;
	[tilespmem:$0x1C800] =	vst v63  }
0x107: {  	_ =	swait.ge @!p1 [sflag:s3], $0x280  }
0x108: {  	[sflag:s3] =	ssyncset.done @!p1 $0x0  }
0x109: {  	[sflag:s3] =	ssyncadd.s32 @!p1 $0xFFFFFD80  }
0x10a: {  	[spmem:s8], [sflag:s13] =	dma.local [hbm:s5], $0x280  }
0x10b: {  	_ =	swait.ge [sflag:s17], $0x280  }
0x10c: {  	[sflag:s17] =	ssyncset.done $0x0  }
0x10d: {  	[sflag:s17] =	ssyncadd.s32 $0xFFFFFD80  }
0x10e: {  	[spmem:s2] =	stream.indirect.scatter.add.f32 [tilespmem:s23], [sflag:$0x4], $0x80, s18, s22, $0xb8;
	[tilespmem:$0x1C800] =	vst v63  }
0x10f: {  	_ =	swait.ge [sflag:s17], $0x3200  }
0x110: {  	[sflag:s17] =	ssyncset.done $0x0  }
0x111: {  	s18 =	rddreg [dreg:$0x9];
	[sflag:s17] =	ssyncadd.s32 $0xFFFFCE00  }
0x112: {  	[spmem:s2] =	stream.indirect.scatter.add.f32 [tilespmem:s25], [sflag:$0x4], $0x80, s18, s22, $0xb8;
	[tilespmem:$0x1C800] =	vst v63  }
0x113: {  	_ =	swait.ge [sflag:s17], $0x3200  }
0x114: {  	[sflag:s17] =	ssyncset.done $0x0  }
0x115: {  	s18 =	rddreg [dreg:$0xa];
	[sflag:s17] =	ssyncadd.s32 $0xFFFFCE00  }
0x116: {  	[spmem:s2] =	stream.indirect.scatter.add.f32 [tilespmem:s28], [sflag:$0x4], $0x80, s18, s22, $0xb8;
	[tilespmem:$0x1C800] =	vst v63  }
0x117: {  	_ =	swait.ge [sflag:s17], $0x3200  }
0x118: {  	[sflag:s17] =	ssyncset.done $0x0  }
0x119: {  	s18 =	rddreg [dreg:$0xb];
	[sflag:s17] =	ssyncadd.s32 $0xFFFFCE00  }
0x11a: {  	[spmem:s2] =	stream.indirect.scatter.add.f32 [tilespmem:s30], [sflag:$0x4], $0x80, s18, s22, $0xb8;
	[tilespmem:$0x1C800] =	vst v63  }
0x11b: {  	s4 =	sadd.s32 @!p1 s12, s14;
	s16 =	stileid.u32;
	_ =	swait.ge [sflag:s17], $0x3200  }
0x11c: {  	s4 =	sadd.s32 @!p1 $0xFFFFFD80, s4;
	s16 =	sshll.u32 @!p1 s16, $0x6;
	[sflag:s17] =	ssyncset.done $0x0  }
0x11d: {  	s16 =	sor.u32 @!p1 $0x1C03, s16;
	s18 =	sshrl.u32 @!p1 s11, $0x3;
	[sflag:s17] =	ssyncadd.s32 $0xFFFFCE00  }
0x11e: {  	[hbm:s4], [sflag:s16] =	dma.local @!p1 [spmem:s18], $0x280  }
0x11f: {  	_ =	swait.ge [sflag:s7], $0x3200  }
0x120: {  	[sflag:s7] =	ssyncset.done $0x0  }
0x121: {  	[sflag:s7] =	ssyncadd.s32 $0xFFFFCE00  }
0x122: {  	_ =	swait.ge [sflag:s7], $0x3200  }
0x123: {  	[sflag:s7] =	ssyncset.done $0x0  }
0x124: {  	[sflag:s7] =	ssyncadd.s32 $0xFFFFCE00  }
0x125: {  	_ =	swait.ge [sflag:s7], $0x3200  }
0x126: {  	[sflag:s7] =	ssyncset.done $0x0  }
0x127: {  	[sflag:s7] =	ssyncadd.s32 $0xFFFFCE00  }
0x128: {  	_ =	swait.ge [sflag:s7], $0x3200  }
0x129: {  	[sflag:s7] =	ssyncset.done $0x0  }
0x12a: {  	[sflag:s7] =	ssyncadd.s32 $0xFFFFCE00  }
0x12b: {  	[tilespmem:s23], [sflag:$0x1] =	stream.indirect.gather [hbm4b:s1+s22], $0x80, s31, s22, $0xb8;
	[tilespmem:$0x1C800] =	vst v63  }
0x12c: {  	s4 =	rddreg [dreg:$0xc]  }
0x12d: {  	[tilespmem:s25], [sflag:$0x1] =	stream.indirect.gather [hbm4b:s1+s22], $0x80, s4, s22, $0xb8;
	[tilespmem:$0x1C800] =	vst v63  }
0x12e: {  	s16 =	rddreg [dreg:$0xd]  }
0x12f: {  	[tilespmem:s28], [sflag:$0x1] =	stream.indirect.gather [hbm4b:s1+s22], $0x80, s16, s22, $0xb8;
	[tilespmem:$0x1C800] =	vst v63  }
0x130: {  	s18 =	rddreg [dreg:$0xe]  }
0x131: {  	[tilespmem:s30], [sflag:$0x1] =	stream.indirect.gather [hbm4b:s1+s22], $0x80, s18, s22, $0xb8;
	[tilespmem:$0x1C800] =	vst v63  }
0x132: {  	_ = 	snop  }
0x133: {  	[spmem:s2] =	stream.indirect.scatter.add.f32 [tilespmem:s24], [sflag:$0x4], $0x80, s19, s22, $0xb8;
	[tilespmem:$0x1C800] =	vst v63  }
0x134: {  	_ =	swait.ge [sflag:s17], $0x3200  }
0x135: {  	[sflag:s17] =	ssyncset.done $0x0  }
0x136: {  	s16 =	rddreg [dreg:$0xf];
	[sflag:s17] =	ssyncadd.s32 $0xFFFFCE00  }
0x137: {  	[spmem:s2] =	stream.indirect.scatter.add.f32 [tilespmem:s26], [sflag:$0x4], $0x80, s16, s22, $0xb8;
	[tilespmem:$0x1C800] =	vst v63  }
0x138: {  	_ =	swait.ge [sflag:s17], $0x3200  }
0x139: {  	[sflag:s17] =	ssyncset.done $0x0  }
0x13a: {  	s18 =	rddreg [dreg:$0x10];
	[sflag:s17] =	ssyncadd.s32 $0xFFFFCE00  }
0x13b: {  	[spmem:s2] =	stream.indirect.scatter.add.f32 [tilespmem:s29], [sflag:$0x4], $0x80, s18, s22, $0xb8;
	[tilespmem:$0x1C800] =	vst v63  }
0x13c: {  	_ =	swait.ge [sflag:s17], $0x3200  }
0x13d: {  	[sflag:s17] =	ssyncset.done $0x0  }
0x13e: {  	s19 =	rddreg [dreg:$0x11];
	[sflag:s17] =	ssyncadd.s32 $0xFFFFCE00  }
0x13f: {  	[spmem:s2] =	stream.indirect.scatter.add.f32 [tilespmem:s6], [sflag:$0x4], $0x80, s19, s22, $0xb8;
	[tilespmem:$0x1C800] =	vst v63  }
0x140: {  	p2 =	seq.s32 s12, $0x9B00;
	_ =	swait.ge [sflag:s17], $0x3200  }
0x141: {  	s4 =	simm.s32 @!p2 $0x0;
	[sflag:s17] =	ssyncset.done $0x0  }
0x142: {  	s16 =	sadd.s32 @!p2 $0x80, s15;
	s18 =	simm.s32 @!p2 $0x4;
	[sflag:s17] =	ssyncadd.s32 $0xFFFFCE00  }
0x143: {  	[tilespmem:s4], [sflag:$0x4] =	stream.linear.gather @!p2 [hbm4b:s16+s4], $0x400, $0x38;
	[tilespmem:$0x1C800] =	vst v63  }
0x144: {  	_ =	swait.ge @!p2 [sflag:s18], $0x400  }
0x145: {  	[sflag:s18] =	ssyncset.done @!p2 $0x0  }
0x146: {  	[sflag:s18] =	ssyncadd.s32 @!p2 $0xFFFFFC00  }
0x147: {  	_ =	swait.ge [sflag:s0], $0x3200  }
0x148: {  	[sflag:s0] =	ssyncset.done $0x0  }
0x149: {  	[sflag:s0] =	ssyncadd.s32 $0xFFFFCE00  }
0x14a: {  	_ =	swait.ge [sflag:s0], $0x3200  }
0x14b: {  	[sflag:s0] =	ssyncset.done $0x0  }
0x14c: {  	[sflag:s0] =	ssyncadd.s32 $0xFFFFCE00  }
0x14d: {  	_ =	swait.ge [sflag:s0], $0x3200  }
0x14e: {  	[sflag:s0] =	ssyncset.done $0x0  }
0x14f: {  	[sflag:s0] =	ssyncadd.s32 $0xFFFFCE00  }
0x150: {  	_ =	swait.ge [sflag:s0], $0x3200  }
0x151: {  	[sflag:s0] =	ssyncset.done $0x0  }
0x152: {  	s16 =	rddreg [dreg:$0x12];
	[sflag:s0] =	ssyncadd.s32 $0xFFFFCE00  }
0x153: {  	[tilespmem:s24], [sflag:$0x2] =	stream.indirect.gather [hbm4b:s1+s22], $0x80, s16, s22, $0xb8;
	[tilespmem:$0x1C800] =	vst v63  }
0x154: {  	s18 =	rddreg [dreg:$0x13]  }
0x155: {  	[tilespmem:s26], [sflag:$0x2] =	stream.indirect.gather [hbm4b:s1+s22], $0x80, s18, s22, $0xb8;
	[tilespmem:$0x1C800] =	vst v63  }
0x156: {  	s19 =	rddreg [dreg:$0x14]  }
0x157: {  	[tilespmem:s29], [sflag:$0x2] =	stream.indirect.gather [hbm4b:s1+s22], $0x80, s19, s22, $0xb8;
	[tilespmem:$0x1C800] =	vst v63  }
0x158: {  	s16 =	rddreg [dreg:$0x15]  }
0x159: {  	[tilespmem:s6], [sflag:$0x2] =	stream.indirect.gather [hbm4b:s1+s22], $0x80, s16, s22, $0xb8;
	[tilespmem:$0x1C800] =	vst v63  }
0x15a: {  	_ =	swait.ge @!p1 [sflag:s3], $0x280  }
0x15b: {  	[sflag:s3] =	ssyncset.done @!p1 $0x0  }
0x15c: {  	[sflag:s3] =	ssyncadd.s32 @!p1 $0xFFFFFD80  }
0x15d: {  	[spmem:s9], [sflag:s13] =	dma.local [hbm:s5], $0x280  }
0x15e: {  	_ =	swait.ge [sflag:s17], $0x280  }
0x15f: {  	[sflag:s17] =	ssyncset.done $0x0  }
0x160: {  	[sflag:s17] =	ssyncadd.s32 $0xFFFFFD80  }
0x161: {  	[spmem:s2] =	stream.indirect.scatter.add.f32 [tilespmem:s23], [sflag:$0x4], $0x80, s21, s22, $0xb8;
	[tilespmem:$0x1C800] =	vst v63  }
0x162: {  	_ =	swait.ge [sflag:s17], $0x3200  }
0x163: {  	[sflag:s17] =	ssyncset.done $0x0  }
0x164: {  	s16 =	rddreg [dreg:$0x16];
	[sflag:s17] =	ssyncadd.s32 $0xFFFFCE00  }
0x165: {  	[spmem:s2] =	stream.indirect.scatter.add.f32 [tilespmem:s25], [sflag:$0x4], $0x80, s16, s22, $0xb8;
	[tilespmem:$0x1C800] =	vst v63  }
0x166: {  	_ =	swait.ge [sflag:s17], $0x3200  }
0x167: {  	[sflag:s17] =	ssyncset.done $0x0  }
0x168: {  	s18 =	rddreg [dreg:$0x17];
	[sflag:s17] =	ssyncadd.s32 $0xFFFFCE00  }
0x169: {  	[spmem:s2] =	stream.indirect.scatter.add.f32 [tilespmem:s28], [sflag:$0x4], $0x80, s18, s22, $0xb8;
	[tilespmem:$0x1C800] =	vst v63  }
0x16a: {  	_ =	swait.ge [sflag:s17], $0x3200  }
0x16b: {  	[sflag:s17] =	ssyncset.done $0x0  }
0x16c: {  	s16 =	rddreg [dreg:$0x18];
	[sflag:s17] =	ssyncadd.s32 $0xFFFFCE00  }
0x16d: {  	[spmem:s2] =	stream.indirect.scatter.add.f32 [tilespmem:s30], [sflag:$0x4], $0x80, s16, s22, $0xb8;
	[tilespmem:$0x1C800] =	vst v63  }
0x16e: {  	_ =	swait.ge [sflag:s17], $0x3200  }
0x16f: {  	[sflag:s17] =	ssyncset.done $0x0  }
0x170: {  	s18 =	sadd.s32 s12, s14;
	[sflag:s17] =	ssyncadd.s32 $0xFFFFCE00  }
0x171: {  	[hbm:s18], [sflag:s20] =	dma.local [spmem:s8], $0x280  }
0x172: {  	_ =	swait.ge [sflag:s7], $0x3200  }
0x173: {  	[sflag:s7] =	ssyncset.done $0x0  }
0x174: {  	[sflag:s7] =	ssyncadd.s32 $0xFFFFCE00  }
0x175: {  	_ =	swait.ge [sflag:s7], $0x3200  }
0x176: {  	[sflag:s7] =	ssyncset.done $0x0  }
0x177: {  	[sflag:s7] =	ssyncadd.s32 $0xFFFFCE00  }
0x178: {  	_ =	swait.ge [sflag:s7], $0x3200  }
0x179: {  	[sflag:s7] =	ssyncset.done $0x0  }
0x17a: {  	[sflag:s7] =	ssyncadd.s32 $0xFFFFCE00  }
0x17b: {  	_ =	swait.ge [sflag:s7], $0x3200  }
0x17c: {  	[sflag:s7] =	ssyncset.done $0x0  }
0x17d: {  	s3 =	simm.s32 @!p2 $0x64;
	s12 =	simm.s32 @!p2 $0x800;
	[sflag:s7] =	ssyncadd.s32 $0xFFFFCE00  }
0x17e: {  	[tilespmem:s12], [sflag:$0x1] =	stream.indirect.gather @!p2 [hbm4b:s1+s3], $0x80, s4, s3, $0xb8;
	[tilespmem:$0x1C800] =	vst v63  }
0x17f: {  	s16 =	simm.s32 @!p2 $0x80;
	s18 =	simm.s32 @!p2 $0x3A00  }
0x180: {  	[tilespmem:s18], [sflag:$0x1] =	stream.indirect.gather @!p2 [hbm4b:s1+s3], $0x80, s16, s3, $0xb8;
	[tilespmem:$0x1C800] =	vst v63  }
0x181: {  	s4 =	simm.s32 @!p2 $0x100;
	s12 =	simm.s32 @!p2 $0x6C00  }
0x182: {  	[tilespmem:s12], [sflag:$0x1] =	stream.indirect.gather @!p2 [hbm4b:s1+s3], $0x80, s4, s3, $0xb8;
	[tilespmem:$0x1C800] =	vst v63  }
0x183: {  	s16 =	simm.s32 @!p2 $0x180;
	s18 =	simm.s32 @!p2 $0x9E00  }
0x184: {  	[tilespmem:s18], [sflag:$0x1] =	stream.indirect.gather @!p2 [hbm4b:s1+s3], $0x80, s16, s3, $0xb8;
	[tilespmem:$0x1C800] =	vst v63  }
0x185: {  	s4 =	simm.s32 $0x1C600  }
0x186: {  	[spmem:s2] =	stream.indirect.scatter.add.f32 [tilespmem:s24], [sflag:$0x4], $0x80, s4, s22, $0xb8;
	[tilespmem:$0x1C800] =	vst v63  }
0x187: {  	_ =	swait.ge [sflag:s17], $0x3200  }
0x188: {  	[sflag:s17] =	ssyncset.done $0x0  }
0x189: {  	s3 =	rddreg [dreg:$0x19];
	[sflag:s17] =	ssyncadd.s32 $0xFFFFCE00  }
0x18a: {  	[spmem:s2] =	stream.indirect.scatter.add.f32 [tilespmem:s26], [sflag:$0x4], $0x80, s3, s22, $0xb8;
	[tilespmem:$0x1C800] =	vst v63  }
0x18b: {  	_ =	swait.ge [sflag:s17], $0x3200  }
0x18c: {  	s10 =	sadd.s32 $0x500, s10;
	[sflag:s17] =	ssyncset.done $0x0  }
0x18d: {  	p0 =	sne.s32 s10, $0xA000;
	s3 =	rddreg [dreg:$0x1a];
	[sflag:s17] =	ssyncadd.s32 $0xFFFFCE00  }
0x18e: {  	[spmem:s2] =	stream.indirect.scatter.add.f32 [tilespmem:s29], [sflag:$0x4], $0x80, s3, s22, $0xb8;
	[tilespmem:$0x1C800] =	vst v63  }
.Ltmp0:
0x18f: {  	_ =	swait.ge [sflag:s17], $0x3200;
	(pc) =	sbr.rel @p0 .LBB2_2-.Ltmp0, $4  }
0x190: {  	s19 =	simm.s32 $0x1C200;
	[sflag:s17] =	ssyncset.done $0x0  }
0x191: {  	s12 =	stileid.u32;
	s3 =	rddreg [dreg:$0x1b];
	[sflag:s17] =	ssyncadd.s32 $0xFFFFCE00  }
0x192: {  	[spmem:s2] =	stream.indirect.scatter.add.f32 [tilespmem:s6], [sflag:$0x4], $0x80, s3, s22, $0xb8;
	[tilespmem:$0x1C800] =	vst v63  }
0x193: {  	s18 =	simm.s32 $0x1C000;
	s16 =	simm.s32 $0x0;
	_ =	swait.ge [sflag:s17], $0x3200  }
0x194: {  	[sflag:s17] =	ssyncset.done $0x0  }
0x195: {  	s3 =	simm.s32 $0x3;
	[sflag:s17] =	ssyncadd.s32 $0xFFFFCE00  }
0x196: {  	_ =	swait.ge [sflag:s3], $0x280  }
0x197: {  	[sflag:s3] =	ssyncset.done $0x0  }
0x198: {  	[sflag:s3] =	ssyncadd.s32 $0xFFFFFD80  }
0x199: {  	[spmem:s8], [sflag:s13] =	dma.local [hbm:s5], $0x280  }
0x19a: {  	_ =	swait.ge [sflag:s17], $0x280  }
0x19b: {  	[sflag:s17] =	ssyncset.done $0x0  }
0x19c: {  	[sflag:s17] =	ssyncadd.s32 $0xFFFFFD80  }
0x19d: {  	[spmem:s8], [sflag:s13] =	dma.local [hbm:s5], $0x280  }
0x19e: {  	_ =	swait.ge [sflag:s17], $0x280  }
0x19f: {  	s10 =	sld [smem:$0x7FA]  }
0x1a0: {  	[sflag:s17] =	ssyncset.done $0x0  }
0x1a1: {  	[sflag:s17] =	ssyncadd.s32 $0xFFFFFD80  }
0x1a2: {  	[hbm:s10], [sflag:s13] =	dma.local [spmem:s9], $0x280  }
0x1a3: {  	_ =	swait.ge [sflag:s17], $0x280  }
0x1a4: {  	s15 =	sld [smem:$0x7F8]  }
0x1a5: {  	s20 =	sld [smem:$0x7FB];
	_ =	sdelay $0x1  }
0x1a6: {  	s8 =	sadd.s32 $0x1, s15  }
0x1a7: {  	p0 =	sne.s32 s8, s20  }
.Ltmp1:
0x1a8: {  	_ = 	snop;
	(pc) =	sbr.rel @p0 .LBB2_1-.Ltmp1, $3  }
0x1a9: {  	_ =	sdelay $0x1  }
0x1aa: {  	[sflag:s17] =	ssyncset.done $0x0  }
0x1ab: {  	[sflag:s17] =	ssyncadd.s32 $0xFFFFFD80;
	s20 =	simm.s32 $0x1C400  }
0x1ac: {  	_ =	sfence.sel $0x180000  }
0x1ad: {  	[bflag:$0x0] =	sbarrier.arrive $0xFFFF  }
0x1ae: {  	_ =	strace $0x90000047  }
0x1af: {  	[bflag:$0x2] =	sbarrier.arrive $0xFFFF  }
0x1b0: {  	p0 =	sne.s32 s12, $0x0;
	s0 =	rddreg [dreg:$0x4]  }
0x1b1: {  	s0 =	sadd.s32 @!p0 $0x100000, s0  }
0x1b2: {  	[sflag:s0] =	ssyncadd.tile.s32 @!p0 $0x1;
	_ =	shalt  }
.Lfunc_end2:
_tile_overlayer_lowered:
.L_overlay_start_2:
0x1b3: {  	(tag) =	ssettag $0x2  }
0x1b4: {  	s0 =	rddreg [dreg:$0x0];
	s2 =	stileid.u32  }
0x1b5: {  	s1 =	rddreg [dreg:$0x1];
	p0 =	sne.s32 s2, $0x0  }
0x1b6: {  	s3 =	rddreg [dreg:$0x2];
	[bflag:$0x3] =	sbarrier.arrive $0xFFFF;
	s2 =	simm.s32 @!p0 $0x1C04  }
0x1b7: {  	[timem:s3], [sflag:s2] =	dma.local @!p0 [hbm:s0], s1  }
0x1b8: {  	s0 =	simm.s32 @!p0 $0x4  }
0x1b9: {  	_ =	swait.ge @!p0 [sflag:s0], s1  }
0x1ba: {  	s1 =	ssub.s32 @!p0 $0x0, s1;
	[sflag:s0] =	ssyncset.done @!p0 $0x0  }
0x1bb: {  	[sflag:s0] =	ssyncadd.s32 @!p0 s1  }
0x1bc: {  	[bflag:$0x3] =	sbarrier.arrive $0xFFFF  }
0x1bd: {  	_ =	shalt  }

// kernel: sparse-core-data-format-call.cloned.1.call-start
scs
called_computation_lowered:
.L_overlay_start_0:
0x0: {  	s2 =	sld [smem:$0x3FD9]  }
0x1: {  	s3 =	sld [smem:$0x3FFE];
	_ =	sdelay $0x1  }
0x2: {  	s1 =	srdreg.scid  }
0x3: {  	s0 =	sand.u32 $0x1, s1  }
0x4: {  	s18 =	sshll.u32 s0, $0xA;
	s2 =	sadd.s32 s3, s2  }
0x5: {  	s2 =	sadd.s32 s2, s18  }
0x6: {  	[smem:$0x3FC5] =	sst s2  }
0x7: {  	_ = 	snop  }
0x8: {  	s2 =	sld [smem:$0x3FD0];
	(tm) =	ssettm $0x1  }
0x9: {  	s19 =	sld [smem:$0x3FFB];
	_ =	sdelay $0x3  }
0xa: {  	_ =	strace s19  }
0xb: {  	s3 =	sld [smem:$0x3FFC];
	_ =	sdelay $0x3  }
0xc: {  	_ =	strace s3  }
0xd: {  	s3 =	sld [smem:$0x3FFD];
	_ =	sdelay $0x3  }
0xe: {  	_ =	strace s3  }
0xf: {  	_ =	strace $0x8FFFFFFF  }
0x10: {  	s20 =	sld [smem:$0x3FDB];
	_ =	sdelay $0x1  }
0x11: {  	s4 =	simm.s32 $_scs_section_size  }
0x12: {  	s5 =	simm.s32 $_size__tile_overlayer_lowered;
	s6 =	simm.s32 $_tile_overlayer_lowered  }
0x13: {  	s23 =	simm.s32 $0x1BFF;
	s22 =	sshll.u32 s6, $0x1;
	s3 =	sadd.s32 s4, s20  }
0x14: {  	s7 =	simm.s32 $0x0;
	s21 =	sshll.u32 s5, $0x1;
	s5 =	sadd.s32 s22, s3  }
0x15: {  	[timem:s7], [sflag:s23] =	dma.local [hbm:s5], s21  }
0x16: {  	_ =	swait.ge [sflag:s23], s21  }
0x17: {  	s4 =	ssub.s32 $0x0, s21;
	[sflag:s23] =	ssyncset.done $0x0  }
0x18: {  	[sflag:s23] =	ssyncadd.s32 s4;
	_ =	sdelay $0x1  }
0x19: {  	s24 =	simm.s32 $0x1B8B  }
0x1a: {  	_ =	swait.ge [sflag:s24], $0x1  }
0x1b: {  	[sflag:s24] =	ssyncset.done $0x0  }
0x1c: {  	s26 =	simm.s32 $0x1B8E;
	s25 =	sld [smem:$0x3FFE];
	[sflag:s24] =	ssyncadd.s32 $0xFFFFFFFF  }
0x1d: {  	s27 =	simm.s32 $execute0_lowered;
	[smem:$0x3FD2] =	sst s26  }
0x1e: {  	s5 =	sshll.u32 s27, $0x1;
	_ =	strace $0x80000049;
	[dreg:$0x1] =	wrdreg $0xFFFFFFFF  }
0x1f: {  	s28 =	simm.s32 $_size_execute0_lowered;
	s3 =	sadd.s32 s3, s5;
	[dreg:$0x0] =	wrdreg $0x0  }
0x20: {  	s5 =	sshll.u32 s28, $0x1;
	[dreg:$0x2] =	wrdreg s3  }
0x21: {  	[dreg:$0x3] =	wrdreg s5  }
0x22: {  	[dreg:$0x4] =	wrdreg $0xC0  }
0x23: {  	_ =	task [dreg:s7], $0x5FFFF  }
0x24: {  	[dreg:$0x1] =	wrdreg $0xFFFFFFFF  }
0x25: {  	[dreg:$0x0] =	wrdreg $0x60  }
0x26: {  	[dreg:$0x2] =	wrdreg s25  }
0x27: {  	[dreg:$0x3] =	wrdreg s2  }
0x28: {  	[dreg:$0x4] =	wrdreg $0x9  }
0x29: {  	_ =	task.clear_ibuf [dreg:s7], $0x5FFFF;
	_ =	strace $0x90000049  }
0x2a: {  	s29 =	simm.s32 $0x9;
	_ =	strace $0x8000004B  }
0x2b: {  	_ =	swait.ge [sflag:s29], $0x1  }
0x2c: {  	[sflag:s29] =	ssyncadd.s32 $0xFFFFFFFF  }
0x2d: {  	_ =	strace $0x9000004B  }
0x2e: {  	_ =	sfence  }
0x2f: {  	s30 =	sld [smem:$0x0];
	_ =	sdelay $0x2  }
0x30: {  	s31 =	sshll.u32 s1, $0xD;
	s1 =	sshrl.u32 s1, $0x2  }
0x31: {  	s3 =	sand.u32 $0x4000, s31;
	s1 =	sadd.s32 s1, s30  }
0x32: {  	s0 =	sor.u32 s3, s0;
	s1 =	sshll.u32 s1, $0x11  }
0x33: {  	s0 =	sor.u32 s1, s0  }
0x34: {  	s0 =	sadd.s32 $0x8F2B, s0  }
0x35: {  	[sflag:s0] =	ssyncadd.remote.s32 $0x1  }
0x36: {  	_ =	sfence.sel $0xFFFF  }
0x37: {  	[dreg:$0x0] =	wrdreg $0xFFFFFFFF;
	(pc) =	sbr.abs _section_cstart, $3  }
0x38: {  	[dreg:$0x1] =	wrdreg $0xFFFFFFFF  }
0x39: {  	_ =	task.clear_ibuf [dreg:s7], $0x2FFFF;
	_ =	strace $0x9FFFFFFF  }
0x3a: {  	(tm) =	ssettm $0x7FFFFFFF  }
0x3b: {  	_ =	shalt  }
tec
execute0_lowered:
.L_overlay_start_1:
0x0: {  	(tag) =	ssettag $0x1  }
0x1: {  	s0 =	srdreg.scid  }
0x2: {  	s1 =	sshll.u32 s0, $0x4  }
0x3: {  	s0 =	stileid.u32;
	s1 =	sand.u32 $0x10, s1  }
0x4: {  	s6 =	rddreg [dreg:$0x0];
	s1 =	sor.u32 s0, s1  }
0x5: {  	s4 =	simm.s32 $0x1;
	s7 =	simm.s32 $0x2;
	s2 =	sshll.u32 s1, $0x5  }
0x6: {  	s14 =	simm.s32 $0x0;
	s8 =	simm.s32 $0x1000;
	s1 =	ssub.s32 $0x1000, s2  }
0x7: {  	s9 =	simm.s32 $0x80000;
	s10 =	simm.s32 $0x0;
	s3 =	sand.u32 $0x3E0, s1  }
0x8: {  	s15 =	simm.s32 $0x0;
	s5 =	sshrl.u32 s1, $0xA;
	p0 =	sne.s32 s3, $0x0  }
.Ltmp0:
0x9: {  	s1 =	rddreg [dreg:$0x2];
	s4 =	simm.s32 @!p0 $0x0;
	(pc) =	sbr.rel .LBB1_1-.Ltmp0, $4  }
0xa: {  	s11 =	simm.s32 $0x0;
	s3 =	rddreg [dreg:$0x1];
	s5 =	sadd.s32 s4, s5  }
0xb: {  	_ =	strace $0x8000004A;
	s4 =	simm.s32 $0x1;
	s5 =	smul.u32 $0x5, s5  }
0xc: {  	s13 =	simm.s32 $0x0;
	s6 =	sadd.s32 $0x800, s6;
	[sflag:s4] =	ssyncpa.u1 $0x0  }
0xd: {  	s12 =	smov.u32 s2;
	[sflag:s7] =	ssyncpa.u1 $0x0;
	s7 =	sadd.s32 $0x1, s5  }
.LBB1_7:
0xe: {  	s16 =	sadd.s32 $0x4, s11  }
0xf: {  	s14 =	sadd.s32 $0x400, s12;
	s18 =	smov.u32 s12;
	p1 =	sgt.s32 s16, $0x13  }
0x10: {  	s18 =	smov.u32 @p1 s14  }
0x11: {  	s16 =	simm.s32 @p1 $0x0;
	p1 =	sgt.s32 s18, $0xFFF  }
0x12: {  	s18 =	smov.u32 @p1 s2;
	p1 =	sne.s32 s13, s7  }
.Ltmp1:
0x13: {  	p0 =	slt.u32 s13, $0x2;
	(pc) =	sbr.rel @!p1 .LBB1_8-.Ltmp1, $4  }
0x14: {  	s17 =	simm.s32 @!p0 $0x2  }
0x15: {  	s15 =	smov.u32 s12;
	s10 =	sadd.s32 $0x4000, s10;
	_ =	swait.ge @!p0 [sflag:s17], $0x4000  }
0x16: {  	s14 =	smov.u32 s11;
	[sflag:s17] =	ssyncset.done @!p0 $0x0;
	s11 =	smov.u32 s16  }
0x17: {  	s13 =	sadd.s32 $0x1, s13;
	[sflag:s17] =	ssyncadd.s32 @!p0 $0xFFFFC000;
	s12 =	smov.u32 s18  }
.LBB1_1:
0x18: {  	p0 =	sge.u32 s13, s5  }
0x19: {  	s16 =	sand.u32 @!p0 $0x1FFFFFF, s11  }
0x1a: {  	s17 =	smulhi.u32 @!p0 $0xAAAAAAB, s16;
	_ =	sdelay $0x1  }
0x1b: {  	s17 =	smul.u32 @!p0 $0x18, s17  }
0x1c: {  	s18 =	sxor.u32 @!p0 $0xFFFFFFFF, s13;
	s19 =	smul.u32 @!p0 $0x180, s12  }
0x1d: {  	s31 =	sadd.s32 $0xFFFFFFFF, s13;
	s18 =	sshll.u32 @!p0 s18, $0xE;
	s16 =	ssub.s32 @!p0 s16, s17  }
0x1e: {  	s17 =	sand.u32 @!p0 $0x4000, s18;
	s18 =	sadd.s32 @!p0 s6, s19;
	s16 =	sshll.u32 @!p0 s16, $0x4  }
0x1f: {  	s19 =	simm.s32 @!p0 $0xC00;
	s16 =	sadd.s32 @!p0 s16, s18;
	s18 =	simm.s32 @!p0 $0x200  }
0x20: {  	[tilespmem:s17], [sflag:$0x1] =	stream.strided.gather @!p0 [hbm4b:s16+s18], $0x4000, s19, s18, $0x38;
	[tilespmem:$0x10000] =	vst v63  }
0x21: {  	p0 =	sge.u32 s31, s5  }
.Ltmp2:
0x22: {  	_ = 	snop;
	(pc) =	sbr.rel @p0 .LBB1_7-.Ltmp2, $1  }
0x23: {  	_ =	sdelay $0x3  }
0x24: {  	s17 =	sand.u32 $0x4000, s10  }
0x25: {  	_ =	swait.ge [sflag:s4], $0x4000;
	s19 =	sshll.u32 s13, $0xE;
	s16 =	sor.u32 $0x8040, s17  }
0x26: {  	s18 =	sor.u32 $0x40, s17;
	[sflag:s4] =	ssyncset.done $0x0;
	s31 =	sand.u32 $0x4000, s19  }
0x27: {  	s19 =	simm.s32 $0x0;
	[sflag:s4] =	ssyncadd.s32 $0xFFFFC000;
	s17 =	sor.u32 $0x8000, s31  }
.LBB1_3:
0x28: {  	v0 =	vmov s18;
	_ =	sdelay $0x3  }
0x29: {  	s21 =	simm.s32 $0x0  }
0x2a: {  	v6 =	vld.idx.msk [tilespmem:v0+s21+$0x30 ss:$0x1], $0xffff  }
0x2b: {  	v7 =	vld.idx.msk [tilespmem:v0+s21+$0xFFFFFFC0 ss:$0x1], $0xffff  }
0x2c: {  	v5 =	vld.idx.msk [tilespmem:v0+s21+$0xFFFFFFD0 ss:$0x1], $0xffff  }
0x2d: {  	v4 =	vld.idx.msk [tilespmem:v0+s21+$0xFFFFFFE0 ss:$0x1], $0xffff  }
0x2e: {  	v3 =	vld.idx.msk [tilespmem:v0+s21+$0xFFFFFFF0 ss:$0x1], $0xffff  }
0x2f: {  	v1 =	vld.idx.msk [tilespmem:v0+s21+$0x0 ss:$0x1], $0xffff  }
0x30: {  	v2 =	vld.idx.msk [tilespmem:v0+s21+$0x10 ss:$0x1], $0xffff;
	[tilespmem:s16+$0x30] =	vst v6  }
0x31: {  	s20 =	simm.s32 $0x80;
	s22 =	simm.s32 $0x400;
	[tilespmem:s16+$0xFFFFFFC0] =	vst v7;
	v6 =	vld.idx.msk [tilespmem:v0+s21+$0x20 ss:$0x1], $0xffff;
	s21 =	smov.u32 s16  }
.LBB1_4:
0x32: {  	p0 =	sne.s32 s22, $0x600;
	v7 =	vld.idx.msk [tilespmem:v0+s20+$0x30 ss:$0x1], $0xffff;
	[tilespmem:s21+$0xFFFFFFD0] =	vst v5  }
0x33: {  	v8 =	vld.idx.msk [tilespmem:v0+s20+$0xFFFFFFC0 ss:$0x1], $0xffff;
	[tilespmem:s21+$0xFFFFFFE0] =	vst v4  }
0x34: {  	v5 =	vld.idx.msk [tilespmem:v0+s20+$0xFFFFFFD0 ss:$0x1], $0xffff;
	[tilespmem:s21+$0xFFFFFFF0] =	vst v3  }
.Ltmp3:
0x35: {  	v4 =	vld.idx.msk [tilespmem:v0+s20+$0xFFFFFFE0 ss:$0x1], $0xffff;
	[tilespmem:s21+$0x0] =	vst v1;
	(pc) =	sbr.rel @p0 .LBB1_4-.Ltmp3, $4  }
0x36: {  	v3 =	vld.idx.msk [tilespmem:v0+s20+$0xFFFFFFF0 ss:$0x1], $0xffff;
	[tilespmem:s21+$0x10] =	vst v2  }
0x37: {  	v1 =	vld.idx.msk [tilespmem:v0+s20+$0x0 ss:$0x1], $0xffff;
	[tilespmem:s21+$0x20] =	vst v6;
	s21 =	sadd.s32 $0x1000, s21  }
0x38: {  	v2 =	vld.idx.msk [tilespmem:v0+s20+$0x10 ss:$0x1], $0xffff;
	[tilespmem:s21+$0x30] =	vst v7  }
0x39: {  	[tilespmem:s21+$0xFFFFFFC0] =	vst v8;
	v6 =	vld.idx.msk [tilespmem:v0+s20+$0x20 ss:$0x1], $0xffff;
	s20 =	sshra.s32 s22, $0x2;
	s22 =	sadd.s32 $0x200, s22  }
0x3a: {  	_ =	sdelay $0x2  }
0x3b: {  	[tilespmem:s21+$0xFFFFFFD0] =	vst v5  }
0x3c: {  	v56 =	vld.idx.msk [tilespmem:v0+s20+$0x30 ss:$0x1], $0xffff;
	[tilespmem:s21+$0xFFFFFFE0] =	vst v4  }
0x3d: {  	v57 =	vld.idx.msk [tilespmem:v0+s20+$0xFFFFFFC0 ss:$0x1], $0xffff;
	[tilespmem:s21+$0xFFFFFFF0] =	vst v3  }
0x3e: {  	v58 =	vld.idx.msk [tilespmem:v0+s20+$0xFFFFFFD0 ss:$0x1], $0xffff;
	[tilespmem:s21+$0x0] =	vst v1  }
0x3f: {  	v59 =	vld.idx.msk [tilespmem:v0+s20+$0xFFFFFFE0 ss:$0x1], $0xffff;
	[tilespmem:s21+$0x10] =	vst v2  }
0x40: {  	v60 =	vld.idx.msk [tilespmem:v0+s20+$0xFFFFFFF0 ss:$0x1], $0xffff;
	s31 =	sadd.s32 $0x1000, s21;
	[tilespmem:s21+$0x20] =	vst v6  }
0x41: {  	v61 =	vld.idx.msk [tilespmem:v0+s20+$0x0 ss:$0x1], $0xffff;
	[tilespmem:s31+$0x30] =	vst v56  }
0x42: {  	v62 =	vld.idx.msk [tilespmem:v0+s20+$0x10 ss:$0x1], $0xffff;
	s19 =	sadd.s32 $0x1, s19;
	[tilespmem:s31+$0xFFFFFFC0] =	vst v57  }
0x43: {  	v63 =	vld.idx.msk [tilespmem:v0+s20+$0x20 ss:$0x1], $0xffff;
	p0 =	sne.s32 s19, $0x20;
	[tilespmem:s31+$0xFFFFFFD0] =	vst v58  }
.Ltmp4:
0x44: {  	[tilespmem:s31+$0xFFFFFFE0] =	vst v59;
	(pc) =	sbr.rel @p0 .LBB1_3-.Ltmp4, $4  }
0x45: {  	[tilespmem:s31+$0xFFFFFFF0] =	vst v60  }
0x46: {  	[tilespmem:s31+$0x0] =	vst v61  }
0x47: {  	[tilespmem:s31+$0x10] =	vst v62  }
0x48: {  	s16 =	sadd.s32 $0x80, s16;
	s18 =	sadd.s32 $0x200, s18;
	[tilespmem:s31+$0x20] =	vst v63  }
.Ltmp5:
0x49: {  	s15 =	sshll.u32 s15, $0x4;
	(pc) =	sbr.rel .LBB1_7-.Ltmp5, $4  }
0x4a: {  	s15 =	sand.u32 $0xFFF0, s15  }
0x4b: {  	s14 =	sshll.u32 s14, $0x10;
	s15 =	sadd.s32 s3, s15  }
0x4c: {  	s14 =	sadd.s32 s14, s15  }
0x4d: {  	[hbm4b:s14+s8] =	stream.strided.scatter [tilespmem:s17], [sflag:$0x2], $0x4000, s9, s8, $0x38;
	[tilespmem:$0x10000] =	vst v63  }
.LBB1_8:
0x4e: {  	_ =	sfence.sel $0x180000  }
0x4f: {  	s2 =	simm.s32 $0x1;
	[bflag:$0x0] =	sbarrier.arrive $0xFFFF  }
0x50: {  	s31 =	simm.s32 $0x2;
	[sflag:s2] =	ssyncpa.u1 $0x1  }
0x51: {  	[sflag:s31] =	ssyncpa.u1 $0x1  }
0x52: {  	p0 =	sne.s32 s0, $0x0;
	_ =	strace $0x9000004A  }
0x53: {  	s0 =	sadd.s32 @!p0 $0x100000, s1;
	[bflag:$0x2] =	sbarrier.arrive $0xFFFF  }
0x54: {  	[sflag:s0] =	ssyncadd.tile.s32 @!p0 $0x1;
	_ =	shalt  }
.Lfunc_end1:
_tile_overlayer_lowered:
.L_overlay_start_2:
0x55: {  	(tag) =	ssettag $0x2  }
0x56: {  	s0 =	rddreg [dreg:$0x0];
	s2 =	stileid.u32  }
0x57: {  	s1 =	rddreg [dreg:$0x1];
	p0 =	sne.s32 s2, $0x0  }
0x58: {  	s3 =	rddreg [dreg:$0x2];
	[bflag:$0x3] =	sbarrier.arrive $0xFFFF;
	s2 =	simm.s32 @!p0 $0x1C01  }
0x59: {  	[timem:s3], [sflag:s2] =	dma.local @!p0 [hbm:s0], s1  }
0x5a: {  	s0 =	simm.s32 @!p0 $0x1  }
0x5b: {  	_ =	swait.ge @!p0 [sflag:s0], s1  }
0x5c: {  	s1 =	ssub.s32 @!p0 $0x0, s1;
	[sflag:s0] =	ssyncset.done @!p0 $0x0  }
0x5d: {  	[sflag:s0] =	ssyncadd.s32 @!p0 s1  }
0x5e: {  	[bflag:$0x3] =	sbarrier.arrive $0xFFFF  }
0x5f: {  	_ =	shalt  }

</sc_bundles>
